<compile_context>
chip_gen: v7x
topology: tpu7x:2x2x1
jax: 0.10.2.dev20260603
libtpu: 0.0.44.dev20260713+nightly
codegen_flags: <defaults>
</compile_context>

<pallas_src>
import functools

import jax
import jax.numpy as jnp
from jax import lax
from jax.experimental import pallas as pl
from jax.experimental.pallas import tpu as pltpu
from jax.experimental.pallas import tpu_sc as plsc

B, T, C, H, M = 2, 2048, 1024, 16, 8192
DH = C // H
TOPK = 3
BT = B * T

NC, NS = 2, 16
NW = NC * NS

F32 = jnp.float32
BF16 = jnp.bfloat16


_TB_A = 256


_NTT = T // _TB_A


def _qkv_body(x_ref, w_ref, q_ref, qh_ref, kh_ref, vh_ref, kv_ref):
    xx = x_ref[...].astype(BF16)
    qkv = jnp.dot(xx, w_ref[...].astype(BF16), preferred_element_type=F32)
    kk = qkv[:, C:2 * C]
    vv = qkv[:, 2 * C:]
    kv_ref[:, 0, :] = kk
    kv_ref[:, 1, :] = vv
    qkv_bf = qkv.astype(BF16)
    q_ref[...] = qkv_bf[:, :C]
    for h in range(H):
        qh_ref[0, h] = qkv_bf[:, h * DH:(h + 1) * DH]
        kh_ref[0, h] = qkv_bf[:, C + h * DH:C + (h + 1) * DH]
        vh_ref[0, h] = qkv_bf[:, 2 * C + h * DH:2 * C + (h + 1) * DH]


def _qkv_call(x2, W_attn):
    grid = (BT // _TB_A,)
    hspec = pl.BlockSpec((1, H, _TB_A, DH),
                         lambda i: (i // _NTT, 0, i % _NTT, 0))
    return pl.pallas_call(
        _qkv_body,
        grid=grid,
        in_specs=[
            pl.BlockSpec((_TB_A, C), lambda i: (i, 0)),
            pl.BlockSpec((C, 3 * C), lambda i: (0, 0)),
        ],
        out_specs=[
            pl.BlockSpec((_TB_A, C), lambda i: (i, 0)),
            hspec, hspec, hspec,
            pl.BlockSpec((_TB_A, 2, C), lambda i: (i, 0, 0)),
        ],
        out_shape=[
            jax.ShapeDtypeStruct((BT, C), BF16),
            jax.ShapeDtypeStruct((B, H, T, DH), BF16),
            jax.ShapeDtypeStruct((B, H, T, DH), BF16),
            jax.ShapeDtypeStruct((B, H, T, DH), BF16),
            jax.ShapeDtypeStruct((BT, 2, C), F32),
        ],
    )(x2, W_attn)


_TB_B = 256


def _sdpa_body(q_ref, k_ref, v_ref, y_ref):
    tt = pl.program_id(2)
    q = q_ref[0, 0]
    k = k_ref[0, 0]
    v = v_ref[0, 0]
    s = lax.dot_general(q, k, (((1,), (1,)), ((), ())),
                        preferred_element_type=F32)
    s = s * F32(1.0 / float(DH) ** 0.5)
    row = tt * _TB_B + lax.broadcasted_iota(jnp.int32, (_TB_B, T), 0)
    col = lax.broadcasted_iota(jnp.int32, (_TB_B, T), 1)
    s = jnp.where(col <= row, s, F32(-1e30))
    m = jnp.max(s, axis=1, keepdims=True)
    p = jnp.exp(s - m)
    l = jnp.sum(p, axis=1, keepdims=True)
    y = jnp.dot(p.astype(BF16), v, preferred_element_type=F32)
    y_ref[0, 0] = y / l


def _sdpa_call(qh, kh, vh):
    grid = (B, H, T // _TB_B)
    return pl.pallas_call(
        _sdpa_body,
        grid=grid,
        in_specs=[
            pl.BlockSpec((1, 1, _TB_B, DH), lambda b, h, tt: (b, h, tt, 0)),
            pl.BlockSpec((1, 1, T, DH), lambda b, h, tt: (b, h, 0, 0)),
            pl.BlockSpec((1, 1, T, DH), lambda b, h, tt: (b, h, 0, 0)),
        ],
        out_specs=pl.BlockSpec((1, 1, _TB_B, DH),
                               lambda b, h, tt: (b, h, tt, 0)),
        out_shape=jax.ShapeDtypeStruct((B, H, T, DH), F32),
    )(qh, kh, vh)


_TB_C = 256
_MB_C = 4096
_NM = M // _MB_C
def _knn_body(q_ref, mkv_ref, idx_ref):
    b = pl.program_id(0)
    mm = pl.program_id(1)
    tt = pl.program_id(2)
    rows = pl.ds(tt * _TB_C, _TB_C)
    q = q_ref[0]
    mk = mkv_ref[0]
    s = lax.dot_general(q, mk, (((1,), (1,)), ((), ())),
                        preferred_element_type=F32)
    gcol = mm * _MB_C + lax.broadcasted_iota(jnp.int32, (_TB_C, _MB_C), 1)

    tvals, tidxs = [], []
    for _r in range(TOPK):
        vmax = jnp.max(s, axis=1, keepdims=True)
        imax = jnp.min(jnp.where(s == vmax, gcol, M), axis=1, keepdims=True)
        tvals.append(vmax)
        tidxs.append(imax)
        s = jnp.where(gcol == imax, F32(-jnp.inf), s)
    newv = jnp.concatenate(tvals, axis=1)
    newi = jnp.concatenate(tidxs, axis=1)

    prevv = lax.bitcast_convert_type(idx_ref[0, rows, 0:3], F32)
    previ = idx_ref[0, rows, 3:6]
    prevv = jnp.where(mm == 0, F32(-jnp.inf), prevv)
    previ = jnp.where(mm == 0, jnp.int32(M), previ)
    allv = jnp.concatenate([newv, prevv], axis=1)
    alli = jnp.concatenate([newi, previ], axis=1)
    bvals, bidxs = [], []
    for _r in range(TOPK):
        vmax = jnp.max(allv, axis=1, keepdims=True)
        imin = jnp.min(jnp.where(allv == vmax, alli, M), axis=1,
                       keepdims=True)
        bvals.append(vmax)
        bidxs.append(imin)
        allv = jnp.where((allv == vmax) & (alli == imin), F32(-jnp.inf),
                         allv)
    bv = jnp.concatenate(bvals, axis=1)
    bi = jnp.concatenate(bidxs, axis=1)

    @pl.when(mm < _NM - 1)
    def _():
        idx_ref[0, rows, 0:3] = lax.bitcast_convert_type(bv, jnp.int32)
        idx_ref[0, rows, 3:6] = bi

    @pl.when(mm == _NM - 1)
    def _():
        gidx = bi + b * M
        idx_ref[0, rows, :] = jnp.concatenate([gidx, gidx, gidx[:, 0:2]],
                                              axis=1)


def _knn_call(q3, mem_kv):
    grid = (B, _NM, T // _TB_C)
    return pl.pallas_call(
        _knn_body,
        grid=grid,
        in_specs=[
            pl.BlockSpec((1, _TB_C, C), lambda b, mm, tt: (b, tt, 0)),
            pl.BlockSpec((1, _MB_C, C), lambda b, mm, tt: (b, mm, 0)),
        ],
        out_specs=pl.BlockSpec((1, T, 8), lambda b, mm, tt: (b, 0, 0)),
        out_shape=jax.ShapeDtypeStruct((B, T, 8), jnp.int32),
    )(q3, mem_kv)


_NIDX = B * T * TOPK
_ROWS_W = _NIDX // NW
_CHUNK = 24
_NCHUNK = _ROWS_W // _CHUNK


def _gather_body(table_hbm, idx_hbm, out_hbm, idx_v, rows_v, sem):
    wid = lax.axis_index("s") * NC + lax.axis_index("c")
    base = wid * _ROWS_W
    pltpu.sync_copy(idx_hbm.at[pl.ds(base, _ROWS_W)], idx_v)
    for ci in range(_NCHUNK):
        pltpu.async_copy(
            table_hbm.at[idx_v.at[pl.ds(ci * _CHUNK, _CHUNK)]],
            rows_v, sem).wait()
        pltpu.sync_copy(rows_v, out_hbm.at[pl.ds(base + ci * _CHUNK, _CHUNK)])


def _gather_call(table, idx_flat):
    mesh = plsc.VectorSubcoreMesh(core_axis_name="c", subcore_axis_name="s")
    k = pl.kernel(
        _gather_body,
        out_type=jax.ShapeDtypeStruct((_NIDX, 2, C), F32),
        mesh=mesh,
        scratch_types=[
            pltpu.VMEM((_ROWS_W,), jnp.int32),
            pltpu.VMEM((_CHUNK, 2, C), F32),
            pltpu.SemaphoreType.DMA,
        ],
    )
    return k(table, idx_flat)


_TB_E = 256


def _combine_body(q_ref, y_ref, g_ref, wp_ref, gate_ref, out_ref):
    q = q_ref[0].astype(F32)
    y = jnp.concatenate([y_ref[0, h] for h in range(H)], axis=1)

    r16 = lax.broadcasted_iota(jnp.int32, (C, H), 0) // DH
    c16 = lax.broadcasted_iota(jnp.int32, (C, H), 1)
    E16 = (r16 == c16).astype(BF16)
    r64 = lax.broadcasted_iota(jnp.int32, (H, C), 0)
    c64 = lax.broadcasted_iota(jnp.int32, (H, C), 1) // DH
    E64 = (r64 == c64).astype(BF16)

    logits = []
    for kk in range(TOPK):
        gk = g_ref[0, :, kk, 0, :]
        logits.append(jnp.dot((q * gk).astype(BF16), E16,
                              preferred_element_type=F32)
                      * F32(0.125))
    mx = jnp.maximum(jnp.maximum(logits[0], logits[1]), logits[2])
    ws = [jnp.exp(lg - mx) for lg in logits]
    denom = ws[0] + ws[1] + ws[2]
    acc = jnp.zeros((_TB_E, C), F32)
    for kk in range(TOPK):
        gv = g_ref[0, :, kk, 1, :]
        wexp = jnp.dot(ws[kk].astype(BF16), E64, preferred_element_type=F32)
        acc = acc + wexp * gv
    den_exp = jnp.dot(denom.astype(BF16), E64, preferred_element_type=F32)
    mem_qkv = acc / den_exp

    gate = gate_ref[0:1, :]
    combined = mem_qkv * gate + y * (1.0 - gate)
    out_ref[0] = jnp.dot(combined.astype(BF16), wp_ref[...].astype(BF16),
                         preferred_element_type=F32)


def _combine_call(q3, yh, g4, W_proj, gate_row):
    grid = (B, T // _TB_E)
    return pl.pallas_call(
        _combine_body,
        grid=grid,
        in_specs=[
            pl.BlockSpec((1, _TB_E, C), lambda b, tt: (b, tt, 0)),
            pl.BlockSpec((1, H, _TB_E, DH), lambda b, tt: (b, 0, tt, 0)),
            pl.BlockSpec((1, _TB_E, TOPK, 2, C),
                         lambda b, tt: (b, tt, 0, 0, 0)),
            pl.BlockSpec((C, C), lambda b, tt: (0, 0)),
            pl.BlockSpec((8, C), lambda b, tt: (0, 0)),
        ],
        out_specs=pl.BlockSpec((1, _TB_E, C), lambda b, tt: (b, tt, 0)),
        out_shape=jax.ShapeDtypeStruct((B, T, C), F32),
    )(q3, yh, g4, W_proj, gate_row)


def kernel(x, mem_kv, W_attn, W_proj, gate_bias):
    x2 = x.reshape(BT, C)
    q, qh, kh, vh, kvmem = _qkv_call(x2, W_attn)

    q3 = q.reshape(B, T, C)
    yh = _sdpa_call(qh, kh, vh)

    idx8 = _knn_call(q3, mem_kv[:, :, 0, :].astype(BF16))
    idx_flat = idx8[:, :, :TOPK].reshape(_NIDX)

    table = mem_kv.reshape(B * M, 2, C)
    g = _gather_call(table, idx_flat)
    g4 = g.reshape(B, T, TOPK, 2, C)

    gate_vec = jnp.repeat(gate_bias.reshape(H), DH)
    gate_row = jnp.broadcast_to(gate_vec, (8, C))

    out = _combine_call(q3, yh, g4, W_proj, gate_row)
    kv_memories = kvmem.reshape(B, T, 2, C)
    return out, kv_memories

# --- scband reference (transcript-rebuilt; emitter-appended) ---
"""Pipeline reference for scband-knnattention-25855703122719 (READ-ONLY COPY).

The authoritative reference and input builder live on the scoring server;
editing this copy changes nothing except your own understanding.
"""

import jax, jax.numpy as jnp
import numpy as np

B, T, C, H, M = 2, 2048, 1024, 16, 8192
DH = C // H
TOPK = 3


def setup_inputs(seed: int = 0) -> dict:
    key = jax.random.key(seed)
    ks = jax.random.split(key, 5)
    x = jax.random.normal(ks[0], (B, T, C), dtype=jnp.float32)
    mem_kv = jax.random.normal(ks[1], (B, M, 2, C), dtype=jnp.float32)
    W_attn = jax.random.normal(ks[2], (C, 3 * C), dtype=jnp.float32) * (1.0 / np.sqrt(C))
    W_proj = jax.random.normal(ks[3], (C, C), dtype=jnp.float32) * (1.0 / np.sqrt(C))
    gate_bias = jax.random.normal(ks[4], (H, 1, 1), dtype=jnp.float32)
    return {"x": x, "mem_kv": mem_kv, "W_attn": W_attn, "W_proj": W_proj, "gate_bias": gate_bias}


def _forward(x, mem_kv, W_attn, W_proj, gate_bias):
    b, t, c = x.shape
    h = gate_bias.shape[0]
    dh = c // h
    # c_attn (bias=False)
    qkv = x @ W_attn
    q, k, v = jnp.split(qkv, 3, axis=2)
    qh = q.reshape(b, t, h, dh).transpose(0, 2, 1, 3)
    kh = k.reshape(b, t, h, dh).transpose(0, 2, 1, 3)
    vh = v.reshape(b, t, h, dh).transpose(0, 2, 1, 3)
    # causal scaled dot product attention (dropout=0, eval)
    scale = 1.0 / np.sqrt(dh)
    att = jnp.einsum('bhtd,bhsd->bhts', qh, kh) * scale
    causal = jnp.tril(jnp.ones((t, t), dtype=bool))
    att = jnp.where(causal[None, None, :, :], att, jnp.float32(-1e30))
    att = jax.nn.softmax(att, axis=-1)
    y = jnp.einsum('bhts,bhsd->bhtd', att, vh)
    # KNN retrieval over stored kv memories (index.ntotal > 0 branch)
    queries = q  # rearrange(q,'b h t d -> b t (h d)') equals original q projection
    mem_keys = mem_kv[:, :, 0, :]  # [B, M, C]
    sims = jnp.einsum('btc,bmc->btm', queries, mem_keys)
    _, idx = jax.lax.top_k(sims, TOPK)  # [B, T, K]
    gathered = jax.vmap(lambda mk, ix: mk[ix])(mem_kv, idx)  # [B, T, K, 2, C]
    mem_k = gathered[..., 0, :]
    mem_v = gathered[..., 1, :]
    mem_k = mem_k.reshape(b, t, TOPK, h, dh).transpose(0, 3, 1, 2, 4)  # b h t k d
    mem_v = mem_v.reshape(b, t, TOPK, h, dh).transpose(0, 3, 1, 2, 4)
    mem_qk = jnp.einsum('bhtd,bhtkd->bhtk', qh, mem_k) * 0.125
    mem_qk = jax.nn.softmax(mem_qk, axis=-1)
    mem_qkv = jnp.einsum('bhtk,bhtkd->bhtd', mem_qk, mem_v)
    combined = mem_qkv * gate_bias + y * (1.0 - gate_bias)
    combined = combined.transpose(0, 2, 1, 3).reshape(b, t, c)
    out = combined @ W_proj
    # new kv memories to add to the index
    k_flat = kh.transpose(0, 2, 1, 3).reshape(b, t, c)
    v_flat = vh.transpose(0, 2, 1, 3).reshape(b, t, c)
    kv_memories = jnp.stack((k_flat, v_flat), axis=-2)  # [B, T, 2, C]
    return out, kv_memories


def reference(x, mem_kv, W_attn, W_proj, gate_bias):
    return _forward(x, mem_kv, W_attn, W_proj, gate_bias)

if __name__ == "__main__":
    import jax
    _d = setup_inputs()
    print(jax.jit(kernel)(*tuple(_d.values())))

</pallas_src>

<mosaic_0001>
#map = affine_map<(d0, d1) -> (0, 0, 0)>
#map1 = affine_map<(d0, d1) -> (0)>
module attributes {stable_mosaic.version = 14 : i64} {
  func.func @_gather_body(%arg0: i32, %arg1: i32, %arg2: memref<16384x2x1024xf32, #tpu.memory_space<hbm>>, %arg3: memref<12288xi32, #tpu.memory_space<hbm>>, %arg4: memref<12288x2x1024xf32, #tpu.memory_space<hbm>>, %arg5: memref<384xi32, #tpu.memory_space<vmem>>, %arg6: memref<24x2x1024xf32, #tpu.memory_space<vmem>>, %arg7: memref<!tpu.dma_semaphore, #tpu.memory_space<semaphore_mem>>) attributes {dimension_semantics = [#tpu.dimension_semantics<core_parallel>, #tpu.dimension_semantics<subcore_parallel>], iteration_bounds = array<i64: 2, 16>, scalar_prefetch = 0 : i64, scratch_operands = 3 : i64, tpu.core_type = #tpu.core_type<sc_vector_subcore>, window_params = [{transform_indices = #map}, {transform_indices = #map1}, {transform_indices = #map}]} {
    %mul3A = arith.constant 2 : i32
    %mul3A_0 = arith.muli %arg1, %mul3A : i32
    %add3A = arith.addi %mul3A_0, %arg0 : i32
    %mul3A_1 = arith.constant 384 : i32
    %mul3A_2 = arith.muli %add3A, %mul3A_1 : i32
    "tpu.region"() ({
      %run_scoped3A = tpu.sem_alloc : memref<!tpu.dma_semaphore, #tpu.memory_space<semaphore_mem>>
      %dma_start3A_225 = tpu.memref_slice %arg3[%mul3A_2] : memref<12288xi32, #tpu.memory_space<hbm>> -> memref<384xi32, #tpu.memory_space<hbm>>
      %dma_start3A_226 = tpu.memref_slice %arg3[%mul3A_2] : memref<12288xi32, #tpu.memory_space<hbm>> -> memref<384xi32, #tpu.memory_space<hbm>>
      tpu.enqueue_dma source(%dma_start3A_226 : memref<384xi32, #tpu.memory_space<hbm>>) target(%arg5 : memref<384xi32, #tpu.memory_space<vmem>>) target_semaphore(%run_scoped3A : memref<!tpu.dma_semaphore, #tpu.memory_space<semaphore_mem>>)
      %dma_wait3A_227 = tpu.memref_slice %arg3[%mul3A_2] : memref<12288xi32, #tpu.memory_space<hbm>> -> memref<384xi32, #tpu.memory_space<hbm>>
      %dma_wait3A_228 = tpu.memref_slice %arg3[%mul3A_2] : memref<12288xi32, #tpu.memory_space<hbm>> -> memref<384xi32, #tpu.memory_space<hbm>>
      tpu.wait_dma2 semaphore(%run_scoped3A : memref<!tpu.dma_semaphore, #tpu.memory_space<semaphore_mem>>) src(%dma_wait3A_228 : memref<384xi32, #tpu.memory_space<hbm>>) dst(%arg5 : memref<384xi32, #tpu.memory_space<vmem>>)
      tpu.yield
    }) : () -> ()
    %dma_start3A = arith.constant 0 : i32
    %dma_start3A_3 = tpu.memref_slice %arg5[%dma_start3A] : memref<384xi32, #tpu.memory_space<vmem>> -> memref<24xi32, #tpu.memory_space<vmem>>
    %dma_start3A_4 = arith.constant 0 : i32
    %dma_start3A_5 = arith.constant 0 : i32
    %dma_start3A_6 = arith.constant 0 : i32
    %dma_start3A_7 = tpu.memref_slice %arg2[%dma_start3A_4, %dma_start3A_5, %dma_start3A_6] : memref<16384x2x1024xf32, #tpu.memory_space<hbm>> -> memref<16384x2x1024xf32, #tpu.memory_space<hbm>>
    tpu.enqueue_indirect_dma source(%dma_start3A_7 : memref<16384x2x1024xf32, #tpu.memory_space<hbm>>) target(%arg6 : memref<24x2x1024xf32, #tpu.memory_space<vmem>>) offsets(%dma_start3A_3 : memref<24xi32, #tpu.memory_space<vmem>>) semaphore(%arg7 : memref<!tpu.dma_semaphore, #tpu.memory_space<semaphore_mem>>)
    %dma_wait3A = arith.constant 0 : i32
    %dma_wait3A_8 = tpu.memref_slice %arg5[%dma_wait3A] : memref<384xi32, #tpu.memory_space<vmem>> -> memref<24xi32, #tpu.memory_space<vmem>>
    %dma_wait3A_9 = arith.constant 0 : i32
    %dma_wait3A_10 = arith.constant 0 : i32
    %dma_wait3A_11 = arith.constant 0 : i32
    %dma_wait3A_12 = tpu.memref_slice %arg2[%dma_wait3A_9, %dma_wait3A_10, %dma_wait3A_11] : memref<16384x2x1024xf32, #tpu.memory_space<hbm>> -> memref<16384x2x1024xf32, #tpu.memory_space<hbm>>
    tpu.wait_indirect_dma semaphore(%arg7 : memref<!tpu.dma_semaphore, #tpu.memory_space<semaphore_mem>>) src(%dma_wait3A_12 : memref<16384x2x1024xf32, #tpu.memory_space<hbm>>) dst(%arg6 : memref<24x2x1024xf32, #tpu.memory_space<vmem>>)
    %add3A_13 = arith.constant 0 : i32
    %add3A_14 = arith.addi %mul3A_2, %add3A_13 : i32
    "tpu.region"() ({
      %run_scoped3A = tpu.sem_alloc : memref<!tpu.dma_semaphore, #tpu.memory_space<semaphore_mem>>
      %dma_start3A_225 = arith.constant 0 : i32
      %dma_start3A_226 = arith.constant 0 : i32
      %dma_start3A_227 = tpu.memref_slice %arg4[%add3A_14, %dma_start3A_225, %dma_start3A_226] : memref<12288x2x1024xf32, #tpu.memory_space<hbm>> -> memref<24x2x1024xf32, #tpu.memory_space<hbm>>
      %dma_start3A_228 = arith.constant 0 : i32
      %dma_start3A_229 = arith.constant 0 : i32
      %dma_start3A_230 = tpu.memref_slice %arg4[%add3A_14, %dma_start3A_228, %dma_start3A_229] : memref<12288x2x1024xf32, #tpu.memory_space<hbm>> -> memref<24x2x1024xf32, #tpu.memory_space<hbm>>
      tpu.enqueue_dma source(%arg6 : memref<24x2x1024xf32, #tpu.memory_space<vmem>>) target(%dma_start3A_230 : memref<24x2x1024xf32, #tpu.memory_space<hbm>>) target_semaphore(%run_scoped3A : memref<!tpu.dma_semaphore, #tpu.memory_space<semaphore_mem>>)
      %dma_wait3A_231 = arith.constant 0 : i32
      %dma_wait3A_232 = arith.constant 0 : i32
      %dma_wait3A_233 = tpu.memref_slice %arg4[%add3A_14, %dma_wait3A_231, %dma_wait3A_232] : memref<12288x2x1024xf32, #tpu.memory_space<hbm>> -> memref<24x2x1024xf32, #tpu.memory_space<hbm>>
      %dma_wait3A_234 = arith.constant 0 : i32
      %dma_wait3A_235 = arith.constant 0 : i32
      %dma_wait3A_236 = tpu.memref_slice %arg4[%add3A_14, %dma_wait3A_234, %dma_wait3A_235] : memref<12288x2x1024xf32, #tpu.memory_space<hbm>> -> memref<24x2x1024xf32, #tpu.memory_space<hbm>>
      tpu.wait_dma2 semaphore(%run_scoped3A : memref<!tpu.dma_semaphore, #tpu.memory_space<semaphore_mem>>) src(%arg6 : memref<24x2x1024xf32, #tpu.memory_space<vmem>>) dst(%dma_wait3A_236 : memref<24x2x1024xf32, #tpu.memory_space<hbm>>)
      tpu.yield
    }) : () -> ()
    %dma_start3A_15 = arith.constant 24 : i32
    %dma_start3A_16 = tpu.memref_slice %arg5[%dma_start3A_15] : memref<384xi32, #tpu.memory_space<vmem>> -> memref<24xi32, #tpu.memory_space<vmem>>
    %dma_start3A_17 = arith.constant 0 : i32
    %dma_start3A_18 = arith.constant 0 : i32
    %dma_start3A_19 = arith.constant 0 : i32
    %dma_start3A_20 = tpu.memref_slice %arg2[%dma_start3A_17, %dma_start3A_18, %dma_start3A_19] : memref<16384x2x1024xf32, #tpu.memory_space<hbm>> -> memref<16384x2x1024xf32, #tpu.memory_space<hbm>>
    tpu.enqueue_indirect_dma source(%dma_start3A_20 : memref<16384x2x1024xf32, #tpu.memory_space<hbm>>) target(%arg6 : memref<24x2x1024xf32, #tpu.memory_space<vmem>>) offsets(%dma_start3A_16 : memref<24xi32, #tpu.memory_space<vmem>>) semaphore(%arg7 : memref<!tpu.dma_semaphore, #tpu.memory_space<semaphore_mem>>)
    %dma_wait3A_21 = arith.constant 24 : i32
    %dma_wait3A_22 = tpu.memref_slice %arg5[%dma_wait3A_21] : memref<384xi32, #tpu.memory_space<vmem>> -> memref<24xi32, #tpu.memory_space<vmem>>
    %dma_wait3A_23 = arith.constant 0 : i32
    %dma_wait3A_24 = arith.constant 0 : i32
    %dma_wait3A_25 = arith.constant 0 : i32
    %dma_wait3A_26 = tpu.memref_slice %arg2[%dma_wait3A_23, %dma_wait3A_24, %dma_wait3A_25] : memref<16384x2x1024xf32, #tpu.memory_space<hbm>> -> memref<16384x2x1024xf32, #tpu.memory_space<hbm>>
    tpu.wait_indirect_dma semaphore(%arg7 : memref<!tpu.dma_semaphore, #tpu.memory_space<semaphore_mem>>) src(%dma_wait3A_26 : memref<16384x2x1024xf32, #tpu.memory_space<hbm>>) dst(%arg6 : memref<24x2x1024xf32, #tpu.memory_space<vmem>>)
    %add3A_27 = arith.constant 24 : i32
    %add3A_28 = arith.addi %mul3A_2, %add3A_27 : i32
    "tpu.region"() ({
      %run_scoped3A = tpu.sem_alloc : memref<!tpu.dma_semaphore, #tpu.memory_space<semaphore_mem>>
      %dma_start3A_225 = arith.constant 0 : i32
      %dma_start3A_226 = arith.constant 0 : i32
      %dma_start3A_227 = tpu.memref_slice %arg4[%add3A_28, %dma_start3A_225, %dma_start3A_226] : memref<12288x2x1024xf32, #tpu.memory_space<hbm>> -> memref<24x2x1024xf32, #tpu.memory_space<hbm>>
      %dma_start3A_228 = arith.constant 0 : i32
      %dma_start3A_229 = arith.constant 0 : i32
      %dma_start3A_230 = tpu.memref_slice %arg4[%add3A_28, %dma_start3A_228, %dma_start3A_229] : memref<12288x2x1024xf32, #tpu.memory_space<hbm>> -> memref<24x2x1024xf32, #tpu.memory_space<hbm>>
      tpu.enqueue_dma source(%arg6 : memref<24x2x1024xf32, #tpu.memory_space<vmem>>) target(%dma_start3A_230 : memref<24x2x1024xf32, #tpu.memory_space<hbm>>) target_semaphore(%run_scoped3A : memref<!tpu.dma_semaphore, #tpu.memory_space<semaphore_mem>>)
      %dma_wait3A_231 = arith.constant 0 : i32
      %dma_wait3A_232 = arith.constant 0 : i32
      %dma_wait3A_233 = tpu.memref_slice %arg4[%add3A_28, %dma_wait3A_231, %dma_wait3A_232] : memref<12288x2x1024xf32, #tpu.memory_space<hbm>> -> memref<24x2x1024xf32, #tpu.memory_space<hbm>>
      %dma_wait3A_234 = arith.constant 0 : i32
      %dma_wait3A_235 = arith.constant 0 : i32
      %dma_wait3A_236 = tpu.memref_slice %arg4[%add3A_28, %dma_wait3A_234, %dma_wait3A_235] : memref<12288x2x1024xf32, #tpu.memory_space<hbm>> -> memref<24x2x1024xf32, #tpu.memory_space<hbm>>
      tpu.wait_dma2 semaphore(%run_scoped3A : memref<!tpu.dma_semaphore, #tpu.memory_space<semaphore_mem>>) src(%arg6 : memref<24x2x1024xf32, #tpu.memory_space<vmem>>) dst(%dma_wait3A_236 : memref<24x2x1024xf32, #tpu.memory_space<hbm>>)
      tpu.yield
    }) : () -> ()
    %dma_start3A_29 = arith.constant 48 : i32
    %dma_start3A_30 = tpu.memref_slice %arg5[%dma_start3A_29] : memref<384xi32, #tpu.memory_space<vmem>> -> memref<24xi32, #tpu.memory_space<vmem>>
    %dma_start3A_31 = arith.constant 0 : i32
    %dma_start3A_32 = arith.constant 0 : i32
    %dma_start3A_33 = arith.constant 0 : i32
    %dma_start3A_34 = tpu.memref_slice %arg2[%dma_start3A_31, %dma_start3A_32, %dma_start3A_33] : memref<16384x2x1024xf32, #tpu.memory_space<hbm>> -> memref<16384x2x1024xf32, #tpu.memory_space<hbm>>
    tpu.enqueue_indirect_dma source(%dma_start3A_34 : memref<16384x2x1024xf32, #tpu.memory_space<hbm>>) target(%arg6 : memref<24x2x1024xf32, #tpu.memory_space<vmem>>) offsets(%dma_start3A_30 : memref<24xi32, #tpu.memory_space<vmem>>) semaphore(%arg7 : memref<!tpu.dma_semaphore, #tpu.memory_space<semaphore_mem>>)
    %dma_wait3A_35 = arith.constant 48 : i32
    %dma_wait3A_36 = tpu.memref_slice %arg5[%dma_wait3A_35] : memref<384xi32, #tpu.memory_space<vmem>> -> memref<24xi32, #tpu.memory_space<vmem>>
    %dma_wait3A_37 = arith.constant 0 : i32
    %dma_wait3A_38 = arith.constant 0 : i32
    %dma_wait3A_39 = arith.constant 0 : i32
    %dma_wait3A_40 = tpu.memref_slice %arg2[%dma_wait3A_37, %dma_wait3A_38, %dma_wait3A_39] : memref<16384x2x1024xf32, #tpu.memory_space<hbm>> -> memref<16384x2x1024xf32, #tpu.memory_space<hbm>>
    tpu.wait_indirect_dma semaphore(%arg7 : memref<!tpu.dma_semaphore, #tpu.memory_space<semaphore_mem>>) src(%dma_wait3A_40 : memref<16384x2x1024xf32, #tpu.memory_space<hbm>>) dst(%arg6 : memref<24x2x1024xf32, #tpu.memory_space<vmem>>)
    %add3A_41 = arith.constant 48 : i32
    %add3A_42 = arith.addi %mul3A_2, %add3A_41 : i32
    "tpu.region"() ({
      %run_scoped3A = tpu.sem_alloc : memref<!tpu.dma_semaphore, #tpu.memory_space<semaphore_mem>>
      %dma_start3A_225 = arith.constant 0 : i32
      %dma_start3A_226 = arith.constant 0 : i32
      %dma_start3A_227 = tpu.memref_slice %arg4[%add3A_42, %dma_start3A_225, %dma_start3A_226] : memref<12288x2x1024xf32, #tpu.memory_space<hbm>> -> memref<24x2x1024xf32, #tpu.memory_space<hbm>>
      %dma_start3A_228 = arith.constant 0 : i32
      %dma_start3A_229 = arith.constant 0 : i32
      %dma_start3A_230 = tpu.memref_slice %arg4[%add3A_42, %dma_start3A_228, %dma_start3A_229] : memref<12288x2x1024xf32, #tpu.memory_space<hbm>> -> memref<24x2x1024xf32, #tpu.memory_space<hbm>>
      tpu.enqueue_dma source(%arg6 : memref<24x2x1024xf32, #tpu.memory_space<vmem>>) target(%dma_start3A_230 : memref<24x2x1024xf32, #tpu.memory_space<hbm>>) target_semaphore(%run_scoped3A : memref<!tpu.dma_semaphore, #tpu.memory_space<semaphore_mem>>)
      %dma_wait3A_231 = arith.constant 0 : i32
      %dma_wait3A_232 = arith.constant 0 : i32
      %dma_wait3A_233 = tpu.memref_slice %arg4[%add3A_42, %dma_wait3A_231, %dma_wait3A_232] : memref<12288x2x1024xf32, #tpu.memory_space<hbm>> -> memref<24x2x1024xf32, #tpu.memory_space<hbm>>
      %dma_wait3A_234 = arith.constant 0 : i32
      %dma_wait3A_235 = arith.constant 0 : i32
      %dma_wait3A_236 = tpu.memref_slice %arg4[%add3A_42, %dma_wait3A_234, %dma_wait3A_235] : memref<12288x2x1024xf32, #tpu.memory_space<hbm>> -> memref<24x2x1024xf32, #tpu.memory_space<hbm>>
      tpu.wait_dma2 semaphore(%run_scoped3A : memref<!tpu.dma_semaphore, #tpu.memory_space<semaphore_mem>>) src(%arg6 : memref<24x2x1024xf32, #tpu.memory_space<vmem>>) dst(%dma_wait3A_236 : memref<24x2x1024xf32, #tpu.memory_space<hbm>>)
      tpu.yield
    }) : () -> ()
    %dma_start3A_43 = arith.constant 72 : i32
    %dma_start3A_44 = tpu.memref_slice %arg5[%dma_start3A_43] : memref<384xi32, #tpu.memory_space<vmem>> -> memref<24xi32, #tpu.memory_space<vmem>>
    %dma_start3A_45 = arith.constant 0 : i32
    %dma_start3A_46 = arith.constant 0 : i32
    %dma_start3A_47 = arith.constant 0 : i32
    %dma_start3A_48 = tpu.memref_slice %arg2[%dma_start3A_45, %dma_start3A_46, %dma_start3A_47] : memref<16384x2x1024xf32, #tpu.memory_space<hbm>> -> memref<16384x2x1024xf32, #tpu.memory_space<hbm>>
    tpu.enqueue_indirect_dma source(%dma_start3A_48 : memref<16384x2x1024xf32, #tpu.memory_space<hbm>>) target(%arg6 : memref<24x2x1024xf32, #tpu.memory_space<vmem>>) offsets(%dma_start3A_44 : memref<24xi32, #tpu.memory_space<vmem>>) semaphore(%arg7 : memref<!tpu.dma_semaphore, #tpu.memory_space<semaphore_mem>>)
    %dma_wait3A_49 = arith.constant 72 : i32
    %dma_wait3A_50 = tpu.memref_slice %arg5[%dma_wait3A_49] : memref<384xi32, #tpu.memory_space<vmem>> -> memref<24xi32, #tpu.memory_space<vmem>>
    %dma_wait3A_51 = arith.constant 0 : i32
    %dma_wait3A_52 = arith.constant 0 : i32
    %dma_wait3A_53 = arith.constant 0 : i32
    %dma_wait3A_54 = tpu.memref_slice %arg2[%dma_wait3A_51, %dma_wait3A_52, %dma_wait3A_53] : memref<16384x2x1024xf32, #tpu.memory_space<hbm>> -> memref<16384x2x1024xf32, #tpu.memory_space<hbm>>
    tpu.wait_indirect_dma semaphore(%arg7 : memref<!tpu.dma_semaphore, #tpu.memory_space<semaphore_mem>>) src(%dma_wait3A_54 : memref<16384x2x1024xf32, #tpu.memory_space<hbm>>) dst(%arg6 : memref<24x2x1024xf32, #tpu.memory_space<vmem>>)
    %add3A_55 = arith.constant 72 : i32
    %add3A_56 = arith.addi %mul3A_2, %add3A_55 : i32
    "tpu.region"() ({
      %run_scoped3A = tpu.sem_alloc : memref<!tpu.dma_semaphore, #tpu.memory_space<semaphore_mem>>
      %dma_start3A_225 = arith.constant 0 : i32
      %dma_start3A_226 = arith.constant 0 : i32
      %dma_start3A_227 = tpu.memref_slice %arg4[%add3A_56, %dma_start3A_225, %dma_start3A_226] : memref<12288x2x1024xf32, #tpu.memory_space<hbm>> -> memref<24x2x1024xf32, #tpu.memory_space<hbm>>
      %dma_start3A_228 = arith.constant 0 : i32
      %dma_start3A_229 = arith.constant 0 : i32
      %dma_start3A_230 = tpu.memref_slice %arg4[%add3A_56, %dma_start3A_228, %dma_start3A_229] : memref<12288x2x1024xf32, #tpu.memory_space<hbm>> -> memref<24x2x1024xf32, #tpu.memory_space<hbm>>
      tpu.enqueue_dma source(%arg6 : memref<24x2x1024xf32, #tpu.memory_space<vmem>>) target(%dma_start3A_230 : memref<24x2x1024xf32, #tpu.memory_space<hbm>>) target_semaphore(%run_scoped3A : memref<!tpu.dma_semaphore, #tpu.memory_space<semaphore_mem>>)
      %dma_wait3A_231 = arith.constant 0 : i32
      %dma_wait3A_232 = arith.constant 0 : i32
      %dma_wait3A_233 = tpu.memref_slice %arg4[%add3A_56, %dma_wait3A_231, %dma_wait3A_232] : memref<12288x2x1024xf32, #tpu.memory_space<hbm>> -> memref<24x2x1024xf32, #tpu.memory_space<hbm>>
      %dma_wait3A_234 = arith.constant 0 : i32
      %dma_wait3A_235 = arith.constant 0 : i32
      %dma_wait3A_236 = tpu.memref_slice %arg4[%add3A_56, %dma_wait3A_234, %dma_wait3A_235] : memref<12288x2x1024xf32, #tpu.memory_space<hbm>> -> memref<24x2x1024xf32, #tpu.memory_space<hbm>>
      tpu.wait_dma2 semaphore(%run_scoped3A : memref<!tpu.dma_semaphore, #tpu.memory_space<semaphore_mem>>) src(%arg6 : memref<24x2x1024xf32, #tpu.memory_space<vmem>>) dst(%dma_wait3A_236 : memref<24x2x1024xf32, #tpu.memory_space<hbm>>)
      tpu.yield
    }) : () -> ()
    %dma_start3A_57 = arith.constant 96 : i32
    %dma_start3A_58 = tpu.memref_slice %arg5[%dma_start3A_57] : memref<384xi32, #tpu.memory_space<vmem>> -> memref<24xi32, #tpu.memory_space<vmem>>
    %dma_start3A_59 = arith.constant 0 : i32
    %dma_start3A_60 = arith.constant 0 : i32
    %dma_start3A_61 = arith.constant 0 : i32
    %dma_start3A_62 = tpu.memref_slice %arg2[%dma_start3A_59, %dma_start3A_60, %dma_start3A_61] : memref<16384x2x1024xf32, #tpu.memory_space<hbm>> -> memref<16384x2x1024xf32, #tpu.memory_space<hbm>>
    tpu.enqueue_indirect_dma source(%dma_start3A_62 : memref<16384x2x1024xf32, #tpu.memory_space<hbm>>) target(%arg6 : memref<24x2x1024xf32, #tpu.memory_space<vmem>>) offsets(%dma_start3A_58 : memref<24xi32, #tpu.memory_space<vmem>>) semaphore(%arg7 : memref<!tpu.dma_semaphore, #tpu.memory_space<semaphore_mem>>)
    %dma_wait3A_63 = arith.constant 96 : i32
    %dma_wait3A_64 = tpu.memref_slice %arg5[%dma_wait3A_63] : memref<384xi32, #tpu.memory_space<vmem>> -> memref<24xi32, #tpu.memory_space<vmem>>
    %dma_wait3A_65 = arith.constant 0 : i32
    %dma_wait3A_66 = arith.constant 0 : i32
    %dma_wait3A_67 = arith.constant 0 : i32
    %dma_wait3A_68 = tpu.memref_slice %arg2[%dma_wait3A_65, %dma_wait3A_66, %dma_wait3A_67] : memref<16384x2x1024xf32, #tpu.memory_space<hbm>> -> memref<16384x2x1024xf32, #tpu.memory_space<hbm>>
    tpu.wait_indirect_dma semaphore(%arg7 : memref<!tpu.dma_semaphore, #tpu.memory_space<semaphore_mem>>) src(%dma_wait3A_68 : memref<16384x2x1024xf32, #tpu.memory_space<hbm>>) dst(%arg6 : memref<24x2x1024xf32, #tpu.memory_space<vmem>>)
    %add3A_69 = arith.constant 96 : i32
    %add3A_70 = arith.addi %mul3A_2, %add3A_69 : i32
    "tpu.region"() ({
      %run_scoped3A = tpu.sem_alloc : memref<!tpu.dma_semaphore, #tpu.memory_space<semaphore_mem>>
      %dma_start3A_225 = arith.constant 0 : i32
      %dma_start3A_226 = arith.constant 0 : i32
      %dma_start3A_227 = tpu.memref_slice %arg4[%add3A_70, %dma_start3A_225, %dma_start3A_226] : memref<12288x2x1024xf32, #tpu.memory_space<hbm>> -> memref<24x2x1024xf32, #tpu.memory_space<hbm>>
      %dma_start3A_228 = arith.constant 0 : i32
      %dma_start3A_229 = arith.constant 0 : i32
      %dma_start3A_230 = tpu.memref_slice %arg4[%add3A_70, %dma_start3A_228, %dma_start3A_229] : memref<12288x2x1024xf32, #tpu.memory_space<hbm>> -> memref<24x2x1024xf32, #tpu.memory_space<hbm>>
      tpu.enqueue_dma source(%arg6 : memref<24x2x1024xf32, #tpu.memory_space<vmem>>) target(%dma_start3A_230 : memref<24x2x1024xf32, #tpu.memory_space<hbm>>) target_semaphore(%run_scoped3A : memref<!tpu.dma_semaphore, #tpu.memory_space<semaphore_mem>>)
      %dma_wait3A_231 = arith.constant 0 : i32
      %dma_wait3A_232 = arith.constant 0 : i32
      %dma_wait3A_233 = tpu.memref_slice %arg4[%add3A_70, %dma_wait3A_231, %dma_wait3A_232] : memref<12288x2x1024xf32, #tpu.memory_space<hbm>> -> memref<24x2x1024xf32, #tpu.memory_space<hbm>>
      %dma_wait3A_234 = arith.constant 0 : i32
      %dma_wait3A_235 = arith.constant 0 : i32
      %dma_wait3A_236 = tpu.memref_slice %arg4[%add3A_70, %dma_wait3A_234, %dma_wait3A_235] : memref<12288x2x1024xf32, #tpu.memory_space<hbm>> -> memref<24x2x1024xf32, #tpu.memory_space<hbm>>
      tpu.wait_dma2 semaphore(%run_scoped3A : memref<!tpu.dma_semaphore, #tpu.memory_space<semaphore_mem>>) src(%arg6 : memref<24x2x1024xf32, #tpu.memory_space<vmem>>) dst(%dma_wait3A_236 : memref<24x2x1024xf32, #tpu.memory_space<hbm>>)
      tpu.yield
    }) : () -> ()
    %dma_start3A_71 = arith.constant 120 : i32
    %dma_start3A_72 = tpu.memref_slice %arg5[%dma_start3A_71] : memref<384xi32, #tpu.memory_space<vmem>> -> memref<24xi32, #tpu.memory_space<vmem>>
    %dma_start3A_73 = arith.constant 0 : i32
    %dma_start3A_74 = arith.constant 0 : i32
    %dma_start3A_75 = arith.constant 0 : i32
    %dma_start3A_76 = tpu.memref_slice %arg2[%dma_start3A_73, %dma_start3A_74, %dma_start3A_75] : memref<16384x2x1024xf32, #tpu.memory_space<hbm>> -> memref<16384x2x1024xf32, #tpu.memory_space<hbm>>
    tpu.enqueue_indirect_dma source(%dma_start3A_76 : memref<16384x2x1024xf32, #tpu.memory_space<hbm>>) target(%arg6 : memref<24x2x1024xf32, #tpu.memory_space<vmem>>) offsets(%dma_start3A_72 : memref<24xi32, #tpu.memory_space<vmem>>) semaphore(%arg7 : memref<!tpu.dma_semaphore, #tpu.memory_space<semaphore_mem>>)
    %dma_wait3A_77 = arith.constant 120 : i32
    %dma_wait3A_78 = tpu.memref_slice %arg5[%dma_wait3A_77] : memref<384xi32, #tpu.memory_space<vmem>> -> memref<24xi32, #tpu.memory_space<vmem>>
    %dma_wait3A_79 = arith.constant 0 : i32
    %dma_wait3A_80 = arith.constant 0 : i32
    %dma_wait3A_81 = arith.constant 0 : i32
    %dma_wait3A_82 = tpu.memref_slice %arg2[%dma_wait3A_79, %dma_wait3A_80, %dma_wait3A_81] : memref<16384x2x1024xf32, #tpu.memory_space<hbm>> -> memref<16384x2x1024xf32, #tpu.memory_space<hbm>>
    tpu.wait_indirect_dma semaphore(%arg7 : memref<!tpu.dma_semaphore, #tpu.memory_space<semaphore_mem>>) src(%dma_wait3A_82 : memref<16384x2x1024xf32, #tpu.memory_space<hbm>>) dst(%arg6 : memref<24x2x1024xf32, #tpu.memory_space<vmem>>)
    %add3A_83 = arith.constant 120 : i32
    %add3A_84 = arith.addi %mul3A_2, %add3A_83 : i32
    "tpu.region"() ({
      %run_scoped3A = tpu.sem_alloc : memref<!tpu.dma_semaphore, #tpu.memory_space<semaphore_mem>>
      %dma_start3A_225 = arith.constant 0 : i32
      %dma_start3A_226 = arith.constant 0 : i32
      %dma_start3A_227 = tpu.memref_slice %arg4[%add3A_84, %dma_start3A_225, %dma_start3A_226] : memref<12288x2x1024xf32, #tpu.memory_space<hbm>> -> memref<24x2x1024xf32, #tpu.memory_space<hbm>>
      %dma_start3A_228 = arith.constant 0 : i32
      %dma_start3A_229 = arith.constant 0 : i32
      %dma_start3A_230 = tpu.memref_slice %arg4[%add3A_84, %dma_start3A_228, %dma_start3A_229] : memref<12288x2x1024xf32, #tpu.memory_space<hbm>> -> memref<24x2x1024xf32, #tpu.memory_space<hbm>>
      tpu.enqueue_dma source(%arg6 : memref<24x2x1024xf32, #tpu.memory_space<vmem>>) target(%dma_start3A_230 : memref<24x2x1024xf32, #tpu.memory_space<hbm>>) target_semaphore(%run_scoped3A : memref<!tpu.dma_semaphore, #tpu.memory_space<semaphore_mem>>)
      %dma_wait3A_231 = arith.constant 0 : i32
      %dma_wait3A_232 = arith.constant 0 : i32
      %dma_wait3A_233 = tpu.memref_slice %arg4[%add3A_84, %dma_wait3A_231, %dma_wait3A_232] : memref<12288x2x1024xf32, #tpu.memory_space<hbm>> -> memref<24x2x1024xf32, #tpu.memory_space<hbm>>
      %dma_wait3A_234 = arith.constant 0 : i32
      %dma_wait3A_235 = arith.constant 0 : i32
      %dma_wait3A_236 = tpu.memref_slice %arg4[%add3A_84, %dma_wait3A_234, %dma_wait3A_235] : memref<12288x2x1024xf32, #tpu.memory_space<hbm>> -> memref<24x2x1024xf32, #tpu.memory_space<hbm>>
      tpu.wait_dma2 semaphore(%run_scoped3A : memref<!tpu.dma_semaphore, #tpu.memory_space<semaphore_mem>>) src(%arg6 : memref<24x2x1024xf32, #tpu.memory_space<vmem>>) dst(%dma_wait3A_236 : memref<24x2x1024xf32, #tpu.memory_space<hbm>>)
      tpu.yield
    }) : () -> ()
    %dma_start3A_85 = arith.constant 144 : i32
    %dma_start3A_86 = tpu.memref_slice %arg5[%dma_start3A_85] : memref<384xi32, #tpu.memory_space<vmem>> -> memref<24xi32, #tpu.memory_space<vmem>>
    %dma_start3A_87 = arith.constant 0 : i32
    %dma_start3A_88 = arith.constant 0 : i32
    %dma_start3A_89 = arith.constant 0 : i32
    %dma_start3A_90 = tpu.memref_slice %arg2[%dma_start3A_87, %dma_start3A_88, %dma_start3A_89] : memref<16384x2x1024xf32, #tpu.memory_space<hbm>> -> memref<16384x2x1024xf32, #tpu.memory_space<hbm>>
    tpu.enqueue_indirect_dma source(%dma_start3A_90 : memref<16384x2x1024xf32, #tpu.memory_space<hbm>>) target(%arg6 : memref<24x2x1024xf32, #tpu.memory_space<vmem>>) offsets(%dma_start3A_86 : memref<24xi32, #tpu.memory_space<vmem>>) semaphore(%arg7 : memref<!tpu.dma_semaphore, #tpu.memory_space<semaphore_mem>>)
    %dma_wait3A_91 = arith.constant 144 : i32
    %dma_wait3A_92 = tpu.memref_slice %arg5[%dma_wait3A_91] : memref<384xi32, #tpu.memory_space<vmem>> -> memref<24xi32, #tpu.memory_space<vmem>>
    %dma_wait3A_93 = arith.constant 0 : i32
    %dma_wait3A_94 = arith.constant 0 : i32
    %dma_wait3A_95 = arith.constant 0 : i32
    %dma_wait3A_96 = tpu.memref_slice %arg2[%dma_wait3A_93, %dma_wait3A_94, %dma_wait3A_95] : memref<16384x2x1024xf32, #tpu.memory_space<hbm>> -> memref<16384x2x1024xf32, #tpu.memory_space<hbm>>
    tpu.wait_indirect_dma semaphore(%arg7 : memref<!tpu.dma_semaphore, #tpu.memory_space<semaphore_mem>>) src(%dma_wait3A_96 : memref<16384x2x1024xf32, #tpu.memory_space<hbm>>) dst(%arg6 : memref<24x2x1024xf32, #tpu.memory_space<vmem>>)
    %add3A_97 = arith.constant 144 : i32
    %add3A_98 = arith.addi %mul3A_2, %add3A_97 : i32
    "tpu.region"() ({
      %run_scoped3A = tpu.sem_alloc : memref<!tpu.dma_semaphore, #tpu.memory_space<semaphore_mem>>
      %dma_start3A_225 = arith.constant 0 : i32
      %dma_start3A_226 = arith.constant 0 : i32
      %dma_start3A_227 = tpu.memref_slice %arg4[%add3A_98, %dma_start3A_225, %dma_start3A_226] : memref<12288x2x1024xf32, #tpu.memory_space<hbm>> -> memref<24x2x1024xf32, #tpu.memory_space<hbm>>
      %dma_start3A_228 = arith.constant 0 : i32
      %dma_start3A_229 = arith.constant 0 : i32
      %dma_start3A_230 = tpu.memref_slice %arg4[%add3A_98, %dma_start3A_228, %dma_start3A_229] : memref<12288x2x1024xf32, #tpu.memory_space<hbm>> -> memref<24x2x1024xf32, #tpu.memory_space<hbm>>
      tpu.enqueue_dma source(%arg6 : memref<24x2x1024xf32, #tpu.memory_space<vmem>>) target(%dma_start3A_230 : memref<24x2x1024xf32, #tpu.memory_space<hbm>>) target_semaphore(%run_scoped3A : memref<!tpu.dma_semaphore, #tpu.memory_space<semaphore_mem>>)
      %dma_wait3A_231 = arith.constant 0 : i32
      %dma_wait3A_232 = arith.constant 0 : i32
      %dma_wait3A_233 = tpu.memref_slice %arg4[%add3A_98, %dma_wait3A_231, %dma_wait3A_232] : memref<12288x2x1024xf32, #tpu.memory_space<hbm>> -> memref<24x2x1024xf32, #tpu.memory_space<hbm>>
      %dma_wait3A_234 = arith.constant 0 : i32
      %dma_wait3A_235 = arith.constant 0 : i32
      %dma_wait3A_236 = tpu.memref_slice %arg4[%add3A_98, %dma_wait3A_234, %dma_wait3A_235] : memref<12288x2x1024xf32, #tpu.memory_space<hbm>> -> memref<24x2x1024xf32, #tpu.memory_space<hbm>>
      tpu.wait_dma2 semaphore(%run_scoped3A : memref<!tpu.dma_semaphore, #tpu.memory_space<semaphore_mem>>) src(%arg6 : memref<24x2x1024xf32, #tpu.memory_space<vmem>>) dst(%dma_wait3A_236 : memref<24x2x1024xf32, #tpu.memory_space<hbm>>)
      tpu.yield
    }) : () -> ()
    %dma_start3A_99 = arith.constant 168 : i32
    %dma_start3A_100 = tpu.memref_slice %arg5[%dma_start3A_99] : memref<384xi32, #tpu.memory_space<vmem>> -> memref<24xi32, #tpu.memory_space<vmem>>
    %dma_start3A_101 = arith.constant 0 : i32
    %dma_start3A_102 = arith.constant 0 : i32
    %dma_start3A_103 = arith.constant 0 : i32
    %dma_start3A_104 = tpu.memref_slice %arg2[%dma_start3A_101, %dma_start3A_102, %dma_start3A_103] : memref<16384x2x1024xf32, #tpu.memory_space<hbm>> -> memref<16384x2x1024xf32, #tpu.memory_space<hbm>>
    tpu.enqueue_indirect_dma source(%dma_start3A_104 : memref<16384x2x1024xf32, #tpu.memory_space<hbm>>) target(%arg6 : memref<24x2x1024xf32, #tpu.memory_space<vmem>>) offsets(%dma_start3A_100 : memref<24xi32, #tpu.memory_space<vmem>>) semaphore(%arg7 : memref<!tpu.dma_semaphore, #tpu.memory_space<semaphore_mem>>)
    %dma_wait3A_105 = arith.constant 168 : i32
    %dma_wait3A_106 = tpu.memref_slice %arg5[%dma_wait3A_105] : memref<384xi32, #tpu.memory_space<vmem>> -> memref<24xi32, #tpu.memory_space<vmem>>
    %dma_wait3A_107 = arith.constant 0 : i32
    %dma_wait3A_108 = arith.constant 0 : i32
    %dma_wait3A_109 = arith.constant 0 : i32
    %dma_wait3A_110 = tpu.memref_slice %arg2[%dma_wait3A_107, %dma_wait3A_108, %dma_wait3A_109] : memref<16384x2x1024xf32, #tpu.memory_space<hbm>> -> memref<16384x2x1024xf32, #tpu.memory_space<hbm>>
    tpu.wait_indirect_dma semaphore(%arg7 : memref<!tpu.dma_semaphore, #tpu.memory_space<semaphore_mem>>) src(%dma_wait3A_110 : memref<16384x2x1024xf32, #tpu.memory_space<hbm>>) dst(%arg6 : memref<24x2x1024xf32, #tpu.memory_space<vmem>>)
    %add3A_111 = arith.constant 168 : i32
    %add3A_112 = arith.addi %mul3A_2, %add3A_111 : i32
    "tpu.region"() ({
      %run_scoped3A = tpu.sem_alloc : memref<!tpu.dma_semaphore, #tpu.memory_space<semaphore_mem>>
      %dma_start3A_225 = arith.constant 0 : i32
      %dma_start3A_226 = arith.constant 0 : i32
      %dma_start3A_227 = tpu.memref_slice %arg4[%add3A_112, %dma_start3A_225, %dma_start3A_226] : memref<12288x2x1024xf32, #tpu.memory_space<hbm>> -> memref<24x2x1024xf32, #tpu.memory_space<hbm>>
      %dma_start3A_228 = arith.constant 0 : i32
      %dma_start3A_229 = arith.constant 0 : i32
      %dma_start3A_230 = tpu.memref_slice %arg4[%add3A_112, %dma_start3A_228, %dma_start3A_229] : memref<12288x2x1024xf32, #tpu.memory_space<hbm>> -> memref<24x2x1024xf32, #tpu.memory_space<hbm>>
      tpu.enqueue_dma source(%arg6 : memref<24x2x1024xf32, #tpu.memory_space<vmem>>) target(%dma_start3A_230 : memref<24x2x1024xf32, #tpu.memory_space<hbm>>) target_semaphore(%run_scoped3A : memref<!tpu.dma_semaphore, #tpu.memory_space<semaphore_mem>>)
      %dma_wait3A_231 = arith.constant 0 : i32
      %dma_wait3A_232 = arith.constant 0 : i32
      %dma_wait3A_233 = tpu.memref_slice %arg4[%add3A_112, %dma_wait3A_231, %dma_wait3A_232] : memref<12288x2x1024xf32, #tpu.memory_space<hbm>> -> memref<24x2x1024xf32, #tpu.memory_space<hbm>>
      %dma_wait3A_234 = arith.constant 0 : i32
      %dma_wait3A_235 = arith.constant 0 : i32
      %dma_wait3A_236 = tpu.memref_slice %arg4[%add3A_112, %dma_wait3A_234, %dma_wait3A_235] : memref<12288x2x1024xf32, #tpu.memory_space<hbm>> -> memref<24x2x1024xf32, #tpu.memory_space<hbm>>
      tpu.wait_dma2 semaphore(%run_scoped3A : memref<!tpu.dma_semaphore, #tpu.memory_space<semaphore_mem>>) src(%arg6 : memref<24x2x1024xf32, #tpu.memory_space<vmem>>) dst(%dma_wait3A_236 : memref<24x2x1024xf32, #tpu.memory_space<hbm>>)
      tpu.yield
    }) : () -> ()
    %dma_start3A_113 = arith.constant 192 : i32
    %dma_start3A_114 = tpu.memref_slice %arg5[%dma_start3A_113] : memref<384xi32, #tpu.memory_space<vmem>> -> memref<24xi32, #tpu.memory_space<vmem>>
    %dma_start3A_115 = arith.constant 0 : i32
    %dma_start3A_116 = arith.constant 0 : i32
    %dma_start3A_117 = arith.constant 0 : i32
    %dma_start3A_118 = tpu.memref_slice %arg2[%dma_start3A_115, %dma_start3A_116, %dma_start3A_117] : memref<16384x2x1024xf32, #tpu.memory_space<hbm>> -> memref<16384x2x1024xf32, #tpu.memory_space<hbm>>
    tpu.enqueue_indirect_dma source(%dma_start3A_118 : memref<16384x2x1024xf32, #tpu.memory_space<hbm>>) target(%arg6 : memref<24x2x1024xf32, #tpu.memory_space<vmem>>) offsets(%dma_start3A_114 : memref<24xi32, #tpu.memory_space<vmem>>) semaphore(%arg7 : memref<!tpu.dma_semaphore, #tpu.memory_space<semaphore_mem>>)
    %dma_wait3A_119 = arith.constant 192 : i32
    %dma_wait3A_120 = tpu.memref_slice %arg5[%dma_wait3A_119] : memref<384xi32, #tpu.memory_space<vmem>> -> memref<24xi32, #tpu.memory_space<vmem>>
    %dma_wait3A_121 = arith.constant 0 : i32
    %dma_wait3A_122 = arith.constant 0 : i32
    %dma_wait3A_123 = arith.constant 0 : i32
    %dma_wait3A_124 = tpu.memref_slice %arg2[%dma_wait3A_121, %dma_wait3A_122, %dma_wait3A_123] : memref<16384x2x1024xf32, #tpu.memory_space<hbm>> -> memref<16384x2x1024xf32, #tpu.memory_space<hbm>>
    tpu.wait_indirect_dma semaphore(%arg7 : memref<!tpu.dma_semaphore, #tpu.memory_space<semaphore_mem>>) src(%dma_wait3A_124 : memref<16384x2x1024xf32, #tpu.memory_space<hbm>>) dst(%arg6 : memref<24x2x1024xf32, #tpu.memory_space<vmem>>)
    %add3A_125 = arith.constant 192 : i32
    %add3A_126 = arith.addi %mul3A_2, %add3A_125 : i32
    "tpu.region"() ({
      %run_scoped3A = tpu.sem_alloc : memref<!tpu.dma_semaphore, #tpu.memory_space<semaphore_mem>>
      %dma_start3A_225 = arith.constant 0 : i32
      %dma_start3A_226 = arith.constant 0 : i32
      %dma_start3A_227 = tpu.memref_slice %arg4[%add3A_126, %dma_start3A_225, %dma_start3A_226] : memref<12288x2x1024xf32, #tpu.memory_space<hbm>> -> memref<24x2x1024xf32, #tpu.memory_space<hbm>>
      %dma_start3A_228 = arith.constant 0 : i32
      %dma_start3A_229 = arith.constant 0 : i32
      %dma_start3A_230 = tpu.memref_slice %arg4[%add3A_126, %dma_start3A_228, %dma_start3A_229] : memref<12288x2x1024xf32, #tpu.memory_space<hbm>> -> memref<24x2x1024xf32, #tpu.memory_space<hbm>>
      tpu.enqueue_dma source(%arg6 : memref<24x2x1024xf32, #tpu.memory_space<vmem>>) target(%dma_start3A_230 : memref<24x2x1024xf32, #tpu.memory_space<hbm>>) target_semaphore(%run_scoped3A : memref<!tpu.dma_semaphore, #tpu.memory_space<semaphore_mem>>)
      %dma_wait3A_231 = arith.constant 0 : i32
      %dma_wait3A_232 = arith.constant 0 : i32
      %dma_wait3A_233 = tpu.memref_slice %arg4[%add3A_126, %dma_wait3A_231, %dma_wait3A_232] : memref<12288x2x1024xf32, #tpu.memory_space<hbm>> -> memref<24x2x1024xf32, #tpu.memory_space<hbm>>
      %dma_wait3A_234 = arith.constant 0 : i32
      %dma_wait3A_235 = arith.constant 0 : i32
      %dma_wait3A_236 = tpu.memref_slice %arg4[%add3A_126, %dma_wait3A_234, %dma_wait3A_235] : memref<12288x2x1024xf32, #tpu.memory_space<hbm>> -> memref<24x2x1024xf32, #tpu.memory_space<hbm>>
      tpu.wait_dma2 semaphore(%run_scoped3A : memref<!tpu.dma_semaphore, #tpu.memory_space<semaphore_mem>>) src(%arg6 : memref<24x2x1024xf32, #tpu.memory_space<vmem>>) dst(%dma_wait3A_236 : memref<24x2x1024xf32, #tpu.memory_space<hbm>>)
      tpu.yield
    }) : () -> ()
    %dma_start3A_127 = arith.constant 216 : i32
    %dma_start3A_128 = tpu.memref_slice %arg5[%dma_start3A_127] : memref<384xi32, #tpu.memory_space<vmem>> -> memref<24xi32, #tpu.memory_space<vmem>>
    %dma_start3A_129 = arith.constant 0 : i32
    %dma_start3A_130 = arith.constant 0 : i32
    %dma_start3A_131 = arith.constant 0 : i32
    %dma_start3A_132 = tpu.memref_slice %arg2[%dma_start3A_129, %dma_start3A_130, %dma_start3A_131] : memref<16384x2x1024xf32, #tpu.memory_space<hbm>> -> memref<16384x2x1024xf32, #tpu.memory_space<hbm>>
    tpu.enqueue_indirect_dma source(%dma_start3A_132 : memref<16384x2x1024xf32, #tpu.memory_space<hbm>>) target(%arg6 : memref<24x2x1024xf32, #tpu.memory_space<vmem>>) offsets(%dma_start3A_128 : memref<24xi32, #tpu.memory_space<vmem>>) semaphore(%arg7 : memref<!tpu.dma_semaphore, #tpu.memory_space<semaphore_mem>>)
    %dma_wait3A_133 = arith.constant 216 : i32
    %dma_wait3A_134 = tpu.memref_slice %arg5[%dma_wait3A_133] : memref<384xi32, #tpu.memory_space<vmem>> -> memref<24xi32, #tpu.memory_space<vmem>>
    %dma_wait3A_135 = arith.constant 0 : i32
    %dma_wait3A_136 = arith.constant 0 : i32
    %dma_wait3A_137 = arith.constant 0 : i32
    %dma_wait3A_138 = tpu.memref_slice %arg2[%dma_wait3A_135, %dma_wait3A_136, %dma_wait3A_137] : memref<16384x2x1024xf32, #tpu.memory_space<hbm>> -> memref<16384x2x1024xf32, #tpu.memory_space<hbm>>
    tpu.wait_indirect_dma semaphore(%arg7 : memref<!tpu.dma_semaphore, #tpu.memory_space<semaphore_mem>>) src(%dma_wait3A_138 : memref<16384x2x1024xf32, #tpu.memory_space<hbm>>) dst(%arg6 : memref<24x2x1024xf32, #tpu.memory_space<vmem>>)
    %add3A_139 = arith.constant 216 : i32
    %add3A_140 = arith.addi %mul3A_2, %add3A_139 : i32
    "tpu.region"() ({
      %run_scoped3A = tpu.sem_alloc : memref<!tpu.dma_semaphore, #tpu.memory_space<semaphore_mem>>
      %dma_start3A_225 = arith.constant 0 : i32
      %dma_start3A_226 = arith.constant 0 : i32
      %dma_start3A_227 = tpu.memref_slice %arg4[%add3A_140, %dma_start3A_225, %dma_start3A_226] : memref<12288x2x1024xf32, #tpu.memory_space<hbm>> -> memref<24x2x1024xf32, #tpu.memory_space<hbm>>
      %dma_start3A_228 = arith.constant 0 : i32
      %dma_start3A_229 = arith.constant 0 : i32
      %dma_start3A_230 = tpu.memref_slice %arg4[%add3A_140, %dma_start3A_228, %dma_start3A_229] : memref<12288x2x1024xf32, #tpu.memory_space<hbm>> -> memref<24x2x1024xf32, #tpu.memory_space<hbm>>
      tpu.enqueue_dma source(%arg6 : memref<24x2x1024xf32, #tpu.memory_space<vmem>>) target(%dma_start3A_230 : memref<24x2x1024xf32, #tpu.memory_space<hbm>>) target_semaphore(%run_scoped3A : memref<!tpu.dma_semaphore, #tpu.memory_space<semaphore_mem>>)
      %dma_wait3A_231 = arith.constant 0 : i32
      %dma_wait3A_232 = arith.constant 0 : i32
      %dma_wait3A_233 = tpu.memref_slice %arg4[%add3A_140, %dma_wait3A_231, %dma_wait3A_232] : memref<12288x2x1024xf32, #tpu.memory_space<hbm>> -> memref<24x2x1024xf32, #tpu.memory_space<hbm>>
      %dma_wait3A_234 = arith.constant 0 : i32
      %dma_wait3A_235 = arith.constant 0 : i32
      %dma_wait3A_236 = tpu.memref_slice %arg4[%add3A_140, %dma_wait3A_234, %dma_wait3A_235] : memref<12288x2x1024xf32, #tpu.memory_space<hbm>> -> memref<24x2x1024xf32, #tpu.memory_space<hbm>>
      tpu.wait_dma2 semaphore(%run_scoped3A : memref<!tpu.dma_semaphore, #tpu.memory_space<semaphore_mem>>) src(%arg6 : memref<24x2x1024xf32, #tpu.memory_space<vmem>>) dst(%dma_wait3A_236 : memref<24x2x1024xf32, #tpu.memory_space<hbm>>)
      tpu.yield
    }) : () -> ()
    %dma_start3A_141 = arith.constant 240 : i32
    %dma_start3A_142 = tpu.memref_slice %arg5[%dma_start3A_141] : memref<384xi32, #tpu.memory_space<vmem>> -> memref<24xi32, #tpu.memory_space<vmem>>
    %dma_start3A_143 = arith.constant 0 : i32
    %dma_start3A_144 = arith.constant 0 : i32
    %dma_start3A_145 = arith.constant 0 : i32
    %dma_start3A_146 = tpu.memref_slice %arg2[%dma_start3A_143, %dma_start3A_144, %dma_start3A_145] : memref<16384x2x1024xf32, #tpu.memory_space<hbm>> -> memref<16384x2x1024xf32, #tpu.memory_space<hbm>>
    tpu.enqueue_indirect_dma source(%dma_start3A_146 : memref<16384x2x1024xf32, #tpu.memory_space<hbm>>) target(%arg6 : memref<24x2x1024xf32, #tpu.memory_space<vmem>>) offsets(%dma_start3A_142 : memref<24xi32, #tpu.memory_space<vmem>>) semaphore(%arg7 : memref<!tpu.dma_semaphore, #tpu.memory_space<semaphore_mem>>)
    %dma_wait3A_147 = arith.constant 240 : i32
    %dma_wait3A_148 = tpu.memref_slice %arg5[%dma_wait3A_147] : memref<384xi32, #tpu.memory_space<vmem>> -> memref<24xi32, #tpu.memory_space<vmem>>
    %dma_wait3A_149 = arith.constant 0 : i32
    %dma_wait3A_150 = arith.constant 0 : i32
    %dma_wait3A_151 = arith.constant 0 : i32
    %dma_wait3A_152 = tpu.memref_slice %arg2[%dma_wait3A_149, %dma_wait3A_150, %dma_wait3A_151] : memref<16384x2x1024xf32, #tpu.memory_space<hbm>> -> memref<16384x2x1024xf32, #tpu.memory_space<hbm>>
    tpu.wait_indirect_dma semaphore(%arg7 : memref<!tpu.dma_semaphore, #tpu.memory_space<semaphore_mem>>) src(%dma_wait3A_152 : memref<16384x2x1024xf32, #tpu.memory_space<hbm>>) dst(%arg6 : memref<24x2x1024xf32, #tpu.memory_space<vmem>>)
    %add3A_153 = arith.constant 240 : i32
    %add3A_154 = arith.addi %mul3A_2, %add3A_153 : i32
    "tpu.region"() ({
      %run_scoped3A = tpu.sem_alloc : memref<!tpu.dma_semaphore, #tpu.memory_space<semaphore_mem>>
      %dma_start3A_225 = arith.constant 0 : i32
      %dma_start3A_226 = arith.constant 0 : i32
      %dma_start3A_227 = tpu.memref_slice %arg4[%add3A_154, %dma_start3A_225, %dma_start3A_226] : memref<12288x2x1024xf32, #tpu.memory_space<hbm>> -> memref<24x2x1024xf32, #tpu.memory_space<hbm>>
      %dma_start3A_228 = arith.constant 0 : i32
      %dma_start3A_229 = arith.constant 0 : i32
      %dma_start3A_230 = tpu.memref_slice %arg4[%add3A_154, %dma_start3A_228, %dma_start3A_229] : memref<12288x2x1024xf32, #tpu.memory_space<hbm>> -> memref<24x2x1024xf32, #tpu.memory_space<hbm>>
      tpu.enqueue_dma source(%arg6 : memref<24x2x1024xf32, #tpu.memory_space<vmem>>) target(%dma_start3A_230 : memref<24x2x1024xf32, #tpu.memory_space<hbm>>) target_semaphore(%run_scoped3A : memref<!tpu.dma_semaphore, #tpu.memory_space<semaphore_mem>>)
      %dma_wait3A_231 = arith.constant 0 : i32
      %dma_wait3A_232 = arith.constant 0 : i32
      %dma_wait3A_233 = tpu.memref_slice %arg4[%add3A_154, %dma_wait3A_231, %dma_wait3A_232] : memref<12288x2x1024xf32, #tpu.memory_space<hbm>> -> memref<24x2x1024xf32, #tpu.memory_space<hbm>>
      %dma_wait3A_234 = arith.constant 0 : i32
      %dma_wait3A_235 = arith.constant 0 : i32
      %dma_wait3A_236 = tpu.memref_slice %arg4[%add3A_154, %dma_wait3A_234, %dma_wait3A_235] : memref<12288x2x1024xf32, #tpu.memory_space<hbm>> -> memref<24x2x1024xf32, #tpu.memory_space<hbm>>
      tpu.wait_dma2 semaphore(%run_scoped3A : memref<!tpu.dma_semaphore, #tpu.memory_space<semaphore_mem>>) src(%arg6 : memref<24x2x1024xf32, #tpu.memory_space<vmem>>) dst(%dma_wait3A_236 : memref<24x2x1024xf32, #tpu.memory_space<hbm>>)
      tpu.yield
    }) : () -> ()
    %dma_start3A_155 = arith.constant 264 : i32
    %dma_start3A_156 = tpu.memref_slice %arg5[%dma_start3A_155] : memref<384xi32, #tpu.memory_space<vmem>> -> memref<24xi32, #tpu.memory_space<vmem>>
    %dma_start3A_157 = arith.constant 0 : i32
    %dma_start3A_158 = arith.constant 0 : i32
    %dma_start3A_159 = arith.constant 0 : i32
    %dma_start3A_160 = tpu.memref_slice %arg2[%dma_start3A_157, %dma_start3A_158, %dma_start3A_159] : memref<16384x2x1024xf32, #tpu.memory_space<hbm>> -> memref<16384x2x1024xf32, #tpu.memory_space<hbm>>
    tpu.enqueue_indirect_dma source(%dma_start3A_160 : memref<16384x2x1024xf32, #tpu.memory_space<hbm>>) target(%arg6 : memref<24x2x1024xf32, #tpu.memory_space<vmem>>) offsets(%dma_start3A_156 : memref<24xi32, #tpu.memory_space<vmem>>) semaphore(%arg7 : memref<!tpu.dma_semaphore, #tpu.memory_space<semaphore_mem>>)
    %dma_wait3A_161 = arith.constant 264 : i32
    %dma_wait3A_162 = tpu.memref_slice %arg5[%dma_wait3A_161] : memref<384xi32, #tpu.memory_space<vmem>> -> memref<24xi32, #tpu.memory_space<vmem>>
    %dma_wait3A_163 = arith.constant 0 : i32
    %dma_wait3A_164 = arith.constant 0 : i32
    %dma_wait3A_165 = arith.constant 0 : i32
    %dma_wait3A_166 = tpu.memref_slice %arg2[%dma_wait3A_163, %dma_wait3A_164, %dma_wait3A_165] : memref<16384x2x1024xf32, #tpu.memory_space<hbm>> -> memref<16384x2x1024xf32, #tpu.memory_space<hbm>>
    tpu.wait_indirect_dma semaphore(%arg7 : memref<!tpu.dma_semaphore, #tpu.memory_space<semaphore_mem>>) src(%dma_wait3A_166 : memref<16384x2x1024xf32, #tpu.memory_space<hbm>>) dst(%arg6 : memref<24x2x1024xf32, #tpu.memory_space<vmem>>)
    %add3A_167 = arith.constant 264 : i32
    %add3A_168 = arith.addi %mul3A_2, %add3A_167 : i32
    "tpu.region"() ({
      %run_scoped3A = tpu.sem_alloc : memref<!tpu.dma_semaphore, #tpu.memory_space<semaphore_mem>>
      %dma_start3A_225 = arith.constant 0 : i32
      %dma_start3A_226 = arith.constant 0 : i32
      %dma_start3A_227 = tpu.memref_slice %arg4[%add3A_168, %dma_start3A_225, %dma_start3A_226] : memref<12288x2x1024xf32, #tpu.memory_space<hbm>> -> memref<24x2x1024xf32, #tpu.memory_space<hbm>>
      %dma_start3A_228 = arith.constant 0 : i32
      %dma_start3A_229 = arith.constant 0 : i32
      %dma_start3A_230 = tpu.memref_slice %arg4[%add3A_168, %dma_start3A_228, %dma_start3A_229] : memref<12288x2x1024xf32, #tpu.memory_space<hbm>> -> memref<24x2x1024xf32, #tpu.memory_space<hbm>>
      tpu.enqueue_dma source(%arg6 : memref<24x2x1024xf32, #tpu.memory_space<vmem>>) target(%dma_start3A_230 : memref<24x2x1024xf32, #tpu.memory_space<hbm>>) target_semaphore(%run_scoped3A : memref<!tpu.dma_semaphore, #tpu.memory_space<semaphore_mem>>)
      %dma_wait3A_231 = arith.constant 0 : i32
      %dma_wait3A_232 = arith.constant 0 : i32
      %dma_wait3A_233 = tpu.memref_slice %arg4[%add3A_168, %dma_wait3A_231, %dma_wait3A_232] : memref<12288x2x1024xf32, #tpu.memory_space<hbm>> -> memref<24x2x1024xf32, #tpu.memory_space<hbm>>
      %dma_wait3A_234 = arith.constant 0 : i32
      %dma_wait3A_235 = arith.constant 0 : i32
      %dma_wait3A_236 = tpu.memref_slice %arg4[%add3A_168, %dma_wait3A_234, %dma_wait3A_235] : memref<12288x2x1024xf32, #tpu.memory_space<hbm>> -> memref<24x2x1024xf32, #tpu.memory_space<hbm>>
      tpu.wait_dma2 semaphore(%run_scoped3A : memref<!tpu.dma_semaphore, #tpu.memory_space<semaphore_mem>>) src(%arg6 : memref<24x2x1024xf32, #tpu.memory_space<vmem>>) dst(%dma_wait3A_236 : memref<24x2x1024xf32, #tpu.memory_space<hbm>>)
      tpu.yield
    }) : () -> ()
    %dma_start3A_169 = arith.constant 288 : i32
    %dma_start3A_170 = tpu.memref_slice %arg5[%dma_start3A_169] : memref<384xi32, #tpu.memory_space<vmem>> -> memref<24xi32, #tpu.memory_space<vmem>>
    %dma_start3A_171 = arith.constant 0 : i32
    %dma_start3A_172 = arith.constant 0 : i32
    %dma_start3A_173 = arith.constant 0 : i32
    %dma_start3A_174 = tpu.memref_slice %arg2[%dma_start3A_171, %dma_start3A_172, %dma_start3A_173] : memref<16384x2x1024xf32, #tpu.memory_space<hbm>> -> memref<16384x2x1024xf32, #tpu.memory_space<hbm>>
    tpu.enqueue_indirect_dma source(%dma_start3A_174 : memref<16384x2x1024xf32, #tpu.memory_space<hbm>>) target(%arg6 : memref<24x2x1024xf32, #tpu.memory_space<vmem>>) offsets(%dma_start3A_170 : memref<24xi32, #tpu.memory_space<vmem>>) semaphore(%arg7 : memref<!tpu.dma_semaphore, #tpu.memory_space<semaphore_mem>>)
    %dma_wait3A_175 = arith.constant 288 : i32
    %dma_wait3A_176 = tpu.memref_slice %arg5[%dma_wait3A_175] : memref<384xi32, #tpu.memory_space<vmem>> -> memref<24xi32, #tpu.memory_space<vmem>>
    %dma_wait3A_177 = arith.constant 0 : i32
    %dma_wait3A_178 = arith.constant 0 : i32
    %dma_wait3A_179 = arith.constant 0 : i32
    %dma_wait3A_180 = tpu.memref_slice %arg2[%dma_wait3A_177, %dma_wait3A_178, %dma_wait3A_179] : memref<16384x2x1024xf32, #tpu.memory_space<hbm>> -> memref<16384x2x1024xf32, #tpu.memory_space<hbm>>
    tpu.wait_indirect_dma semaphore(%arg7 : memref<!tpu.dma_semaphore, #tpu.memory_space<semaphore_mem>>) src(%dma_wait3A_180 : memref<16384x2x1024xf32, #tpu.memory_space<hbm>>) dst(%arg6 : memref<24x2x1024xf32, #tpu.memory_space<vmem>>)
    %add3A_181 = arith.constant 288 : i32
    %add3A_182 = arith.addi %mul3A_2, %add3A_181 : i32
    "tpu.region"() ({
      %run_scoped3A = tpu.sem_alloc : memref<!tpu.dma_semaphore, #tpu.memory_space<semaphore_mem>>
      %dma_start3A_225 = arith.constant 0 : i32
      %dma_start3A_226 = arith.constant 0 : i32
      %dma_start3A_227 = tpu.memref_slice %arg4[%add3A_182, %dma_start3A_225, %dma_start3A_226] : memref<12288x2x1024xf32, #tpu.memory_space<hbm>> -> memref<24x2x1024xf32, #tpu.memory_space<hbm>>
      %dma_start3A_228 = arith.constant 0 : i32
      %dma_start3A_229 = arith.constant 0 : i32
      %dma_start3A_230 = tpu.memref_slice %arg4[%add3A_182, %dma_start3A_228, %dma_start3A_229] : memref<12288x2x1024xf32, #tpu.memory_space<hbm>> -> memref<24x2x1024xf32, #tpu.memory_space<hbm>>
      tpu.enqueue_dma source(%arg6 : memref<24x2x1024xf32, #tpu.memory_space<vmem>>) target(%dma_start3A_230 : memref<24x2x1024xf32, #tpu.memory_space<hbm>>) target_semaphore(%run_scoped3A : memref<!tpu.dma_semaphore, #tpu.memory_space<semaphore_mem>>)
      %dma_wait3A_231 = arith.constant 0 : i32
      %dma_wait3A_232 = arith.constant 0 : i32
      %dma_wait3A_233 = tpu.memref_slice %arg4[%add3A_182, %dma_wait3A_231, %dma_wait3A_232] : memref<12288x2x1024xf32, #tpu.memory_space<hbm>> -> memref<24x2x1024xf32, #tpu.memory_space<hbm>>
      %dma_wait3A_234 = arith.constant 0 : i32
      %dma_wait3A_235 = arith.constant 0 : i32
      %dma_wait3A_236 = tpu.memref_slice %arg4[%add3A_182, %dma_wait3A_234, %dma_wait3A_235] : memref<12288x2x1024xf32, #tpu.memory_space<hbm>> -> memref<24x2x1024xf32, #tpu.memory_space<hbm>>
      tpu.wait_dma2 semaphore(%run_scoped3A : memref<!tpu.dma_semaphore, #tpu.memory_space<semaphore_mem>>) src(%arg6 : memref<24x2x1024xf32, #tpu.memory_space<vmem>>) dst(%dma_wait3A_236 : memref<24x2x1024xf32, #tpu.memory_space<hbm>>)
      tpu.yield
    }) : () -> ()
    %dma_start3A_183 = arith.constant 312 : i32
    %dma_start3A_184 = tpu.memref_slice %arg5[%dma_start3A_183] : memref<384xi32, #tpu.memory_space<vmem>> -> memref<24xi32, #tpu.memory_space<vmem>>
    %dma_start3A_185 = arith.constant 0 : i32
    %dma_start3A_186 = arith.constant 0 : i32
    %dma_start3A_187 = arith.constant 0 : i32
    %dma_start3A_188 = tpu.memref_slice %arg2[%dma_start3A_185, %dma_start3A_186, %dma_start3A_187] : memref<16384x2x1024xf32, #tpu.memory_space<hbm>> -> memref<16384x2x1024xf32, #tpu.memory_space<hbm>>
    tpu.enqueue_indirect_dma source(%dma_start3A_188 : memref<16384x2x1024xf32, #tpu.memory_space<hbm>>) target(%arg6 : memref<24x2x1024xf32, #tpu.memory_space<vmem>>) offsets(%dma_start3A_184 : memref<24xi32, #tpu.memory_space<vmem>>) semaphore(%arg7 : memref<!tpu.dma_semaphore, #tpu.memory_space<semaphore_mem>>)
    %dma_wait3A_189 = arith.constant 312 : i32
    %dma_wait3A_190 = tpu.memref_slice %arg5[%dma_wait3A_189] : memref<384xi32, #tpu.memory_space<vmem>> -> memref<24xi32, #tpu.memory_space<vmem>>
    %dma_wait3A_191 = arith.constant 0 : i32
    %dma_wait3A_192 = arith.constant 0 : i32
    %dma_wait3A_193 = arith.constant 0 : i32
    %dma_wait3A_194 = tpu.memref_slice %arg2[%dma_wait3A_191, %dma_wait3A_192, %dma_wait3A_193] : memref<16384x2x1024xf32, #tpu.memory_space<hbm>> -> memref<16384x2x1024xf32, #tpu.memory_space<hbm>>
    tpu.wait_indirect_dma semaphore(%arg7 : memref<!tpu.dma_semaphore, #tpu.memory_space<semaphore_mem>>) src(%dma_wait3A_194 : memref<16384x2x1024xf32, #tpu.memory_space<hbm>>) dst(%arg6 : memref<24x2x1024xf32, #tpu.memory_space<vmem>>)
    %add3A_195 = arith.constant 312 : i32
    %add3A_196 = arith.addi %mul3A_2, %add3A_195 : i32
    "tpu.region"() ({
      %run_scoped3A = tpu.sem_alloc : memref<!tpu.dma_semaphore, #tpu.memory_space<semaphore_mem>>
      %dma_start3A_225 = arith.constant 0 : i32
      %dma_start3A_226 = arith.constant 0 : i32
      %dma_start3A_227 = tpu.memref_slice %arg4[%add3A_196, %dma_start3A_225, %dma_start3A_226] : memref<12288x2x1024xf32, #tpu.memory_space<hbm>> -> memref<24x2x1024xf32, #tpu.memory_space<hbm>>
      %dma_start3A_228 = arith.constant 0 : i32
      %dma_start3A_229 = arith.constant 0 : i32
      %dma_start3A_230 = tpu.memref_slice %arg4[%add3A_196, %dma_start3A_228, %dma_start3A_229] : memref<12288x2x1024xf32, #tpu.memory_space<hbm>> -> memref<24x2x1024xf32, #tpu.memory_space<hbm>>
      tpu.enqueue_dma source(%arg6 : memref<24x2x1024xf32, #tpu.memory_space<vmem>>) target(%dma_start3A_230 : memref<24x2x1024xf32, #tpu.memory_space<hbm>>) target_semaphore(%run_scoped3A : memref<!tpu.dma_semaphore, #tpu.memory_space<semaphore_mem>>)
      %dma_wait3A_231 = arith.constant 0 : i32
      %dma_wait3A_232 = arith.constant 0 : i32
      %dma_wait3A_233 = tpu.memref_slice %arg4[%add3A_196, %dma_wait3A_231, %dma_wait3A_232] : memref<12288x2x1024xf32, #tpu.memory_space<hbm>> -> memref<24x2x1024xf32, #tpu.memory_space<hbm>>
      %dma_wait3A_234 = arith.constant 0 : i32
      %dma_wait3A_235 = arith.constant 0 : i32
      %dma_wait3A_236 = tpu.memref_slice %arg4[%add3A_196, %dma_wait3A_234, %dma_wait3A_235] : memref<12288x2x1024xf32, #tpu.memory_space<hbm>> -> memref<24x2x1024xf32, #tpu.memory_space<hbm>>
      tpu.wait_dma2 semaphore(%run_scoped3A : memref<!tpu.dma_semaphore, #tpu.memory_space<semaphore_mem>>) src(%arg6 : memref<24x2x1024xf32, #tpu.memory_space<vmem>>) dst(%dma_wait3A_236 : memref<24x2x1024xf32, #tpu.memory_space<hbm>>)
      tpu.yield
    }) : () -> ()
    %dma_start3A_197 = arith.constant 336 : i32
    %dma_start3A_198 = tpu.memref_slice %arg5[%dma_start3A_197] : memref<384xi32, #tpu.memory_space<vmem>> -> memref<24xi32, #tpu.memory_space<vmem>>
    %dma_start3A_199 = arith.constant 0 : i32
    %dma_start3A_200 = arith.constant 0 : i32
    %dma_start3A_201 = arith.constant 0 : i32
    %dma_start3A_202 = tpu.memref_slice %arg2[%dma_start3A_199, %dma_start3A_200, %dma_start3A_201] : memref<16384x2x1024xf32, #tpu.memory_space<hbm>> -> memref<16384x2x1024xf32, #tpu.memory_space<hbm>>
    tpu.enqueue_indirect_dma source(%dma_start3A_202 : memref<16384x2x1024xf32, #tpu.memory_space<hbm>>) target(%arg6 : memref<24x2x1024xf32, #tpu.memory_space<vmem>>) offsets(%dma_start3A_198 : memref<24xi32, #tpu.memory_space<vmem>>) semaphore(%arg7 : memref<!tpu.dma_semaphore, #tpu.memory_space<semaphore_mem>>)
    %dma_wait3A_203 = arith.constant 336 : i32
    %dma_wait3A_204 = tpu.memref_slice %arg5[%dma_wait3A_203] : memref<384xi32, #tpu.memory_space<vmem>> -> memref<24xi32, #tpu.memory_space<vmem>>
    %dma_wait3A_205 = arith.constant 0 : i32
    %dma_wait3A_206 = arith.constant 0 : i32
    %dma_wait3A_207 = arith.constant 0 : i32
    %dma_wait3A_208 = tpu.memref_slice %arg2[%dma_wait3A_205, %dma_wait3A_206, %dma_wait3A_207] : memref<16384x2x1024xf32, #tpu.memory_space<hbm>> -> memref<16384x2x1024xf32, #tpu.memory_space<hbm>>
    tpu.wait_indirect_dma semaphore(%arg7 : memref<!tpu.dma_semaphore, #tpu.memory_space<semaphore_mem>>) src(%dma_wait3A_208 : memref<16384x2x1024xf32, #tpu.memory_space<hbm>>) dst(%arg6 : memref<24x2x1024xf32, #tpu.memory_space<vmem>>)
    %add3A_209 = arith.constant 336 : i32
    %add3A_210 = arith.addi %mul3A_2, %add3A_209 : i32
    "tpu.region"() ({
      %run_scoped3A = tpu.sem_alloc : memref<!tpu.dma_semaphore, #tpu.memory_space<semaphore_mem>>
      %dma_start3A_225 = arith.constant 0 : i32
      %dma_start3A_226 = arith.constant 0 : i32
      %dma_start3A_227 = tpu.memref_slice %arg4[%add3A_210, %dma_start3A_225, %dma_start3A_226] : memref<12288x2x1024xf32, #tpu.memory_space<hbm>> -> memref<24x2x1024xf32, #tpu.memory_space<hbm>>
      %dma_start3A_228 = arith.constant 0 : i32
      %dma_start3A_229 = arith.constant 0 : i32
      %dma_start3A_230 = tpu.memref_slice %arg4[%add3A_210, %dma_start3A_228, %dma_start3A_229] : memref<12288x2x1024xf32, #tpu.memory_space<hbm>> -> memref<24x2x1024xf32, #tpu.memory_space<hbm>>
      tpu.enqueue_dma source(%arg6 : memref<24x2x1024xf32, #tpu.memory_space<vmem>>) target(%dma_start3A_230 : memref<24x2x1024xf32, #tpu.memory_space<hbm>>) target_semaphore(%run_scoped3A : memref<!tpu.dma_semaphore, #tpu.memory_space<semaphore_mem>>)
      %dma_wait3A_231 = arith.constant 0 : i32
      %dma_wait3A_232 = arith.constant 0 : i32
      %dma_wait3A_233 = tpu.memref_slice %arg4[%add3A_210, %dma_wait3A_231, %dma_wait3A_232] : memref<12288x2x1024xf32, #tpu.memory_space<hbm>> -> memref<24x2x1024xf32, #tpu.memory_space<hbm>>
      %dma_wait3A_234 = arith.constant 0 : i32
      %dma_wait3A_235 = arith.constant 0 : i32
      %dma_wait3A_236 = tpu.memref_slice %arg4[%add3A_210, %dma_wait3A_234, %dma_wait3A_235] : memref<12288x2x1024xf32, #tpu.memory_space<hbm>> -> memref<24x2x1024xf32, #tpu.memory_space<hbm>>
      tpu.wait_dma2 semaphore(%run_scoped3A : memref<!tpu.dma_semaphore, #tpu.memory_space<semaphore_mem>>) src(%arg6 : memref<24x2x1024xf32, #tpu.memory_space<vmem>>) dst(%dma_wait3A_236 : memref<24x2x1024xf32, #tpu.memory_space<hbm>>)
      tpu.yield
    }) : () -> ()
    %dma_start3A_211 = arith.constant 360 : i32
    %dma_start3A_212 = tpu.memref_slice %arg5[%dma_start3A_211] : memref<384xi32, #tpu.memory_space<vmem>> -> memref<24xi32, #tpu.memory_space<vmem>>
    %dma_start3A_213 = arith.constant 0 : i32
    %dma_start3A_214 = arith.constant 0 : i32
    %dma_start3A_215 = arith.constant 0 : i32
    %dma_start3A_216 = tpu.memref_slice %arg2[%dma_start3A_213, %dma_start3A_214, %dma_start3A_215] : memref<16384x2x1024xf32, #tpu.memory_space<hbm>> -> memref<16384x2x1024xf32, #tpu.memory_space<hbm>>
    tpu.enqueue_indirect_dma source(%dma_start3A_216 : memref<16384x2x1024xf32, #tpu.memory_space<hbm>>) target(%arg6 : memref<24x2x1024xf32, #tpu.memory_space<vmem>>) offsets(%dma_start3A_212 : memref<24xi32, #tpu.memory_space<vmem>>) semaphore(%arg7 : memref<!tpu.dma_semaphore, #tpu.memory_space<semaphore_mem>>)
    %dma_wait3A_217 = arith.constant 360 : i32
    %dma_wait3A_218 = tpu.memref_slice %arg5[%dma_wait3A_217] : memref<384xi32, #tpu.memory_space<vmem>> -> memref<24xi32, #tpu.memory_space<vmem>>
    %dma_wait3A_219 = arith.constant 0 : i32
    %dma_wait3A_220 = arith.constant 0 : i32
    %dma_wait3A_221 = arith.constant 0 : i32
    %dma_wait3A_222 = tpu.memref_slice %arg2[%dma_wait3A_219, %dma_wait3A_220, %dma_wait3A_221] : memref<16384x2x1024xf32, #tpu.memory_space<hbm>> -> memref<16384x2x1024xf32, #tpu.memory_space<hbm>>
    tpu.wait_indirect_dma semaphore(%arg7 : memref<!tpu.dma_semaphore, #tpu.memory_space<semaphore_mem>>) src(%dma_wait3A_222 : memref<16384x2x1024xf32, #tpu.memory_space<hbm>>) dst(%arg6 : memref<24x2x1024xf32, #tpu.memory_space<vmem>>)
    %add3A_223 = arith.constant 360 : i32
    %add3A_224 = arith.addi %mul3A_2, %add3A_223 : i32
    "tpu.region"() ({
      %run_scoped3A = tpu.sem_alloc : memref<!tpu.dma_semaphore, #tpu.memory_space<semaphore_mem>>
      %dma_start3A_225 = arith.constant 0 : i32
      %dma_start3A_226 = arith.constant 0 : i32
      %dma_start3A_227 = tpu.memref_slice %arg4[%add3A_224, %dma_start3A_225, %dma_start3A_226] : memref<12288x2x1024xf32, #tpu.memory_space<hbm>> -> memref<24x2x1024xf32, #tpu.memory_space<hbm>>
      %dma_start3A_228 = arith.constant 0 : i32
      %dma_start3A_229 = arith.constant 0 : i32
      %dma_start3A_230 = tpu.memref_slice %arg4[%add3A_224, %dma_start3A_228, %dma_start3A_229] : memref<12288x2x1024xf32, #tpu.memory_space<hbm>> -> memref<24x2x1024xf32, #tpu.memory_space<hbm>>
      tpu.enqueue_dma source(%arg6 : memref<24x2x1024xf32, #tpu.memory_space<vmem>>) target(%dma_start3A_230 : memref<24x2x1024xf32, #tpu.memory_space<hbm>>) target_semaphore(%run_scoped3A : memref<!tpu.dma_semaphore, #tpu.memory_space<semaphore_mem>>)
      %dma_wait3A_231 = arith.constant 0 : i32
      %dma_wait3A_232 = arith.constant 0 : i32
      %dma_wait3A_233 = tpu.memref_slice %arg4[%add3A_224, %dma_wait3A_231, %dma_wait3A_232] : memref<12288x2x1024xf32, #tpu.memory_space<hbm>> -> memref<24x2x1024xf32, #tpu.memory_space<hbm>>
      %dma_wait3A_234 = arith.constant 0 : i32
      %dma_wait3A_235 = arith.constant 0 : i32
      %dma_wait3A_236 = tpu.memref_slice %arg4[%add3A_224, %dma_wait3A_234, %dma_wait3A_235] : memref<12288x2x1024xf32, #tpu.memory_space<hbm>> -> memref<24x2x1024xf32, #tpu.memory_space<hbm>>
      tpu.wait_dma2 semaphore(%run_scoped3A : memref<!tpu.dma_semaphore, #tpu.memory_space<semaphore_mem>>) src(%arg6 : memref<24x2x1024xf32, #tpu.memory_space<vmem>>) dst(%dma_wait3A_236 : memref<24x2x1024xf32, #tpu.memory_space<hbm>>)
      tpu.yield
    }) : () -> ()
    return
  }
}

module attributes {stable_mosaic.version = 14 : i64} {
  func.func @_knn_body(%arg0: i32, %arg1: i32, %arg2: i32, %arg3: memref<1x256x1024xbf16, #tpu.memory_space<vmem>>, %arg4: memref<1x4096x1024xbf16, #tpu.memory_space<vmem>>, %arg5: memref<1x2048x8xi32, #tpu.memory_space<vmem>>) attributes {dimension_semantics = [#tpu.dimension_semantics<arbitrary>, #tpu.dimension_semantics<arbitrary>, #tpu.dimension_semantics<arbitrary>], iteration_bounds = array<i64: 2, 2, 8>, scalar_prefetch = 0 : i64, scratch_operands = 0 : i64, tpu.core_type = #tpu.core_type<tc>, window_params = [{transform_indices = @transform_0, window_bounds = array<i64: 1, 256, 1024>}, {transform_indices = @transform_1, window_bounds = array<i64: 1, 4096, 1024>}, {transform_indices = @transform_2, window_bounds = array<i64: 1, 2048, 8>}]} {
    %mul3A = arith.constant 256 : i32
    %mul3A_0 = arith.muli %arg2, %mul3A : i32
    %get3A = arith.constant 0 : index
    %get3A_1 = arith.constant 0 : index
    %get3A_2 = arith.constant 0 : index
    %get3A_3 = vector.load %arg3[%get3A, %get3A_1, %get3A_2] : memref<1x256x1024xbf16, #tpu.memory_space<vmem>>, vector<1x256x1024xbf16>
    %get3A_4 = vector.shape_cast %get3A_3 : vector<1x256x1024xbf16> to vector<256x1024xbf16>
    %get3A_5 = arith.constant 0 : index
    %get3A_6 = arith.constant 0 : index
    %get3A_7 = arith.constant 0 : index
    %get3A_8 = vector.load %arg4[%get3A_5, %get3A_6, %get3A_7] : memref<1x4096x1024xbf16, #tpu.memory_space<vmem>>, vector<1x4096x1024xbf16>
    %get3A_9 = vector.shape_cast %get3A_8 : vector<1x4096x1024xbf16> to vector<4096x1024xbf16>
    %dot_general3A = arith.constant dense<0.000000e+00> : vector<256x4096xf32>
    %dot_general3A_10 = tpu.matmul %get3A_4, %get3A_9, %dot_general3A {dimension_numbers = #tpu.dot_dimension_numbers<[1], [1], [0], [0], [0, 0, 1, 0], [], []>, transpose_lhs_hint = false} : vector<256x1024xbf16>, vector<4096x1024xbf16>, vector<256x4096xf32> -> vector<256x4096xf32>
    %mul3A_11 = arith.constant 4096 : i32
    %mul3A_12 = arith.muli %arg1, %mul3A_11 : i32
    %iota3A = tpu.iota {dimensions = array<i32: 1>} : vector<256x4096xi32>
    %add3A = vector.broadcast %mul3A_12 : i32 to vector<256x4096xi32>
    %add3A_13 = arith.addi %add3A, %iota3A : vector<256x4096xi32>
    %reduce_max3A = arith.constant dense<0xFF800000> : vector<256xf32>
    %reduce_max3A_14 = vector.multi_reduction <maximumf>, %dot_general3A_10, %reduce_max3A [1] : vector<256x4096xf32> to vector<256xf32>
    %broadcast_in_dim3A = vector.shape_cast %reduce_max3A_14 : vector<256xf32> to vector<256x1xf32>
    %eq3A = vector.broadcast %broadcast_in_dim3A : vector<256x1xf32> to vector<256x4096xf32>
    %eq3A_15 = arith.cmpf oeq, %dot_general3A_10, %eq3A : vector<256x4096xf32>
    %jit3A = arith.constant 8192 : i32
    %broadcast_in_dim3A_16 = vector.broadcast %jit3A : i32 to vector<256x4096xi32>
    %select_n3A = arith.select %eq3A_15, %add3A_13, %broadcast_in_dim3A_16 : vector<256x4096xi1>, vector<256x4096xi32>
    %reduce_min3A = arith.constant dense<2147483647> : vector<256xi32>
    %reduce_min3A_17 = vector.multi_reduction <minsi>, %select_n3A, %reduce_min3A [1] : vector<256x4096xi32> to vector<256xi32>
    %broadcast_in_dim3A_18 = vector.shape_cast %reduce_min3A_17 : vector<256xi32> to vector<256x1xi32>
    %eq3A_19 = vector.broadcast %broadcast_in_dim3A_18 : vector<256x1xi32> to vector<256x4096xi32>
    %eq3A_20 = arith.cmpi eq, %add3A_13, %eq3A_19 : vector<256x4096xi32>
    %jit3A_21 = arith.constant 0xFF800000 : f32
    %broadcast_in_dim3A_22 = vector.broadcast %jit3A_21 : f32 to vector<256x4096xf32>
    %select_n3A_23 = arith.select %eq3A_20, %broadcast_in_dim3A_22, %dot_general3A_10 : vector<256x4096xi1>, vector<256x4096xf32>
    %reduce_max3A_24 = arith.constant dense<0xFF800000> : vector<256xf32>
    %reduce_max3A_25 = vector.multi_reduction <maximumf>, %select_n3A_23, %reduce_max3A_24 [1] : vector<256x4096xf32> to vector<256xf32>
    %broadcast_in_dim3A_26 = vector.shape_cast %reduce_max3A_25 : vector<256xf32> to vector<256x1xf32>
    %eq3A_27 = vector.broadcast %broadcast_in_dim3A_26 : vector<256x1xf32> to vector<256x4096xf32>
    %eq3A_28 = arith.cmpf oeq, %select_n3A_23, %eq3A_27 : vector<256x4096xf32>
    %jit3A_29 = arith.constant 8192 : i32
    %broadcast_in_dim3A_30 = vector.broadcast %jit3A_29 : i32 to vector<256x4096xi32>
    %select_n3A_31 = arith.select %eq3A_28, %add3A_13, %broadcast_in_dim3A_30 : vector<256x4096xi1>, vector<256x4096xi32>
    %reduce_min3A_32 = arith.constant dense<2147483647> : vector<256xi32>
    %reduce_min3A_33 = vector.multi_reduction <minsi>, %select_n3A_31, %reduce_min3A_32 [1] : vector<256x4096xi32> to vector<256xi32>
    %broadcast_in_dim3A_34 = vector.shape_cast %reduce_min3A_33 : vector<256xi32> to vector<256x1xi32>
    %eq3A_35 = vector.broadcast %broadcast_in_dim3A_34 : vector<256x1xi32> to vector<256x4096xi32>
    %eq3A_36 = arith.cmpi eq, %add3A_13, %eq3A_35 : vector<256x4096xi32>
    %jit3A_37 = arith.constant 0xFF800000 : f32
    %broadcast_in_dim3A_38 = vector.broadcast %jit3A_37 : f32 to vector<256x4096xf32>
    %select_n3A_39 = arith.select %eq3A_36, %broadcast_in_dim3A_38, %select_n3A_23 : vector<256x4096xi1>, vector<256x4096xf32>
    %reduce_max3A_40 = arith.constant dense<0xFF800000> : vector<256xf32>
    %reduce_max3A_41 = vector.multi_reduction <maximumf>, %select_n3A_39, %reduce_max3A_40 [1] : vector<256x4096xf32> to vector<256xf32>
    %broadcast_in_dim3A_42 = vector.shape_cast %reduce_max3A_41 : vector<256xf32> to vector<256x1xf32>
    %eq3A_43 = vector.broadcast %broadcast_in_dim3A_42 : vector<256x1xf32> to vector<256x4096xf32>
    %eq3A_44 = arith.cmpf oeq, %select_n3A_39, %eq3A_43 : vector<256x4096xf32>
    %jit3A_45 = arith.constant 8192 : i32
    %broadcast_in_dim3A_46 = vector.broadcast %jit3A_45 : i32 to vector<256x4096xi32>
    %select_n3A_47 = arith.select %eq3A_44, %add3A_13, %broadcast_in_dim3A_46 : vector<256x4096xi1>, vector<256x4096xi32>
    %reduce_min3A_48 = arith.constant dense<2147483647> : vector<256xi32>
    %reduce_min3A_49 = vector.multi_reduction <minsi>, %select_n3A_47, %reduce_min3A_48 [1] : vector<256x4096xi32> to vector<256xi32>
    %broadcast_in_dim3A_50 = vector.shape_cast %reduce_min3A_49 : vector<256xi32> to vector<256x1xi32>
    %concatenate3A = tpu.concatenate %broadcast_in_dim3A, %broadcast_in_dim3A_26, %broadcast_in_dim3A_42 in 1 : vector<256x1xf32>, vector<256x1xf32>, vector<256x1xf32> -> vector<256x3xf32>
    %concatenate3A_51 = tpu.concatenate %broadcast_in_dim3A_18, %broadcast_in_dim3A_34, %broadcast_in_dim3A_50 in 1 : vector<256x1xi32>, vector<256x1xi32>, vector<256x1xi32> -> vector<256x3xi32>
    %get3A_52 = arith.constant 0 : index
    %get3A_53 = arith.index_cast %mul3A_0 : i32 to index
    %get3A_54 = arith.constant 0 : index
    %get3A_55 = vector.load %arg5[%get3A_52, %get3A_53, %get3A_54] : memref<1x2048x8xi32, #tpu.memory_space<vmem>>, vector<1x256x3xi32>
    %get3A_56 = vector.shape_cast %get3A_55 : vector<1x256x3xi32> to vector<256x3xi32>
    %bitcast_convert_type3A = tpu.bitcast %get3A_56 : vector<256x3xi32> -> vector<256x3xf32>
    %get3A_57 = arith.constant 0 : index
    %get3A_58 = arith.index_cast %mul3A_0 : i32 to index
    %get3A_59 = arith.constant 3 : index
    %get3A_60 = vector.load %arg5[%get3A_57, %get3A_58, %get3A_59] : memref<1x2048x8xi32, #tpu.memory_space<vmem>>, vector<1x256x3xi32>
    %get3A_61 = vector.shape_cast %get3A_60 : vector<1x256x3xi32> to vector<256x3xi32>
    %eq3A_62 = arith.constant 0 : i32
    %eq3A_63 = arith.cmpi eq, %arg1, %eq3A_62 : i32
    %jit3A_64 = arith.constant 0xFF800000 : f32
    %broadcast_in_dim3A_65 = vector.broadcast %jit3A_64 : f32 to vector<256x3xf32>
    %select_n3A_66 = arith.select %eq3A_63, %broadcast_in_dim3A_65, %bitcast_convert_type3A : vector<256x3xf32>
    %eq3A_67 = arith.constant 0 : i32
    %eq3A_68 = arith.cmpi eq, %arg1, %eq3A_67 : i32
    %jit3A_69 = arith.constant 8192 : i32
    %broadcast_in_dim3A_70 = vector.broadcast %jit3A_69 : i32 to vector<256x3xi32>
    %select_n3A_71 = arith.select %eq3A_68, %broadcast_in_dim3A_70, %get3A_61 : vector<256x3xi32>
    %concatenate3A_72 = tpu.concatenate %concatenate3A, %select_n3A_66 in 1 : vector<256x3xf32>, vector<256x3xf32> -> vector<256x6xf32>
    %concatenate3A_73 = tpu.concatenate %concatenate3A_51, %select_n3A_71 in 1 : vector<256x3xi32>, vector<256x3xi32> -> vector<256x6xi32>
    %reduce_max3A_74 = arith.constant dense<0xFF800000> : vector<256xf32>
    %reduce_max3A_75 = vector.multi_reduction <maximumf>, %concatenate3A_72, %reduce_max3A_74 [1] : vector<256x6xf32> to vector<256xf32>
    %broadcast_in_dim3A_76 = vector.shape_cast %reduce_max3A_75 : vector<256xf32> to vector<256x1xf32>
    %eq3A_77 = vector.broadcast %broadcast_in_dim3A_76 : vector<256x1xf32> to vector<256x6xf32>
    %eq3A_78 = arith.cmpf oeq, %concatenate3A_72, %eq3A_77 : vector<256x6xf32>
    %jit3A_79 = arith.constant 8192 : i32
    %broadcast_in_dim3A_80 = vector.broadcast %jit3A_79 : i32 to vector<256x6xi32>
    %select_n3A_81 = arith.select %eq3A_78, %concatenate3A_73, %broadcast_in_dim3A_80 : vector<256x6xi1>, vector<256x6xi32>
    %reduce_min3A_82 = arith.constant dense<2147483647> : vector<256xi32>
    %reduce_min3A_83 = vector.multi_reduction <minsi>, %select_n3A_81, %reduce_min3A_82 [1] : vector<256x6xi32> to vector<256xi32>
    %broadcast_in_dim3A_84 = vector.shape_cast %reduce_min3A_83 : vector<256xi32> to vector<256x1xi32>
    %eq3A_85 = vector.broadcast %broadcast_in_dim3A_76 : vector<256x1xf32> to vector<256x6xf32>
    %eq3A_86 = arith.cmpf oeq, %concatenate3A_72, %eq3A_85 : vector<256x6xf32>
    %eq3A_87 = vector.broadcast %broadcast_in_dim3A_84 : vector<256x1xi32> to vector<256x6xi32>
    %eq3A_88 = arith.cmpi eq, %concatenate3A_73, %eq3A_87 : vector<256x6xi32>
    %and3A = arith.andi %eq3A_86, %eq3A_88 : vector<256x6xi1>
    %jit3A_89 = arith.constant 0xFF800000 : f32
    %broadcast_in_dim3A_90 = vector.broadcast %jit3A_89 : f32 to vector<256x6xf32>
    %select_n3A_91 = arith.select %and3A, %broadcast_in_dim3A_90, %concatenate3A_72 : vector<256x6xi1>, vector<256x6xf32>
    %reduce_max3A_92 = arith.constant dense<0xFF800000> : vector<256xf32>
    %reduce_max3A_93 = vector.multi_reduction <maximumf>, %select_n3A_91, %reduce_max3A_92 [1] : vector<256x6xf32> to vector<256xf32>
    %broadcast_in_dim3A_94 = vector.shape_cast %reduce_max3A_93 : vector<256xf32> to vector<256x1xf32>
    %eq3A_95 = vector.broadcast %broadcast_in_dim3A_94 : vector<256x1xf32> to vector<256x6xf32>
    %eq3A_96 = arith.cmpf oeq, %select_n3A_91, %eq3A_95 : vector<256x6xf32>
    %jit3A_97 = arith.constant 8192 : i32
    %broadcast_in_dim3A_98 = vector.broadcast %jit3A_97 : i32 to vector<256x6xi32>
    %select_n3A_99 = arith.select %eq3A_96, %concatenate3A_73, %broadcast_in_dim3A_98 : vector<256x6xi1>, vector<256x6xi32>
    %reduce_min3A_100 = arith.constant dense<2147483647> : vector<256xi32>
    %reduce_min3A_101 = vector.multi_reduction <minsi>, %select_n3A_99, %reduce_min3A_100 [1] : vector<256x6xi32> to vector<256xi32>
    %broadcast_in_dim3A_102 = vector.shape_cast %reduce_min3A_101 : vector<256xi32> to vector<256x1xi32>
    %eq3A_103 = vector.broadcast %broadcast_in_dim3A_94 : vector<256x1xf32> to vector<256x6xf32>
    %eq3A_104 = arith.cmpf oeq, %select_n3A_91, %eq3A_103 : vector<256x6xf32>
    %eq3A_105 = vector.broadcast %broadcast_in_dim3A_102 : vector<256x1xi32> to vector<256x6xi32>
    %eq3A_106 = arith.cmpi eq, %concatenate3A_73, %eq3A_105 : vector<256x6xi32>
    %and3A_107 = arith.andi %eq3A_104, %eq3A_106 : vector<256x6xi1>
    %jit3A_108 = arith.constant 0xFF800000 : f32
    %broadcast_in_dim3A_109 = vector.broadcast %jit3A_108 : f32 to vector<256x6xf32>
    %select_n3A_110 = arith.select %and3A_107, %broadcast_in_dim3A_109, %select_n3A_91 : vector<256x6xi1>, vector<256x6xf32>
    %reduce_max3A_111 = arith.constant dense<0xFF800000> : vector<256xf32>
    %reduce_max3A_112 = vector.multi_reduction <maximumf>, %select_n3A_110, %reduce_max3A_111 [1] : vector<256x6xf32> to vector<256xf32>
    %broadcast_in_dim3A_113 = vector.shape_cast %reduce_max3A_112 : vector<256xf32> to vector<256x1xf32>
    %eq3A_114 = vector.broadcast %broadcast_in_dim3A_113 : vector<256x1xf32> to vector<256x6xf32>
    %eq3A_115 = arith.cmpf oeq, %select_n3A_110, %eq3A_114 : vector<256x6xf32>
    %jit3A_116 = arith.constant 8192 : i32
    %broadcast_in_dim3A_117 = vector.broadcast %jit3A_116 : i32 to vector<256x6xi32>
    %select_n3A_118 = arith.select %eq3A_115, %concatenate3A_73, %broadcast_in_dim3A_117 : vector<256x6xi1>, vector<256x6xi32>
    %reduce_min3A_119 = arith.constant dense<2147483647> : vector<256xi32>
    %reduce_min3A_120 = vector.multi_reduction <minsi>, %select_n3A_118, %reduce_min3A_119 [1] : vector<256x6xi32> to vector<256xi32>
    %broadcast_in_dim3A_121 = vector.shape_cast %reduce_min3A_120 : vector<256xi32> to vector<256x1xi32>
    %concatenate3A_122 = tpu.concatenate %broadcast_in_dim3A_76, %broadcast_in_dim3A_94, %broadcast_in_dim3A_113 in 1 : vector<256x1xf32>, vector<256x1xf32>, vector<256x1xf32> -> vector<256x3xf32>
    %concatenate3A_123 = tpu.concatenate %broadcast_in_dim3A_84, %broadcast_in_dim3A_102, %broadcast_in_dim3A_121 in 1 : vector<256x1xi32>, vector<256x1xi32>, vector<256x1xi32> -> vector<256x3xi32>
    %lt3A = arith.constant 1 : i32
    %lt3A_124 = arith.cmpi slt, %arg1, %lt3A : i32
    %convert_element_type3A = arith.extui %lt3A_124 : i1 to i32
    %cond3A = arith.constant 0 : i32
    %cond3A_125 = arith.cmpi ne, %convert_element_type3A, %cond3A : i32
    scf.if %cond3A_125 {
      %bitcast_convert_type3A_131 = tpu.bitcast %concatenate3A_122 : vector<256x3xf32> -> vector<256x3xi32>
      %swap3A = arith.constant 0 : index
      %swap3A_132 = arith.index_cast %mul3A_0 : i32 to index
      %swap3A_133 = arith.constant 0 : index
      %swap3A_134 = vector.load %arg5[%swap3A, %swap3A_132, %swap3A_133] : memref<1x2048x8xi32, #tpu.memory_space<vmem>>, vector<1x256x3xi32>
      %swap3A_135 = vector.shape_cast %swap3A_134 : vector<1x256x3xi32> to vector<256x3xi32>
      %swap3A_136 = vector.shape_cast %bitcast_convert_type3A_131 : vector<256x3xi32> to vector<1x256x3xi32>
      tpu.vector_store %arg5[%swap3A, %swap3A_132, %swap3A_133], %swap3A_136 {strides = array<i32>} : memref<1x2048x8xi32, #tpu.memory_space<vmem>>, vector<1x256x3xi32>,
      %swap3A_137 = arith.constant 0 : index
      %swap3A_138 = arith.index_cast %mul3A_0 : i32 to index
      %swap3A_139 = arith.constant 3 : index
      %swap3A_140 = vector.load %arg5[%swap3A_137, %swap3A_138, %swap3A_139] : memref<1x2048x8xi32, #tpu.memory_space<vmem>>, vector<1x256x3xi32>
      %swap3A_141 = vector.shape_cast %swap3A_140 : vector<1x256x3xi32> to vector<256x3xi32>
      %swap3A_142 = vector.shape_cast %concatenate3A_123 : vector<256x3xi32> to vector<1x256x3xi32>
      tpu.vector_store %arg5[%swap3A_137, %swap3A_138, %swap3A_139], %swap3A_142 {strides = array<i32>} : memref<1x2048x8xi32, #tpu.memory_space<vmem>>, vector<1x256x3xi32>,
    } else {
    }
    %eq3A_126 = arith.constant 1 : i32
    %eq3A_127 = arith.cmpi eq, %arg1, %eq3A_126 : i32
    %convert_element_type3A_128 = arith.extui %eq3A_127 : i1 to i32
    %cond3A_129 = arith.constant 0 : i32
    %cond3A_130 = arith.cmpi ne, %convert_element_type3A_128, %cond3A_129 : i32
    scf.if %cond3A_130 {
      %mul3A_131 = arith.constant 8192 : i32
      %mul3A_132 = arith.muli %arg0, %mul3A_131 : i32
      %add3A_133 = vector.broadcast %mul3A_132 : i32 to vector<256x3xi32>
      %add3A_134 = arith.addi %concatenate3A_123, %add3A_133 : vector<256x3xi32>
      %slice3A = vector.extract_strided_slice %add3A_134 {offsets = [0, 0], sizes = [256, 2], strides = [1, 1]} : vector<256x3xi32> to vector<256x2xi32>
      %concatenate3A_135 = tpu.concatenate %add3A_134, %add3A_134, %slice3A in 1 : vector<256x3xi32>, vector<256x3xi32>, vector<256x2xi32> -> vector<256x8xi32>
      %swap3A = arith.constant 0 : index
      %swap3A_136 = arith.index_cast %mul3A_0 : i32 to index
      %swap3A_137 = arith.constant 0 : index
      %swap3A_138 = vector.load %arg5[%swap3A, %swap3A_136, %swap3A_137] : memref<1x2048x8xi32, #tpu.memory_space<vmem>>, vector<1x256x8xi32>
      %swap3A_139 = vector.shape_cast %swap3A_138 : vector<1x256x8xi32> to vector<256x8xi32>
      %swap3A_140 = vector.shape_cast %concatenate3A_135 : vector<256x8xi32> to vector<1x256x8xi32>
      tpu.vector_store %arg5[%swap3A, %swap3A_136, %swap3A_137], %swap3A_140 {strides = array<i32>} : memref<1x2048x8xi32, #tpu.memory_space<vmem>>, vector<1x256x8xi32>,
    } else {
    }
    return
  }
  func.func @transform_0(%arg0: i32, %arg1: i32, %arg2: i32) -> (i32, i32, i32) {
    %c0_i32 = arith.constant 0 : i32
    %c0_i32_0 = arith.constant 0 : i32
    return %arg0, %arg2, %c0_i32 : i32, i32, i32
  }
  func.func @transform_1(%arg0: i32, %arg1: i32, %arg2: i32) -> (i32, i32, i32) {
    %c0_i32 = arith.constant 0 : i32
    %c0_i32_0 = arith.constant 0 : i32
    return %arg0, %arg1, %c0_i32 : i32, i32, i32
  }
  func.func @transform_2(%arg0: i32, %arg1: i32, %arg2: i32) -> (i32, i32, i32) {
    %c0_i32 = arith.constant 0 : i32
    %c0_i32_0 = arith.constant 0 : i32
    %c0_i32_1 = arith.constant 0 : i32
    return %arg0, %c0_i32, %c0_i32_0 : i32, i32, i32
  }
}

module attributes {stable_mosaic.version = 14 : i64} {
  func.func @_qkv_body(%arg0: i32, %arg1: memref<256x1024xf32, #tpu.memory_space<vmem>>, %arg2: memref<1024x3072xf32, #tpu.memory_space<vmem>>, %arg3: memref<256x1024xbf16, #tpu.memory_space<vmem>>, %arg4: memref<1x16x256x64xbf16, #tpu.memory_space<vmem>>, %arg5: memref<1x16x256x64xbf16, #tpu.memory_space<vmem>>, %arg6: memref<1x16x256x64xbf16, #tpu.memory_space<vmem>>, %arg7: memref<256x2x1024xf32, #tpu.memory_space<vmem>>) attributes {dimension_semantics = [#tpu.dimension_semantics<arbitrary>], iteration_bounds = array<i64: 16>, scalar_prefetch = 0 : i64, scratch_operands = 0 : i64, tpu.core_type = #tpu.core_type<tc>, window_params = [{transform_indices = @transform_0, window_bounds = array<i64: 256, 1024>}, {pipeline_mode = #tpu.pipeline_mode<synchronous>, transform_indices = @transform_1, window_bounds = array<i64: 1024, 3072>}, {transform_indices = @transform_2, window_bounds = array<i64: 256, 1024>}, {transform_indices = @transform_3, window_bounds = array<i64: 1, 16, 256, 64>}, {transform_indices = @transform_4, window_bounds = array<i64: 1, 16, 256, 64>}, {transform_indices = @transform_5, window_bounds = array<i64: 1, 16, 256, 64>}, {transform_indices = @transform_6, window_bounds = array<i64: 256, 2, 1024>}]} {
    %get3A = arith.constant 0 : index
    %get3A_0 = arith.constant 0 : index
    %get3A_1 = vector.load %arg1[%get3A, %get3A_0] : memref<256x1024xf32, #tpu.memory_space<vmem>>, vector<256x1024xf32>
    %convert_element_type3A = arith.truncf %get3A_1 : vector<256x1024xf32> to vector<256x1024xbf16>
    %get3A_2 = arith.constant 0 : index
    %get3A_3 = arith.constant 0 : index
    %get3A_4 = vector.load %arg2[%get3A_2, %get3A_3] : memref<1024x3072xf32, #tpu.memory_space<vmem>>, vector<1024x3072xf32>
    %convert_element_type3A_5 = arith.truncf %get3A_4 : vector<1024x3072xf32> to vector<1024x3072xbf16>
    %dot_general3A = arith.constant dense<0.000000e+00> : vector<256x3072xf32>
    %dot_general3A_6 = tpu.matmul %convert_element_type3A, %convert_element_type3A_5, %dot_general3A {dimension_numbers = #tpu.dot_dimension_numbers<[1], [0], [0], [1], [0, 0, 1, 1], [], []>, transpose_lhs_hint = false} : vector<256x1024xbf16>, vector<1024x3072xbf16>, vector<256x3072xf32> -> vector<256x3072xf32>
    %slice3A = vector.extract_strided_slice %dot_general3A_6 {offsets = [0, 1024], sizes = [256, 1024], strides = [1, 1]} : vector<256x3072xf32> to vector<256x1024xf32>
    %slice3A_7 = vector.extract_strided_slice %dot_general3A_6 {offsets = [0, 2048], sizes = [256, 1024], strides = [1, 1]} : vector<256x3072xf32> to vector<256x1024xf32>
    %swap3A = arith.constant 0 : index
    %swap3A_8 = arith.constant 0 : index
    %swap3A_9 = arith.constant 0 : index
    %swap3A_10 = vector.load %arg7[%swap3A, %swap3A_8, %swap3A_9] : memref<256x2x1024xf32, #tpu.memory_space<vmem>>, vector<256x1x1024xf32>
    %swap3A_11 = vector.shape_cast %swap3A_10 : vector<256x1x1024xf32> to vector<256x1024xf32>
    %swap3A_12 = vector.shape_cast %slice3A : vector<256x1024xf32> to vector<256x1x1024xf32>
    tpu.vector_store %arg7[%swap3A, %swap3A_8, %swap3A_9], %swap3A_12 {strides = array<i32>} : memref<256x2x1024xf32, #tpu.memory_space<vmem>>, vector<256x1x1024xf32>,
    %swap3A_13 = arith.constant 0 : index
    %swap3A_14 = arith.constant 1 : index
    %swap3A_15 = arith.constant 0 : index
    %swap3A_16 = vector.load %arg7[%swap3A_13, %swap3A_14, %swap3A_15] : memref<256x2x1024xf32, #tpu.memory_space<vmem>>, vector<256x1x1024xf32>
    %swap3A_17 = vector.shape_cast %swap3A_16 : vector<256x1x1024xf32> to vector<256x1024xf32>
    %swap3A_18 = vector.shape_cast %slice3A_7 : vector<256x1024xf32> to vector<256x1x1024xf32>
    tpu.vector_store %arg7[%swap3A_13, %swap3A_14, %swap3A_15], %swap3A_18 {strides = array<i32>} : memref<256x2x1024xf32, #tpu.memory_space<vmem>>, vector<256x1x1024xf32>,
    %convert_element_type3A_19 = arith.truncf %dot_general3A_6 : vector<256x3072xf32> to vector<256x3072xbf16>
    %slice3A_20 = vector.extract_strided_slice %convert_element_type3A_19 {offsets = [0, 0], sizes = [256, 1024], strides = [1, 1]} : vector<256x3072xbf16> to vector<256x1024xbf16>
    %swap3A_21 = arith.constant 0 : index
    %swap3A_22 = arith.constant 0 : index
    %swap3A_23 = vector.load %arg3[%swap3A_21, %swap3A_22] : memref<256x1024xbf16, #tpu.memory_space<vmem>>, vector<256x1024xbf16>
    tpu.vector_store %arg3[%swap3A_21, %swap3A_22], %slice3A_20 {strides = array<i32>} : memref<256x1024xbf16, #tpu.memory_space<vmem>>, vector<256x1024xbf16>,
    %slice3A_24 = vector.extract_strided_slice %convert_element_type3A_19 {offsets = [0, 0], sizes = [256, 64], strides = [1, 1]} : vector<256x3072xbf16> to vector<256x64xbf16>
    %swap3A_25 = arith.constant 0 : index
    %swap3A_26 = arith.constant 0 : index
    %swap3A_27 = arith.constant 0 : index
    %swap3A_28 = arith.constant 0 : index
    %swap3A_29 = vector.load %arg4[%swap3A_25, %swap3A_26, %swap3A_27, %swap3A_28] : memref<1x16x256x64xbf16, #tpu.memory_space<vmem>>, vector<1x1x256x64xbf16>
    %swap3A_30 = vector.shape_cast %swap3A_29 : vector<1x1x256x64xbf16> to vector<256x64xbf16>
    %swap3A_31 = vector.shape_cast %slice3A_24 : vector<256x64xbf16> to vector<1x1x256x64xbf16>
    tpu.vector_store %arg4[%swap3A_25, %swap3A_26, %swap3A_27, %swap3A_28], %swap3A_31 {strides = array<i32>} : memref<1x16x256x64xbf16, #tpu.memory_space<vmem>>, vector<1x1x256x64xbf16>,
    %slice3A_32 = vector.extract_strided_slice %convert_element_type3A_19 {offsets = [0, 1024], sizes = [256, 64], strides = [1, 1]} : vector<256x3072xbf16> to vector<256x64xbf16>
    %swap3A_33 = arith.constant 0 : index
    %swap3A_34 = arith.constant 0 : index
    %swap3A_35 = arith.constant 0 : index
    %swap3A_36 = arith.constant 0 : index
    %swap3A_37 = vector.load %arg5[%swap3A_33, %swap3A_34, %swap3A_35, %swap3A_36] : memref<1x16x256x64xbf16, #tpu.memory_space<vmem>>, vector<1x1x256x64xbf16>
    %swap3A_38 = vector.shape_cast %swap3A_37 : vector<1x1x256x64xbf16> to vector<256x64xbf16>
    %swap3A_39 = vector.shape_cast %slice3A_32 : vector<256x64xbf16> to vector<1x1x256x64xbf16>
    tpu.vector_store %arg5[%swap3A_33, %swap3A_34, %swap3A_35, %swap3A_36], %swap3A_39 {strides = array<i32>} : memref<1x16x256x64xbf16, #tpu.memory_space<vmem>>, vector<1x1x256x64xbf16>,
    %slice3A_40 = vector.extract_strided_slice %convert_element_type3A_19 {offsets = [0, 2048], sizes = [256, 64], strides = [1, 1]} : vector<256x3072xbf16> to vector<256x64xbf16>
    %swap3A_41 = arith.constant 0 : index
    %swap3A_42 = arith.constant 0 : index
    %swap3A_43 = arith.constant 0 : index
    %swap3A_44 = arith.constant 0 : index
    %swap3A_45 = vector.load %arg6[%swap3A_41, %swap3A_42, %swap3A_43, %swap3A_44] : memref<1x16x256x64xbf16, #tpu.memory_space<vmem>>, vector<1x1x256x64xbf16>
    %swap3A_46 = vector.shape_cast %swap3A_45 : vector<1x1x256x64xbf16> to vector<256x64xbf16>
    %swap3A_47 = vector.shape_cast %slice3A_40 : vector<256x64xbf16> to vector<1x1x256x64xbf16>
    tpu.vector_store %arg6[%swap3A_41, %swap3A_42, %swap3A_43, %swap3A_44], %swap3A_47 {strides = array<i32>} : memref<1x16x256x64xbf16, #tpu.memory_space<vmem>>, vector<1x1x256x64xbf16>,
    %slice3A_48 = vector.extract_strided_slice %convert_element_type3A_19 {offsets = [0, 64], sizes = [256, 64], strides = [1, 1]} : vector<256x3072xbf16> to vector<256x64xbf16>
    %swap3A_49 = arith.constant 0 : index
    %swap3A_50 = arith.constant 1 : index
    %swap3A_51 = arith.constant 0 : index
    %swap3A_52 = arith.constant 0 : index
    %swap3A_53 = vector.load %arg4[%swap3A_49, %swap3A_50, %swap3A_51, %swap3A_52] : memref<1x16x256x64xbf16, #tpu.memory_space<vmem>>, vector<1x1x256x64xbf16>
    %swap3A_54 = vector.shape_cast %swap3A_53 : vector<1x1x256x64xbf16> to vector<256x64xbf16>
    %swap3A_55 = vector.shape_cast %slice3A_48 : vector<256x64xbf16> to vector<1x1x256x64xbf16>
    tpu.vector_store %arg4[%swap3A_49, %swap3A_50, %swap3A_51, %swap3A_52], %swap3A_55 {strides = array<i32>} : memref<1x16x256x64xbf16, #tpu.memory_space<vmem>>, vector<1x1x256x64xbf16>,
    %slice3A_56 = vector.extract_strided_slice %convert_element_type3A_19 {offsets = [0, 1088], sizes = [256, 64], strides = [1, 1]} : vector<256x3072xbf16> to vector<256x64xbf16>
    %swap3A_57 = arith.constant 0 : index
    %swap3A_58 = arith.constant 1 : index
    %swap3A_59 = arith.constant 0 : index
    %swap3A_60 = arith.constant 0 : index
    %swap3A_61 = vector.load %arg5[%swap3A_57, %swap3A_58, %swap3A_59, %swap3A_60] : memref<1x16x256x64xbf16, #tpu.memory_space<vmem>>, vector<1x1x256x64xbf16>
    %swap3A_62 = vector.shape_cast %swap3A_61 : vector<1x1x256x64xbf16> to vector<256x64xbf16>
    %swap3A_63 = vector.shape_cast %slice3A_56 : vector<256x64xbf16> to vector<1x1x256x64xbf16>
    tpu.vector_store %arg5[%swap3A_57, %swap3A_58, %swap3A_59, %swap3A_60], %swap3A_63 {strides = array<i32>} : memref<1x16x256x64xbf16, #tpu.memory_space<vmem>>, vector<1x1x256x64xbf16>,
    %slice3A_64 = vector.extract_strided_slice %convert_element_type3A_19 {offsets = [0, 2112], sizes = [256, 64], strides = [1, 1]} : vector<256x3072xbf16> to vector<256x64xbf16>
    %swap3A_65 = arith.constant 0 : index
    %swap3A_66 = arith.constant 1 : index
    %swap3A_67 = arith.constant 0 : index
    %swap3A_68 = arith.constant 0 : index
    %swap3A_69 = vector.load %arg6[%swap3A_65, %swap3A_66, %swap3A_67, %swap3A_68] : memref<1x16x256x64xbf16, #tpu.memory_space<vmem>>, vector<1x1x256x64xbf16>
    %swap3A_70 = vector.shape_cast %swap3A_69 : vector<1x1x256x64xbf16> to vector<256x64xbf16>
    %swap3A_71 = vector.shape_cast %slice3A_64 : vector<256x64xbf16> to vector<1x1x256x64xbf16>
    tpu.vector_store %arg6[%swap3A_65, %swap3A_66, %swap3A_67, %swap3A_68], %swap3A_71 {strides = array<i32>} : memref<1x16x256x64xbf16, #tpu.memory_space<vmem>>, vector<1x1x256x64xbf16>,
    %slice3A_72 = vector.extract_strided_slice %convert_element_type3A_19 {offsets = [0, 128], sizes = [256, 64], strides = [1, 1]} : vector<256x3072xbf16> to vector<256x64xbf16>
    %swap3A_73 = arith.constant 0 : index
    %swap3A_74 = arith.constant 2 : index
    %swap3A_75 = arith.constant 0 : index
    %swap3A_76 = arith.constant 0 : index
    %swap3A_77 = vector.load %arg4[%swap3A_73, %swap3A_74, %swap3A_75, %swap3A_76] : memref<1x16x256x64xbf16, #tpu.memory_space<vmem>>, vector<1x1x256x64xbf16>
    %swap3A_78 = vector.shape_cast %swap3A_77 : vector<1x1x256x64xbf16> to vector<256x64xbf16>
    %swap3A_79 = vector.shape_cast %slice3A_72 : vector<256x64xbf16> to vector<1x1x256x64xbf16>
    tpu.vector_store %arg4[%swap3A_73, %swap3A_74, %swap3A_75, %swap3A_76], %swap3A_79 {strides = array<i32>} : memref<1x16x256x64xbf16, #tpu.memory_space<vmem>>, vector<1x1x256x64xbf16>,
    %slice3A_80 = vector.extract_strided_slice %convert_element_type3A_19 {offsets = [0, 1152], sizes = [256, 64], strides = [1, 1]} : vector<256x3072xbf16> to vector<256x64xbf16>
    %swap3A_81 = arith.constant 0 : index
    %swap3A_82 = arith.constant 2 : index
    %swap3A_83 = arith.constant 0 : index
    %swap3A_84 = arith.constant 0 : index
    %swap3A_85 = vector.load %arg5[%swap3A_81, %swap3A_82, %swap3A_83, %swap3A_84] : memref<1x16x256x64xbf16, #tpu.memory_space<vmem>>, vector<1x1x256x64xbf16>
    %swap3A_86 = vector.shape_cast %swap3A_85 : vector<1x1x256x64xbf16> to vector<256x64xbf16>
    %swap3A_87 = vector.shape_cast %slice3A_80 : vector<256x64xbf16> to vector<1x1x256x64xbf16>
    tpu.vector_store %arg5[%swap3A_81, %swap3A_82, %swap3A_83, %swap3A_84], %swap3A_87 {strides = array<i32>} : memref<1x16x256x64xbf16, #tpu.memory_space<vmem>>, vector<1x1x256x64xbf16>,
    %slice3A_88 = vector.extract_strided_slice %convert_element_type3A_19 {offsets = [0, 2176], sizes = [256, 64], strides = [1, 1]} : vector<256x3072xbf16> to vector<256x64xbf16>
    %swap3A_89 = arith.constant 0 : index
    %swap3A_90 = arith.constant 2 : index
    %swap3A_91 = arith.constant 0 : index
    %swap3A_92 = arith.constant 0 : index
    %swap3A_93 = vector.load %arg6[%swap3A_89, %swap3A_90, %swap3A_91, %swap3A_92] : memref<1x16x256x64xbf16, #tpu.memory_space<vmem>>, vector<1x1x256x64xbf16>
    %swap3A_94 = vector.shape_cast %swap3A_93 : vector<1x1x256x64xbf16> to vector<256x64xbf16>
    %swap3A_95 = vector.shape_cast %slice3A_88 : vector<256x64xbf16> to vector<1x1x256x64xbf16>
    tpu.vector_store %arg6[%swap3A_89, %swap3A_90, %swap3A_91, %swap3A_92], %swap3A_95 {strides = array<i32>} : memref<1x16x256x64xbf16, #tpu.memory_space<vmem>>, vector<1x1x256x64xbf16>,
    %slice3A_96 = vector.extract_strided_slice %convert_element_type3A_19 {offsets = [0, 192], sizes = [256, 64], strides = [1, 1]} : vector<256x3072xbf16> to vector<256x64xbf16>
    %swap3A_97 = arith.constant 0 : index
    %swap3A_98 = arith.constant 3 : index
    %swap3A_99 = arith.constant 0 : index
    %swap3A_100 = arith.constant 0 : index
    %swap3A_101 = vector.load %arg4[%swap3A_97, %swap3A_98, %swap3A_99, %swap3A_100] : memref<1x16x256x64xbf16, #tpu.memory_space<vmem>>, vector<1x1x256x64xbf16>
    %swap3A_102 = vector.shape_cast %swap3A_101 : vector<1x1x256x64xbf16> to vector<256x64xbf16>
    %swap3A_103 = vector.shape_cast %slice3A_96 : vector<256x64xbf16> to vector<1x1x256x64xbf16>
    tpu.vector_store %arg4[%swap3A_97, %swap3A_98, %swap3A_99, %swap3A_100], %swap3A_103 {strides = array<i32>} : memref<1x16x256x64xbf16, #tpu.memory_space<vmem>>, vector<1x1x256x64xbf16>,
    %slice3A_104 = vector.extract_strided_slice %convert_element_type3A_19 {offsets = [0, 1216], sizes = [256, 64], strides = [1, 1]} : vector<256x3072xbf16> to vector<256x64xbf16>
    %swap3A_105 = arith.constant 0 : index
    %swap3A_106 = arith.constant 3 : index
    %swap3A_107 = arith.constant 0 : index
    %swap3A_108 = arith.constant 0 : index
    %swap3A_109 = vector.load %arg5[%swap3A_105, %swap3A_106, %swap3A_107, %swap3A_108] : memref<1x16x256x64xbf16, #tpu.memory_space<vmem>>, vector<1x1x256x64xbf16>
    %swap3A_110 = vector.shape_cast %swap3A_109 : vector<1x1x256x64xbf16> to vector<256x64xbf16>
    %swap3A_111 = vector.shape_cast %slice3A_104 : vector<256x64xbf16> to vector<1x1x256x64xbf16>
    tpu.vector_store %arg5[%swap3A_105, %swap3A_106, %swap3A_107, %swap3A_108], %swap3A_111 {strides = array<i32>} : memref<1x16x256x64xbf16, #tpu.memory_space<vmem>>, vector<1x1x256x64xbf16>,
    %slice3A_112 = vector.extract_strided_slice %convert_element_type3A_19 {offsets = [0, 2240], sizes = [256, 64], strides = [1, 1]} : vector<256x3072xbf16> to vector<256x64xbf16>
    %swap3A_113 = arith.constant 0 : index
    %swap3A_114 = arith.constant 3 : index
    %swap3A_115 = arith.constant 0 : index
    %swap3A_116 = arith.constant 0 : index
    %swap3A_117 = vector.load %arg6[%swap3A_113, %swap3A_114, %swap3A_115, %swap3A_116] : memref<1x16x256x64xbf16, #tpu.memory_space<vmem>>, vector<1x1x256x64xbf16>
    %swap3A_118 = vector.shape_cast %swap3A_117 : vector<1x1x256x64xbf16> to vector<256x64xbf16>
    %swap3A_119 = vector.shape_cast %slice3A_112 : vector<256x64xbf16> to vector<1x1x256x64xbf16>
    tpu.vector_store %arg6[%swap3A_113, %swap3A_114, %swap3A_115, %swap3A_116], %swap3A_119 {strides = array<i32>} : memref<1x16x256x64xbf16, #tpu.memory_space<vmem>>, vector<1x1x256x64xbf16>,
    %slice3A_120 = vector.extract_strided_slice %convert_element_type3A_19 {offsets = [0, 256], sizes = [256, 64], strides = [1, 1]} : vector<256x3072xbf16> to vector<256x64xbf16>
    %swap3A_121 = arith.constant 0 : index
    %swap3A_122 = arith.constant 4 : index
    %swap3A_123 = arith.constant 0 : index
    %swap3A_124 = arith.constant 0 : index
    %swap3A_125 = vector.load %arg4[%swap3A_121, %swap3A_122, %swap3A_123, %swap3A_124] : memref<1x16x256x64xbf16, #tpu.memory_space<vmem>>, vector<1x1x256x64xbf16>
    %swap3A_126 = vector.shape_cast %swap3A_125 : vector<1x1x256x64xbf16> to vector<256x64xbf16>
    %swap3A_127 = vector.shape_cast %slice3A_120 : vector<256x64xbf16> to vector<1x1x256x64xbf16>
    tpu.vector_store %arg4[%swap3A_121, %swap3A_122, %swap3A_123, %swap3A_124], %swap3A_127 {strides = array<i32>} : memref<1x16x256x64xbf16, #tpu.memory_space<vmem>>, vector<1x1x256x64xbf16>,
    %slice3A_128 = vector.extract_strided_slice %convert_element_type3A_19 {offsets = [0, 1280], sizes = [256, 64], strides = [1, 1]} : vector<256x3072xbf16> to vector<256x64xbf16>
    %swap3A_129 = arith.constant 0 : index
    %swap3A_130 = arith.constant 4 : index
    %swap3A_131 = arith.constant 0 : index
    %swap3A_132 = arith.constant 0 : index
    %swap3A_133 = vector.load %arg5[%swap3A_129, %swap3A_130, %swap3A_131, %swap3A_132] : memref<1x16x256x64xbf16, #tpu.memory_space<vmem>>, vector<1x1x256x64xbf16>
    %swap3A_134 = vector.shape_cast %swap3A_133 : vector<1x1x256x64xbf16> to vector<256x64xbf16>
    %swap3A_135 = vector.shape_cast %slice3A_128 : vector<256x64xbf16> to vector<1x1x256x64xbf16>
    tpu.vector_store %arg5[%swap3A_129, %swap3A_130, %swap3A_131, %swap3A_132], %swap3A_135 {strides = array<i32>} : memref<1x16x256x64xbf16, #tpu.memory_space<vmem>>, vector<1x1x256x64xbf16>,
    %slice3A_136 = vector.extract_strided_slice %convert_element_type3A_19 {offsets = [0, 2304], sizes = [256, 64], strides = [1, 1]} : vector<256x3072xbf16> to vector<256x64xbf16>
    %swap3A_137 = arith.constant 0 : index
    %swap3A_138 = arith.constant 4 : index
    %swap3A_139 = arith.constant 0 : index
    %swap3A_140 = arith.constant 0 : index
    %swap3A_141 = vector.load %arg6[%swap3A_137, %swap3A_138, %swap3A_139, %swap3A_140] : memref<1x16x256x64xbf16, #tpu.memory_space<vmem>>, vector<1x1x256x64xbf16>
    %swap3A_142 = vector.shape_cast %swap3A_141 : vector<1x1x256x64xbf16> to vector<256x64xbf16>
    %swap3A_143 = vector.shape_cast %slice3A_136 : vector<256x64xbf16> to vector<1x1x256x64xbf16>
    tpu.vector_store %arg6[%swap3A_137, %swap3A_138, %swap3A_139, %swap3A_140], %swap3A_143 {strides = array<i32>} : memref<1x16x256x64xbf16, #tpu.memory_space<vmem>>, vector<1x1x256x64xbf16>,
    %slice3A_144 = vector.extract_strided_slice %convert_element_type3A_19 {offsets = [0, 320], sizes = [256, 64], strides = [1, 1]} : vector<256x3072xbf16> to vector<256x64xbf16>
    %swap3A_145 = arith.constant 0 : index
    %swap3A_146 = arith.constant 5 : index
    %swap3A_147 = arith.constant 0 : index
    %swap3A_148 = arith.constant 0 : index
    %swap3A_149 = vector.load %arg4[%swap3A_145, %swap3A_146, %swap3A_147, %swap3A_148] : memref<1x16x256x64xbf16, #tpu.memory_space<vmem>>, vector<1x1x256x64xbf16>
    %swap3A_150 = vector.shape_cast %swap3A_149 : vector<1x1x256x64xbf16> to vector<256x64xbf16>
    %swap3A_151 = vector.shape_cast %slice3A_144 : vector<256x64xbf16> to vector<1x1x256x64xbf16>
    tpu.vector_store %arg4[%swap3A_145, %swap3A_146, %swap3A_147, %swap3A_148], %swap3A_151 {strides = array<i32>} : memref<1x16x256x64xbf16, #tpu.memory_space<vmem>>, vector<1x1x256x64xbf16>,
    %slice3A_152 = vector.extract_strided_slice %convert_element_type3A_19 {offsets = [0, 1344], sizes = [256, 64], strides = [1, 1]} : vector<256x3072xbf16> to vector<256x64xbf16>
    %swap3A_153 = arith.constant 0 : index
    %swap3A_154 = arith.constant 5 : index
    %swap3A_155 = arith.constant 0 : index
    %swap3A_156 = arith.constant 0 : index
    %swap3A_157 = vector.load %arg5[%swap3A_153, %swap3A_154, %swap3A_155, %swap3A_156] : memref<1x16x256x64xbf16, #tpu.memory_space<vmem>>, vector<1x1x256x64xbf16>
    %swap3A_158 = vector.shape_cast %swap3A_157 : vector<1x1x256x64xbf16> to vector<256x64xbf16>
    %swap3A_159 = vector.shape_cast %slice3A_152 : vector<256x64xbf16> to vector<1x1x256x64xbf16>
    tpu.vector_store %arg5[%swap3A_153, %swap3A_154, %swap3A_155, %swap3A_156], %swap3A_159 {strides = array<i32>} : memref<1x16x256x64xbf16, #tpu.memory_space<vmem>>, vector<1x1x256x64xbf16>,
    %slice3A_160 = vector.extract_strided_slice %convert_element_type3A_19 {offsets = [0, 2368], sizes = [256, 64], strides = [1, 1]} : vector<256x3072xbf16> to vector<256x64xbf16>
    %swap3A_161 = arith.constant 0 : index
    %swap3A_162 = arith.constant 5 : index
    %swap3A_163 = arith.constant 0 : index
    %swap3A_164 = arith.constant 0 : index
    %swap3A_165 = vector.load %arg6[%swap3A_161, %swap3A_162, %swap3A_163, %swap3A_164] : memref<1x16x256x64xbf16, #tpu.memory_space<vmem>>, vector<1x1x256x64xbf16>
    %swap3A_166 = vector.shape_cast %swap3A_165 : vector<1x1x256x64xbf16> to vector<256x64xbf16>
    %swap3A_167 = vector.shape_cast %slice3A_160 : vector<256x64xbf16> to vector<1x1x256x64xbf16>
    tpu.vector_store %arg6[%swap3A_161, %swap3A_162, %swap3A_163, %swap3A_164], %swap3A_167 {strides = array<i32>} : memref<1x16x256x64xbf16, #tpu.memory_space<vmem>>, vector<1x1x256x64xbf16>,
    %slice3A_168 = vector.extract_strided_slice %convert_element_type3A_19 {offsets = [0, 384], sizes = [256, 64], strides = [1, 1]} : vector<256x3072xbf16> to vector<256x64xbf16>
    %swap3A_169 = arith.constant 0 : index
    %swap3A_170 = arith.constant 6 : index
    %swap3A_171 = arith.constant 0 : index
    %swap3A_172 = arith.constant 0 : index
    %swap3A_173 = vector.load %arg4[%swap3A_169, %swap3A_170, %swap3A_171, %swap3A_172] : memref<1x16x256x64xbf16, #tpu.memory_space<vmem>>, vector<1x1x256x64xbf16>
    %swap3A_174 = vector.shape_cast %swap3A_173 : vector<1x1x256x64xbf16> to vector<256x64xbf16>
    %swap3A_175 = vector.shape_cast %slice3A_168 : vector<256x64xbf16> to vector<1x1x256x64xbf16>
    tpu.vector_store %arg4[%swap3A_169, %swap3A_170, %swap3A_171, %swap3A_172], %swap3A_175 {strides = array<i32>} : memref<1x16x256x64xbf16, #tpu.memory_space<vmem>>, vector<1x1x256x64xbf16>,
    %slice3A_176 = vector.extract_strided_slice %convert_element_type3A_19 {offsets = [0, 1408], sizes = [256, 64], strides = [1, 1]} : vector<256x3072xbf16> to vector<256x64xbf16>
    %swap3A_177 = arith.constant 0 : index
    %swap3A_178 = arith.constant 6 : index
    %swap3A_179 = arith.constant 0 : index
    %swap3A_180 = arith.constant 0 : index
    %swap3A_181 = vector.load %arg5[%swap3A_177, %swap3A_178, %swap3A_179, %swap3A_180] : memref<1x16x256x64xbf16, #tpu.memory_space<vmem>>, vector<1x1x256x64xbf16>
    %swap3A_182 = vector.shape_cast %swap3A_181 : vector<1x1x256x64xbf16> to vector<256x64xbf16>
    %swap3A_183 = vector.shape_cast %slice3A_176 : vector<256x64xbf16> to vector<1x1x256x64xbf16>
    tpu.vector_store %arg5[%swap3A_177, %swap3A_178, %swap3A_179, %swap3A_180], %swap3A_183 {strides = array<i32>} : memref<1x16x256x64xbf16, #tpu.memory_space<vmem>>, vector<1x1x256x64xbf16>,
    %slice3A_184 = vector.extract_strided_slice %convert_element_type3A_19 {offsets = [0, 2432], sizes = [256, 64], strides = [1, 1]} : vector<256x3072xbf16> to vector<256x64xbf16>
    %swap3A_185 = arith.constant 0 : index
    %swap3A_186 = arith.constant 6 : index
    %swap3A_187 = arith.constant 0 : index
    %swap3A_188 = arith.constant 0 : index
    %swap3A_189 = vector.load %arg6[%swap3A_185, %swap3A_186, %swap3A_187, %swap3A_188] : memref<1x16x256x64xbf16, #tpu.memory_space<vmem>>, vector<1x1x256x64xbf16>
    %swap3A_190 = vector.shape_cast %swap3A_189 : vector<1x1x256x64xbf16> to vector<256x64xbf16>
    %swap3A_191 = vector.shape_cast %slice3A_184 : vector<256x64xbf16> to vector<1x1x256x64xbf16>
    tpu.vector_store %arg6[%swap3A_185, %swap3A_186, %swap3A_187, %swap3A_188], %swap3A_191 {strides = array<i32>} : memref<1x16x256x64xbf16, #tpu.memory_space<vmem>>, vector<1x1x256x64xbf16>,
    %slice3A_192 = vector.extract_strided_slice %convert_element_type3A_19 {offsets = [0, 448], sizes = [256, 64], strides = [1, 1]} : vector<256x3072xbf16> to vector<256x64xbf16>
    %swap3A_193 = arith.constant 0 : index
    %swap3A_194 = arith.constant 7 : index
    %swap3A_195 = arith.constant 0 : index
    %swap3A_196 = arith.constant 0 : index
    %swap3A_197 = vector.load %arg4[%swap3A_193, %swap3A_194, %swap3A_195, %swap3A_196] : memref<1x16x256x64xbf16, #tpu.memory_space<vmem>>, vector<1x1x256x64xbf16>
    %swap3A_198 = vector.shape_cast %swap3A_197 : vector<1x1x256x64xbf16> to vector<256x64xbf16>
    %swap3A_199 = vector.shape_cast %slice3A_192 : vector<256x64xbf16> to vector<1x1x256x64xbf16>
    tpu.vector_store %arg4[%swap3A_193, %swap3A_194, %swap3A_195, %swap3A_196], %swap3A_199 {strides = array<i32>} : memref<1x16x256x64xbf16, #tpu.memory_space<vmem>>, vector<1x1x256x64xbf16>,
    %slice3A_200 = vector.extract_strided_slice %convert_element_type3A_19 {offsets = [0, 1472], sizes = [256, 64], strides = [1, 1]} : vector<256x3072xbf16> to vector<256x64xbf16>
    %swap3A_201 = arith.constant 0 : index
    %swap3A_202 = arith.constant 7 : index
    %swap3A_203 = arith.constant 0 : index
    %swap3A_204 = arith.constant 0 : index
    %swap3A_205 = vector.load %arg5[%swap3A_201, %swap3A_202, %swap3A_203, %swap3A_204] : memref<1x16x256x64xbf16, #tpu.memory_space<vmem>>, vector<1x1x256x64xbf16>
    %swap3A_206 = vector.shape_cast %swap3A_205 : vector<1x1x256x64xbf16> to vector<256x64xbf16>
    %swap3A_207 = vector.shape_cast %slice3A_200 : vector<256x64xbf16> to vector<1x1x256x64xbf16>
    tpu.vector_store %arg5[%swap3A_201, %swap3A_202, %swap3A_203, %swap3A_204], %swap3A_207 {strides = array<i32>} : memref<1x16x256x64xbf16, #tpu.memory_space<vmem>>, vector<1x1x256x64xbf16>,
    %slice3A_208 = vector.extract_strided_slice %convert_element_type3A_19 {offsets = [0, 2496], sizes = [256, 64], strides = [1, 1]} : vector<256x3072xbf16> to vector<256x64xbf16>
    %swap3A_209 = arith.constant 0 : index
    %swap3A_210 = arith.constant 7 : index
    %swap3A_211 = arith.constant 0 : index
    %swap3A_212 = arith.constant 0 : index
    %swap3A_213 = vector.load %arg6[%swap3A_209, %swap3A_210, %swap3A_211, %swap3A_212] : memref<1x16x256x64xbf16, #tpu.memory_space<vmem>>, vector<1x1x256x64xbf16>
    %swap3A_214 = vector.shape_cast %swap3A_213 : vector<1x1x256x64xbf16> to vector<256x64xbf16>
    %swap3A_215 = vector.shape_cast %slice3A_208 : vector<256x64xbf16> to vector<1x1x256x64xbf16>
    tpu.vector_store %arg6[%swap3A_209, %swap3A_210, %swap3A_211, %swap3A_212], %swap3A_215 {strides = array<i32>} : memref<1x16x256x64xbf16, #tpu.memory_space<vmem>>, vector<1x1x256x64xbf16>,
    %slice3A_216 = vector.extract_strided_slice %convert_element_type3A_19 {offsets = [0, 512], sizes = [256, 64], strides = [1, 1]} : vector<256x3072xbf16> to vector<256x64xbf16>
    %swap3A_217 = arith.constant 0 : index
    %swap3A_218 = arith.constant 8 : index
    %swap3A_219 = arith.constant 0 : index
    %swap3A_220 = arith.constant 0 : index
    %swap3A_221 = vector.load %arg4[%swap3A_217, %swap3A_218, %swap3A_219, %swap3A_220] : memref<1x16x256x64xbf16, #tpu.memory_space<vmem>>, vector<1x1x256x64xbf16>
    %swap3A_222 = vector.shape_cast %swap3A_221 : vector<1x1x256x64xbf16> to vector<256x64xbf16>
    %swap3A_223 = vector.shape_cast %slice3A_216 : vector<256x64xbf16> to vector<1x1x256x64xbf16>
    tpu.vector_store %arg4[%swap3A_217, %swap3A_218, %swap3A_219, %swap3A_220], %swap3A_223 {strides = array<i32>} : memref<1x16x256x64xbf16, #tpu.memory_space<vmem>>, vector<1x1x256x64xbf16>,
    %slice3A_224 = vector.extract_strided_slice %convert_element_type3A_19 {offsets = [0, 1536], sizes = [256, 64], strides = [1, 1]} : vector<256x3072xbf16> to vector<256x64xbf16>
    %swap3A_225 = arith.constant 0 : index
    %swap3A_226 = arith.constant 8 : index
    %swap3A_227 = arith.constant 0 : index
    %swap3A_228 = arith.constant 0 : index
    %swap3A_229 = vector.load %arg5[%swap3A_225, %swap3A_226, %swap3A_227, %swap3A_228] : memref<1x16x256x64xbf16, #tpu.memory_space<vmem>>, vector<1x1x256x64xbf16>
    %swap3A_230 = vector.shape_cast %swap3A_229 : vector<1x1x256x64xbf16> to vector<256x64xbf16>
    %swap3A_231 = vector.shape_cast %slice3A_224 : vector<256x64xbf16> to vector<1x1x256x64xbf16>
    tpu.vector_store %arg5[%swap3A_225, %swap3A_226, %swap3A_227, %swap3A_228], %swap3A_231 {strides = array<i32>} : memref<1x16x256x64xbf16, #tpu.memory_space<vmem>>, vector<1x1x256x64xbf16>,
    %slice3A_232 = vector.extract_strided_slice %convert_element_type3A_19 {offsets = [0, 2560], sizes = [256, 64], strides = [1, 1]} : vector<256x3072xbf16> to vector<256x64xbf16>
    %swap3A_233 = arith.constant 0 : index
    %swap3A_234 = arith.constant 8 : index
    %swap3A_235 = arith.constant 0 : index
    %swap3A_236 = arith.constant 0 : index
    %swap3A_237 = vector.load %arg6[%swap3A_233, %swap3A_234, %swap3A_235, %swap3A_236] : memref<1x16x256x64xbf16, #tpu.memory_space<vmem>>, vector<1x1x256x64xbf16>
    %swap3A_238 = vector.shape_cast %swap3A_237 : vector<1x1x256x64xbf16> to vector<256x64xbf16>
    %swap3A_239 = vector.shape_cast %slice3A_232 : vector<256x64xbf16> to vector<1x1x256x64xbf16>
    tpu.vector_store %arg6[%swap3A_233, %swap3A_234, %swap3A_235, %swap3A_236], %swap3A_239 {strides = array<i32>} : memref<1x16x256x64xbf16, #tpu.memory_space<vmem>>, vector<1x1x256x64xbf16>,
    %slice3A_240 = vector.extract_strided_slice %convert_element_type3A_19 {offsets = [0, 576], sizes = [256, 64], strides = [1, 1]} : vector<256x3072xbf16> to vector<256x64xbf16>
    %swap3A_241 = arith.constant 0 : index
    %swap3A_242 = arith.constant 9 : index
    %swap3A_243 = arith.constant 0 : index
    %swap3A_244 = arith.constant 0 : index
    %swap3A_245 = vector.load %arg4[%swap3A_241, %swap3A_242, %swap3A_243, %swap3A_244] : memref<1x16x256x64xbf16, #tpu.memory_space<vmem>>, vector<1x1x256x64xbf16>
    %swap3A_246 = vector.shape_cast %swap3A_245 : vector<1x1x256x64xbf16> to vector<256x64xbf16>
    %swap3A_247 = vector.shape_cast %slice3A_240 : vector<256x64xbf16> to vector<1x1x256x64xbf16>
    tpu.vector_store %arg4[%swap3A_241, %swap3A_242, %swap3A_243, %swap3A_244], %swap3A_247 {strides = array<i32>} : memref<1x16x256x64xbf16, #tpu.memory_space<vmem>>, vector<1x1x256x64xbf16>,
    %slice3A_248 = vector.extract_strided_slice %convert_element_type3A_19 {offsets = [0, 1600], sizes = [256, 64], strides = [1, 1]} : vector<256x3072xbf16> to vector<256x64xbf16>
    %swap3A_249 = arith.constant 0 : index
    %swap3A_250 = arith.constant 9 : index
    %swap3A_251 = arith.constant 0 : index
    %swap3A_252 = arith.constant 0 : index
    %swap3A_253 = vector.load %arg5[%swap3A_249, %swap3A_250, %swap3A_251, %swap3A_252] : memref<1x16x256x64xbf16, #tpu.memory_space<vmem>>, vector<1x1x256x64xbf16>
    %swap3A_254 = vector.shape_cast %swap3A_253 : vector<1x1x256x64xbf16> to vector<256x64xbf16>
    %swap3A_255 = vector.shape_cast %slice3A_248 : vector<256x64xbf16> to vector<1x1x256x64xbf16>
    tpu.vector_store %arg5[%swap3A_249, %swap3A_250, %swap3A_251, %swap3A_252], %swap3A_255 {strides = array<i32>} : memref<1x16x256x64xbf16, #tpu.memory_space<vmem>>, vector<1x1x256x64xbf16>,
    %slice3A_256 = vector.extract_strided_slice %convert_element_type3A_19 {offsets = [0, 2624], sizes = [256, 64], strides = [1, 1]} : vector<256x3072xbf16> to vector<256x64xbf16>
    %swap3A_257 = arith.constant 0 : index
    %swap3A_258 = arith.constant 9 : index
    %swap3A_259 = arith.constant 0 : index
    %swap3A_260 = arith.constant 0 : index
    %swap3A_261 = vector.load %arg6[%swap3A_257, %swap3A_258, %swap3A_259, %swap3A_260] : memref<1x16x256x64xbf16, #tpu.memory_space<vmem>>, vector<1x1x256x64xbf16>
    %swap3A_262 = vector.shape_cast %swap3A_261 : vector<1x1x256x64xbf16> to vector<256x64xbf16>
    %swap3A_263 = vector.shape_cast %slice3A_256 : vector<256x64xbf16> to vector<1x1x256x64xbf16>
    tpu.vector_store %arg6[%swap3A_257, %swap3A_258, %swap3A_259, %swap3A_260], %swap3A_263 {strides = array<i32>} : memref<1x16x256x64xbf16, #tpu.memory_space<vmem>>, vector<1x1x256x64xbf16>,
    %slice3A_264 = vector.extract_strided_slice %convert_element_type3A_19 {offsets = [0, 640], sizes = [256, 64], strides = [1, 1]} : vector<256x3072xbf16> to vector<256x64xbf16>
    %swap3A_265 = arith.constant 0 : index
    %swap3A_266 = arith.constant 10 : index
    %swap3A_267 = arith.constant 0 : index
    %swap3A_268 = arith.constant 0 : index
    %swap3A_269 = vector.load %arg4[%swap3A_265, %swap3A_266, %swap3A_267, %swap3A_268] : memref<1x16x256x64xbf16, #tpu.memory_space<vmem>>, vector<1x1x256x64xbf16>
    %swap3A_270 = vector.shape_cast %swap3A_269 : vector<1x1x256x64xbf16> to vector<256x64xbf16>
    %swap3A_271 = vector.shape_cast %slice3A_264 : vector<256x64xbf16> to vector<1x1x256x64xbf16>
    tpu.vector_store %arg4[%swap3A_265, %swap3A_266, %swap3A_267, %swap3A_268], %swap3A_271 {strides = array<i32>} : memref<1x16x256x64xbf16, #tpu.memory_space<vmem>>, vector<1x1x256x64xbf16>,
    %slice3A_272 = vector.extract_strided_slice %convert_element_type3A_19 {offsets = [0, 1664], sizes = [256, 64], strides = [1, 1]} : vector<256x3072xbf16> to vector<256x64xbf16>
    %swap3A_273 = arith.constant 0 : index
    %swap3A_274 = arith.constant 10 : index
    %swap3A_275 = arith.constant 0 : index
    %swap3A_276 = arith.constant 0 : index
    %swap3A_277 = vector.load %arg5[%swap3A_273, %swap3A_274, %swap3A_275, %swap3A_276] : memref<1x16x256x64xbf16, #tpu.memory_space<vmem>>, vector<1x1x256x64xbf16>
    %swap3A_278 = vector.shape_cast %swap3A_277 : vector<1x1x256x64xbf16> to vector<256x64xbf16>
    %swap3A_279 = vector.shape_cast %slice3A_272 : vector<256x64xbf16> to vector<1x1x256x64xbf16>
    tpu.vector_store %arg5[%swap3A_273, %swap3A_274, %swap3A_275, %swap3A_276], %swap3A_279 {strides = array<i32>} : memref<1x16x256x64xbf16, #tpu.memory_space<vmem>>, vector<1x1x256x64xbf16>,
    %slice3A_280 = vector.extract_strided_slice %convert_element_type3A_19 {offsets = [0, 2688], sizes = [256, 64], strides = [1, 1]} : vector<256x3072xbf16> to vector<256x64xbf16>
    %swap3A_281 = arith.constant 0 : index
    %swap3A_282 = arith.constant 10 : index
    %swap3A_283 = arith.constant 0 : index
    %swap3A_284 = arith.constant 0 : index
    %swap3A_285 = vector.load %arg6[%swap3A_281, %swap3A_282, %swap3A_283, %swap3A_284] : memref<1x16x256x64xbf16, #tpu.memory_space<vmem>>, vector<1x1x256x64xbf16>
    %swap3A_286 = vector.shape_cast %swap3A_285 : vector<1x1x256x64xbf16> to vector<256x64xbf16>
    %swap3A_287 = vector.shape_cast %slice3A_280 : vector<256x64xbf16> to vector<1x1x256x64xbf16>
    tpu.vector_store %arg6[%swap3A_281, %swap3A_282, %swap3A_283, %swap3A_284], %swap3A_287 {strides = array<i32>} : memref<1x16x256x64xbf16, #tpu.memory_space<vmem>>, vector<1x1x256x64xbf16>,
    %slice3A_288 = vector.extract_strided_slice %convert_element_type3A_19 {offsets = [0, 704], sizes = [256, 64], strides = [1, 1]} : vector<256x3072xbf16> to vector<256x64xbf16>
    %swap3A_289 = arith.constant 0 : index
    %swap3A_290 = arith.constant 11 : index
    %swap3A_291 = arith.constant 0 : index
    %swap3A_292 = arith.constant 0 : index
    %swap3A_293 = vector.load %arg4[%swap3A_289, %swap3A_290, %swap3A_291, %swap3A_292] : memref<1x16x256x64xbf16, #tpu.memory_space<vmem>>, vector<1x1x256x64xbf16>
    %swap3A_294 = vector.shape_cast %swap3A_293 : vector<1x1x256x64xbf16> to vector<256x64xbf16>
    %swap3A_295 = vector.shape_cast %slice3A_288 : vector<256x64xbf16> to vector<1x1x256x64xbf16>
    tpu.vector_store %arg4[%swap3A_289, %swap3A_290, %swap3A_291, %swap3A_292], %swap3A_295 {strides = array<i32>} : memref<1x16x256x64xbf16, #tpu.memory_space<vmem>>, vector<1x1x256x64xbf16>,
    %slice3A_296 = vector.extract_strided_slice %convert_element_type3A_19 {offsets = [0, 1728], sizes = [256, 64], strides = [1, 1]} : vector<256x3072xbf16> to vector<256x64xbf16>
    %swap3A_297 = arith.constant 0 : index
    %swap3A_298 = arith.constant 11 : index
    %swap3A_299 = arith.constant 0 : index
    %swap3A_300 = arith.constant 0 : index
    %swap3A_301 = vector.load %arg5[%swap3A_297, %swap3A_298, %swap3A_299, %swap3A_300] : memref<1x16x256x64xbf16, #tpu.memory_space<vmem>>, vector<1x1x256x64xbf16>
    %swap3A_302 = vector.shape_cast %swap3A_301 : vector<1x1x256x64xbf16> to vector<256x64xbf16>
    %swap3A_303 = vector.shape_cast %slice3A_296 : vector<256x64xbf16> to vector<1x1x256x64xbf16>
    tpu.vector_store %arg5[%swap3A_297, %swap3A_298, %swap3A_299, %swap3A_300], %swap3A_303 {strides = array<i32>} : memref<1x16x256x64xbf16, #tpu.memory_space<vmem>>, vector<1x1x256x64xbf16>,
    %slice3A_304 = vector.extract_strided_slice %convert_element_type3A_19 {offsets = [0, 2752], sizes = [256, 64], strides = [1, 1]} : vector<256x3072xbf16> to vector<256x64xbf16>
    %swap3A_305 = arith.constant 0 : index
    %swap3A_306 = arith.constant 11 : index
    %swap3A_307 = arith.constant 0 : index
    %swap3A_308 = arith.constant 0 : index
    %swap3A_309 = vector.load %arg6[%swap3A_305, %swap3A_306, %swap3A_307, %swap3A_308] : memref<1x16x256x64xbf16, #tpu.memory_space<vmem>>, vector<1x1x256x64xbf16>
    %swap3A_310 = vector.shape_cast %swap3A_309 : vector<1x1x256x64xbf16> to vector<256x64xbf16>
    %swap3A_311 = vector.shape_cast %slice3A_304 : vector<256x64xbf16> to vector<1x1x256x64xbf16>
    tpu.vector_store %arg6[%swap3A_305, %swap3A_306, %swap3A_307, %swap3A_308], %swap3A_311 {strides = array<i32>} : memref<1x16x256x64xbf16, #tpu.memory_space<vmem>>, vector<1x1x256x64xbf16>,
    %slice3A_312 = vector.extract_strided_slice %convert_element_type3A_19 {offsets = [0, 768], sizes = [256, 64], strides = [1, 1]} : vector<256x3072xbf16> to vector<256x64xbf16>
    %swap3A_313 = arith.constant 0 : index
    %swap3A_314 = arith.constant 12 : index
    %swap3A_315 = arith.constant 0 : index
    %swap3A_316 = arith.constant 0 : index
    %swap3A_317 = vector.load %arg4[%swap3A_313, %swap3A_314, %swap3A_315, %swap3A_316] : memref<1x16x256x64xbf16, #tpu.memory_space<vmem>>, vector<1x1x256x64xbf16>
    %swap3A_318 = vector.shape_cast %swap3A_317 : vector<1x1x256x64xbf16> to vector<256x64xbf16>
    %swap3A_319 = vector.shape_cast %slice3A_312 : vector<256x64xbf16> to vector<1x1x256x64xbf16>
    tpu.vector_store %arg4[%swap3A_313, %swap3A_314, %swap3A_315, %swap3A_316], %swap3A_319 {strides = array<i32>} : memref<1x16x256x64xbf16, #tpu.memory_space<vmem>>, vector<1x1x256x64xbf16>,
    %slice3A_320 = vector.extract_strided_slice %convert_element_type3A_19 {offsets = [0, 1792], sizes = [256, 64], strides = [1, 1]} : vector<256x3072xbf16> to vector<256x64xbf16>
    %swap3A_321 = arith.constant 0 : index
    %swap3A_322 = arith.constant 12 : index
    %swap3A_323 = arith.constant 0 : index
    %swap3A_324 = arith.constant 0 : index
    %swap3A_325 = vector.load %arg5[%swap3A_321, %swap3A_322, %swap3A_323, %swap3A_324] : memref<1x16x256x64xbf16, #tpu.memory_space<vmem>>, vector<1x1x256x64xbf16>
    %swap3A_326 = vector.shape_cast %swap3A_325 : vector<1x1x256x64xbf16> to vector<256x64xbf16>
    %swap3A_327 = vector.shape_cast %slice3A_320 : vector<256x64xbf16> to vector<1x1x256x64xbf16>
    tpu.vector_store %arg5[%swap3A_321, %swap3A_322, %swap3A_323, %swap3A_324], %swap3A_327 {strides = array<i32>} : memref<1x16x256x64xbf16, #tpu.memory_space<vmem>>, vector<1x1x256x64xbf16>,
    %slice3A_328 = vector.extract_strided_slice %convert_element_type3A_19 {offsets = [0, 2816], sizes = [256, 64], strides = [1, 1]} : vector<256x3072xbf16> to vector<256x64xbf16>
    %swap3A_329 = arith.constant 0 : index
    %swap3A_330 = arith.constant 12 : index
    %swap3A_331 = arith.constant 0 : index
    %swap3A_332 = arith.constant 0 : index
    %swap3A_333 = vector.load %arg6[%swap3A_329, %swap3A_330, %swap3A_331, %swap3A_332] : memref<1x16x256x64xbf16, #tpu.memory_space<vmem>>, vector<1x1x256x64xbf16>
    %swap3A_334 = vector.shape_cast %swap3A_333 : vector<1x1x256x64xbf16> to vector<256x64xbf16>
    %swap3A_335 = vector.shape_cast %slice3A_328 : vector<256x64xbf16> to vector<1x1x256x64xbf16>
    tpu.vector_store %arg6[%swap3A_329, %swap3A_330, %swap3A_331, %swap3A_332], %swap3A_335 {strides = array<i32>} : memref<1x16x256x64xbf16, #tpu.memory_space<vmem>>, vector<1x1x256x64xbf16>,
    %slice3A_336 = vector.extract_strided_slice %convert_element_type3A_19 {offsets = [0, 832], sizes = [256, 64], strides = [1, 1]} : vector<256x3072xbf16> to vector<256x64xbf16>
    %swap3A_337 = arith.constant 0 : index
    %swap3A_338 = arith.constant 13 : index
    %swap3A_339 = arith.constant 0 : index
    %swap3A_340 = arith.constant 0 : index
    %swap3A_341 = vector.load %arg4[%swap3A_337, %swap3A_338, %swap3A_339, %swap3A_340] : memref<1x16x256x64xbf16, #tpu.memory_space<vmem>>, vector<1x1x256x64xbf16>
    %swap3A_342 = vector.shape_cast %swap3A_341 : vector<1x1x256x64xbf16> to vector<256x64xbf16>
    %swap3A_343 = vector.shape_cast %slice3A_336 : vector<256x64xbf16> to vector<1x1x256x64xbf16>
    tpu.vector_store %arg4[%swap3A_337, %swap3A_338, %swap3A_339, %swap3A_340], %swap3A_343 {strides = array<i32>} : memref<1x16x256x64xbf16, #tpu.memory_space<vmem>>, vector<1x1x256x64xbf16>,
    %slice3A_344 = vector.extract_strided_slice %convert_element_type3A_19 {offsets = [0, 1856], sizes = [256, 64], strides = [1, 1]} : vector<256x3072xbf16> to vector<256x64xbf16>
    %swap3A_345 = arith.constant 0 : index
    %swap3A_346 = arith.constant 13 : index
    %swap3A_347 = arith.constant 0 : index
    %swap3A_348 = arith.constant 0 : index
    %swap3A_349 = vector.load %arg5[%swap3A_345, %swap3A_346, %swap3A_347, %swap3A_348] : memref<1x16x256x64xbf16, #tpu.memory_space<vmem>>, vector<1x1x256x64xbf16>
    %swap3A_350 = vector.shape_cast %swap3A_349 : vector<1x1x256x64xbf16> to vector<256x64xbf16>
    %swap3A_351 = vector.shape_cast %slice3A_344 : vector<256x64xbf16> to vector<1x1x256x64xbf16>
    tpu.vector_store %arg5[%swap3A_345, %swap3A_346, %swap3A_347, %swap3A_348], %swap3A_351 {strides = array<i32>} : memref<1x16x256x64xbf16, #tpu.memory_space<vmem>>, vector<1x1x256x64xbf16>,
    %slice3A_352 = vector.extract_strided_slice %convert_element_type3A_19 {offsets = [0, 2880], sizes = [256, 64], strides = [1, 1]} : vector<256x3072xbf16> to vector<256x64xbf16>
    %swap3A_353 = arith.constant 0 : index
    %swap3A_354 = arith.constant 13 : index
    %swap3A_355 = arith.constant 0 : index
    %swap3A_356 = arith.constant 0 : index
    %swap3A_357 = vector.load %arg6[%swap3A_353, %swap3A_354, %swap3A_355, %swap3A_356] : memref<1x16x256x64xbf16, #tpu.memory_space<vmem>>, vector<1x1x256x64xbf16>
    %swap3A_358 = vector.shape_cast %swap3A_357 : vector<1x1x256x64xbf16> to vector<256x64xbf16>
    %swap3A_359 = vector.shape_cast %slice3A_352 : vector<256x64xbf16> to vector<1x1x256x64xbf16>
    tpu.vector_store %arg6[%swap3A_353, %swap3A_354, %swap3A_355, %swap3A_356], %swap3A_359 {strides = array<i32>} : memref<1x16x256x64xbf16, #tpu.memory_space<vmem>>, vector<1x1x256x64xbf16>,
    %slice3A_360 = vector.extract_strided_slice %convert_element_type3A_19 {offsets = [0, 896], sizes = [256, 64], strides = [1, 1]} : vector<256x3072xbf16> to vector<256x64xbf16>
    %swap3A_361 = arith.constant 0 : index
    %swap3A_362 = arith.constant 14 : index
    %swap3A_363 = arith.constant 0 : index
    %swap3A_364 = arith.constant 0 : index
    %swap3A_365 = vector.load %arg4[%swap3A_361, %swap3A_362, %swap3A_363, %swap3A_364] : memref<1x16x256x64xbf16, #tpu.memory_space<vmem>>, vector<1x1x256x64xbf16>
    %swap3A_366 = vector.shape_cast %swap3A_365 : vector<1x1x256x64xbf16> to vector<256x64xbf16>
    %swap3A_367 = vector.shape_cast %slice3A_360 : vector<256x64xbf16> to vector<1x1x256x64xbf16>
    tpu.vector_store %arg4[%swap3A_361, %swap3A_362, %swap3A_363, %swap3A_364], %swap3A_367 {strides = array<i32>} : memref<1x16x256x64xbf16, #tpu.memory_space<vmem>>, vector<1x1x256x64xbf16>,
    %slice3A_368 = vector.extract_strided_slice %convert_element_type3A_19 {offsets = [0, 1920], sizes = [256, 64], strides = [1, 1]} : vector<256x3072xbf16> to vector<256x64xbf16>
    %swap3A_369 = arith.constant 0 : index
    %swap3A_370 = arith.constant 14 : index
    %swap3A_371 = arith.constant 0 : index
    %swap3A_372 = arith.constant 0 : index
    %swap3A_373 = vector.load %arg5[%swap3A_369, %swap3A_370, %swap3A_371, %swap3A_372] : memref<1x16x256x64xbf16, #tpu.memory_space<vmem>>, vector<1x1x256x64xbf16>
    %swap3A_374 = vector.shape_cast %swap3A_373 : vector<1x1x256x64xbf16> to vector<256x64xbf16>
    %swap3A_375 = vector.shape_cast %slice3A_368 : vector<256x64xbf16> to vector<1x1x256x64xbf16>
    tpu.vector_store %arg5[%swap3A_369, %swap3A_370, %swap3A_371, %swap3A_372], %swap3A_375 {strides = array<i32>} : memref<1x16x256x64xbf16, #tpu.memory_space<vmem>>, vector<1x1x256x64xbf16>,
    %slice3A_376 = vector.extract_strided_slice %convert_element_type3A_19 {offsets = [0, 2944], sizes = [256, 64], strides = [1, 1]} : vector<256x3072xbf16> to vector<256x64xbf16>
    %swap3A_377 = arith.constant 0 : index
    %swap3A_378 = arith.constant 14 : index
    %swap3A_379 = arith.constant 0 : index
    %swap3A_380 = arith.constant 0 : index
    %swap3A_381 = vector.load %arg6[%swap3A_377, %swap3A_378, %swap3A_379, %swap3A_380] : memref<1x16x256x64xbf16, #tpu.memory_space<vmem>>, vector<1x1x256x64xbf16>
    %swap3A_382 = vector.shape_cast %swap3A_381 : vector<1x1x256x64xbf16> to vector<256x64xbf16>
    %swap3A_383 = vector.shape_cast %slice3A_376 : vector<256x64xbf16> to vector<1x1x256x64xbf16>
    tpu.vector_store %arg6[%swap3A_377, %swap3A_378, %swap3A_379, %swap3A_380], %swap3A_383 {strides = array<i32>} : memref<1x16x256x64xbf16, #tpu.memory_space<vmem>>, vector<1x1x256x64xbf16>,
    %slice3A_384 = vector.extract_strided_slice %convert_element_type3A_19 {offsets = [0, 960], sizes = [256, 64], strides = [1, 1]} : vector<256x3072xbf16> to vector<256x64xbf16>
    %swap3A_385 = arith.constant 0 : index
    %swap3A_386 = arith.constant 15 : index
    %swap3A_387 = arith.constant 0 : index
    %swap3A_388 = arith.constant 0 : index
    %swap3A_389 = vector.load %arg4[%swap3A_385, %swap3A_386, %swap3A_387, %swap3A_388] : memref<1x16x256x64xbf16, #tpu.memory_space<vmem>>, vector<1x1x256x64xbf16>
    %swap3A_390 = vector.shape_cast %swap3A_389 : vector<1x1x256x64xbf16> to vector<256x64xbf16>
    %swap3A_391 = vector.shape_cast %slice3A_384 : vector<256x64xbf16> to vector<1x1x256x64xbf16>
    tpu.vector_store %arg4[%swap3A_385, %swap3A_386, %swap3A_387, %swap3A_388], %swap3A_391 {strides = array<i32>} : memref<1x16x256x64xbf16, #tpu.memory_space<vmem>>, vector<1x1x256x64xbf16>,
    %slice3A_392 = vector.extract_strided_slice %convert_element_type3A_19 {offsets = [0, 1984], sizes = [256, 64], strides = [1, 1]} : vector<256x3072xbf16> to vector<256x64xbf16>
    %swap3A_393 = arith.constant 0 : index
    %swap3A_394 = arith.constant 15 : index
    %swap3A_395 = arith.constant 0 : index
    %swap3A_396 = arith.constant 0 : index
    %swap3A_397 = vector.load %arg5[%swap3A_393, %swap3A_394, %swap3A_395, %swap3A_396] : memref<1x16x256x64xbf16, #tpu.memory_space<vmem>>, vector<1x1x256x64xbf16>
    %swap3A_398 = vector.shape_cast %swap3A_397 : vector<1x1x256x64xbf16> to vector<256x64xbf16>
    %swap3A_399 = vector.shape_cast %slice3A_392 : vector<256x64xbf16> to vector<1x1x256x64xbf16>
    tpu.vector_store %arg5[%swap3A_393, %swap3A_394, %swap3A_395, %swap3A_396], %swap3A_399 {strides = array<i32>} : memref<1x16x256x64xbf16, #tpu.memory_space<vmem>>, vector<1x1x256x64xbf16>,
    %slice3A_400 = vector.extract_strided_slice %convert_element_type3A_19 {offsets = [0, 3008], sizes = [256, 64], strides = [1, 1]} : vector<256x3072xbf16> to vector<256x64xbf16>
    %swap3A_401 = arith.constant 0 : index
    %swap3A_402 = arith.constant 15 : index
    %swap3A_403 = arith.constant 0 : index
    %swap3A_404 = arith.constant 0 : index
    %swap3A_405 = vector.load %arg6[%swap3A_401, %swap3A_402, %swap3A_403, %swap3A_404] : memref<1x16x256x64xbf16, #tpu.memory_space<vmem>>, vector<1x1x256x64xbf16>
    %swap3A_406 = vector.shape_cast %swap3A_405 : vector<1x1x256x64xbf16> to vector<256x64xbf16>
    %swap3A_407 = vector.shape_cast %slice3A_400 : vector<256x64xbf16> to vector<1x1x256x64xbf16>
    tpu.vector_store %arg6[%swap3A_401, %swap3A_402, %swap3A_403, %swap3A_404], %swap3A_407 {strides = array<i32>} : memref<1x16x256x64xbf16, #tpu.memory_space<vmem>>, vector<1x1x256x64xbf16>,
    return
  }
  func.func @transform_0(%arg0: i32) -> (i32, i32) {
    %c0_i32 = arith.constant 0 : i32
    %c0_i32_0 = arith.constant 0 : i32
    return %arg0, %c0_i32 : i32, i32
  }
  func.func @transform_1(%arg0: i32) -> (i32, i32) {
    %c0_i32 = arith.constant 0 : i32
    %c0_i32_0 = arith.constant 0 : i32
    %c0_i32_1 = arith.constant 0 : i32
    return %c0_i32, %c0_i32_0 : i32, i32
  }
  func.func @transform_2(%arg0: i32) -> (i32, i32) {
    %c0_i32 = arith.constant 0 : i32
    %c0_i32_0 = arith.constant 0 : i32
    return %arg0, %c0_i32 : i32, i32
  }
  func.func @transform_3(%arg0: i32) -> (i32, i32, i32, i32) {
    %jit3A = arith.constant 8 : i32
    %div3A = arith.divsi %arg0, %jit3A : i32
    %sign3A = arith.constant 0 : i32
    %sign3A_0 = arith.cmpi sgt, %arg0, %sign3A : i32
    %sign3A_1 = arith.extui %sign3A_0 : i1 to i32
    %sign3A_2 = arith.constant 0 : i32
    %sign3A_3 = arith.cmpi slt, %arg0, %sign3A_2 : i32
    %sign3A_4 = arith.extui %sign3A_3 : i1 to i32
    %sign3A_5 = arith.subi %sign3A_1, %sign3A_4 : i32
    %sign3A_6 = arith.constant 0 : i32
    %sign3A_7 = arith.cmpi sgt, %jit3A, %sign3A_6 : i32
    %sign3A_8 = arith.extui %sign3A_7 : i1 to i32
    %sign3A_9 = arith.constant 0 : i32
    %sign3A_10 = arith.cmpi slt, %jit3A, %sign3A_9 : i32
    %sign3A_11 = arith.extui %sign3A_10 : i1 to i32
    %sign3A_12 = arith.subi %sign3A_8, %sign3A_11 : i32
    %ne3A = arith.cmpi ne, %sign3A_5, %sign3A_12 : i32
    %rem3A = arith.remsi %arg0, %jit3A : i32
    %ne3A_13 = arith.constant 0 : i32
    %ne3A_14 = arith.cmpi ne, %rem3A, %ne3A_13 : i32
    %and3A = arith.andi %ne3A, %ne3A_14 : i1
    %sub3A = arith.constant 1 : i32
    %sub3A_15 = arith.subi %div3A, %sub3A : i32
    %select_n3A = arith.select %and3A, %sub3A_15, %div3A : i32
    %jit3A_16 = arith.constant 8 : i32
    %eq3A = arith.constant 0 : i32
    %eq3A_17 = arith.cmpi eq, %jit3A_16, %eq3A : i32
    %jit3A_18 = arith.constant 1 : i32
    %select_n3A_19 = arith.select %eq3A_17, %jit3A_18, %jit3A_16 : i32
    %rem3A_20 = arith.remsi %arg0, %select_n3A_19 : i32
    %ne3A_21 = arith.constant 0 : i32
    %ne3A_22 = arith.cmpi ne, %rem3A_20, %ne3A_21 : i32
    %lt3A = arith.constant 0 : i32
    %lt3A_23 = arith.cmpi slt, %rem3A_20, %lt3A : i32
    %lt3A_24 = arith.constant 0 : i32
    %lt3A_25 = arith.cmpi slt, %select_n3A_19, %lt3A_24 : i32
    %ne3A_26 = arith.xori %lt3A_23, %lt3A_25 : i1
    %and3A_27 = arith.andi %ne3A_26, %ne3A_22 : i1
    %add3A = arith.addi %rem3A_20, %select_n3A_19 : i32
    %select_n3A_28 = arith.select %and3A_27, %add3A, %rem3A_20 : i32
    %c0_i32 = arith.constant 0 : i32
    %c0_i32_29 = arith.constant 0 : i32
    %c0_i32_30 = arith.constant 0 : i32
    return %select_n3A, %c0_i32, %select_n3A_28, %c0_i32_29 : i32, i32, i32, i32
  }
  func.func @transform_4(%arg0: i32) -> (i32, i32, i32, i32) {
    %jit3A = arith.constant 8 : i32
    %div3A = arith.divsi %arg0, %jit3A : i32
    %sign3A = arith.constant 0 : i32
    %sign3A_0 = arith.cmpi sgt, %arg0, %sign3A : i32
    %sign3A_1 = arith.extui %sign3A_0 : i1 to i32
    %sign3A_2 = arith.constant 0 : i32
    %sign3A_3 = arith.cmpi slt, %arg0, %sign3A_2 : i32
    %sign3A_4 = arith.extui %sign3A_3 : i1 to i32
    %sign3A_5 = arith.subi %sign3A_1, %sign3A_4 : i32
    %sign3A_6 = arith.constant 0 : i32
    %sign3A_7 = arith.cmpi sgt, %jit3A, %sign3A_6 : i32
    %sign3A_8 = arith.extui %sign3A_7 : i1 to i32
    %sign3A_9 = arith.constant 0 : i32
    %sign3A_10 = arith.cmpi slt, %jit3A, %sign3A_9 : i32
    %sign3A_11 = arith.extui %sign3A_10 : i1 to i32
    %sign3A_12 = arith.subi %sign3A_8, %sign3A_11 : i32
    %ne3A = arith.cmpi ne, %sign3A_5, %sign3A_12 : i32
    %rem3A = arith.remsi %arg0, %jit3A : i32
    %ne3A_13 = arith.constant 0 : i32
    %ne3A_14 = arith.cmpi ne, %rem3A, %ne3A_13 : i32
    %and3A = arith.andi %ne3A, %ne3A_14 : i1
    %sub3A = arith.constant 1 : i32
    %sub3A_15 = arith.subi %div3A, %sub3A : i32
    %select_n3A = arith.select %and3A, %sub3A_15, %div3A : i32
    %jit3A_16 = arith.constant 8 : i32
    %eq3A = arith.constant 0 : i32
    %eq3A_17 = arith.cmpi eq, %jit3A_16, %eq3A : i32
    %jit3A_18 = arith.constant 1 : i32
    %select_n3A_19 = arith.select %eq3A_17, %jit3A_18, %jit3A_16 : i32
    %rem3A_20 = arith.remsi %arg0, %select_n3A_19 : i32
    %ne3A_21 = arith.constant 0 : i32
    %ne3A_22 = arith.cmpi ne, %rem3A_20, %ne3A_21 : i32
    %lt3A = arith.constant 0 : i32
    %lt3A_23 = arith.cmpi slt, %rem3A_20, %lt3A : i32
    %lt3A_24 = arith.constant 0 : i32
    %lt3A_25 = arith.cmpi slt, %select_n3A_19, %lt3A_24 : i32
    %ne3A_26 = arith.xori %lt3A_23, %lt3A_25 : i1
    %and3A_27 = arith.andi %ne3A_26, %ne3A_22 : i1
    %add3A = arith.addi %rem3A_20, %select_n3A_19 : i32
    %select_n3A_28 = arith.select %and3A_27, %add3A, %rem3A_20 : i32
    %c0_i32 = arith.constant 0 : i32
    %c0_i32_29 = arith.constant 0 : i32
    %c0_i32_30 = arith.constant 0 : i32
    return %select_n3A, %c0_i32, %select_n3A_28, %c0_i32_29 : i32, i32, i32, i32
  }
  func.func @transform_5(%arg0: i32) -> (i32, i32, i32, i32) {
    %jit3A = arith.constant 8 : i32
    %div3A = arith.divsi %arg0, %jit3A : i32
    %sign3A = arith.constant 0 : i32
    %sign3A_0 = arith.cmpi sgt, %arg0, %sign3A : i32
    %sign3A_1 = arith.extui %sign3A_0 : i1 to i32
    %sign3A_2 = arith.constant 0 : i32
    %sign3A_3 = arith.cmpi slt, %arg0, %sign3A_2 : i32
    %sign3A_4 = arith.extui %sign3A_3 : i1 to i32
    %sign3A_5 = arith.subi %sign3A_1, %sign3A_4 : i32
    %sign3A_6 = arith.constant 0 : i32
    %sign3A_7 = arith.cmpi sgt, %jit3A, %sign3A_6 : i32
    %sign3A_8 = arith.extui %sign3A_7 : i1 to i32
    %sign3A_9 = arith.constant 0 : i32
    %sign3A_10 = arith.cmpi slt, %jit3A, %sign3A_9 : i32
    %sign3A_11 = arith.extui %sign3A_10 : i1 to i32
    %sign3A_12 = arith.subi %sign3A_8, %sign3A_11 : i32
    %ne3A = arith.cmpi ne, %sign3A_5, %sign3A_12 : i32
    %rem3A = arith.remsi %arg0, %jit3A : i32
    %ne3A_13 = arith.constant 0 : i32
    %ne3A_14 = arith.cmpi ne, %rem3A, %ne3A_13 : i32
    %and3A = arith.andi %ne3A, %ne3A_14 : i1
    %sub3A = arith.constant 1 : i32
    %sub3A_15 = arith.subi %div3A, %sub3A : i32
    %select_n3A = arith.select %and3A, %sub3A_15, %div3A : i32
    %jit3A_16 = arith.constant 8 : i32
    %eq3A = arith.constant 0 : i32
    %eq3A_17 = arith.cmpi eq, %jit3A_16, %eq3A : i32
    %jit3A_18 = arith.constant 1 : i32
    %select_n3A_19 = arith.select %eq3A_17, %jit3A_18, %jit3A_16 : i32
    %rem3A_20 = arith.remsi %arg0, %select_n3A_19 : i32
    %ne3A_21 = arith.constant 0 : i32
    %ne3A_22 = arith.cmpi ne, %rem3A_20, %ne3A_21 : i32
    %lt3A = arith.constant 0 : i32
    %lt3A_23 = arith.cmpi slt, %rem3A_20, %lt3A : i32
    %lt3A_24 = arith.constant 0 : i32
    %lt3A_25 = arith.cmpi slt, %select_n3A_19, %lt3A_24 : i32
    %ne3A_26 = arith.xori %lt3A_23, %lt3A_25 : i1
    %and3A_27 = arith.andi %ne3A_26, %ne3A_22 : i1
    %add3A = arith.addi %rem3A_20, %select_n3A_19 : i32
    %select_n3A_28 = arith.select %and3A_27, %add3A, %rem3A_20 : i32
    %c0_i32 = arith.constant 0 : i32
    %c0_i32_29 = arith.constant 0 : i32
    %c0_i32_30 = arith.constant 0 : i32
    return %select_n3A, %c0_i32, %select_n3A_28, %c0_i32_29 : i32, i32, i32, i32
  }
  func.func @transform_6(%arg0: i32) -> (i32, i32, i32) {
    %c0_i32 = arith.constant 0 : i32
    %c0_i32_0 = arith.constant 0 : i32
    %c0_i32_1 = arith.constant 0 : i32
    return %arg0, %c0_i32, %c0_i32_0 : i32, i32, i32
  }
}

module attributes {stable_mosaic.version = 14 : i64} {
  func.func @_sdpa_body(%arg0: i32, %arg1: i32, %arg2: i32, %arg3: memref<1x1x256x64xbf16, #tpu.memory_space<vmem>>, %arg4: memref<1x1x2048x64xbf16, #tpu.memory_space<vmem>>, %arg5: memref<1x1x2048x64xbf16, #tpu.memory_space<vmem>>, %arg6: memref<1x1x256x64xf32, #tpu.memory_space<vmem>>) attributes {dimension_semantics = [#tpu.dimension_semantics<arbitrary>, #tpu.dimension_semantics<arbitrary>, #tpu.dimension_semantics<arbitrary>], iteration_bounds = array<i64: 2, 16, 8>, scalar_prefetch = 0 : i64, scratch_operands = 0 : i64, tpu.core_type = #tpu.core_type<tc>, window_params = [{transform_indices = @transform_0, window_bounds = array<i64: 1, 1, 256, 64>}, {transform_indices = @transform_1, window_bounds = array<i64: 1, 1, 2048, 64>}, {transform_indices = @transform_2, window_bounds = array<i64: 1, 1, 2048, 64>}, {transform_indices = @transform_3, window_bounds = array<i64: 1, 1, 256, 64>}]} {
    %get3A = arith.constant 0 : index
    %get3A_0 = arith.constant 0 : index
    %get3A_1 = arith.constant 0 : index
    %get3A_2 = arith.constant 0 : index
    %get3A_3 = vector.load %arg3[%get3A, %get3A_0, %get3A_1, %get3A_2] : memref<1x1x256x64xbf16, #tpu.memory_space<vmem>>, vector<1x1x256x64xbf16>
    %get3A_4 = vector.shape_cast %get3A_3 : vector<1x1x256x64xbf16> to vector<256x64xbf16>
    %get3A_5 = arith.constant 0 : index
    %get3A_6 = arith.constant 0 : index
    %get3A_7 = arith.constant 0 : index
    %get3A_8 = arith.constant 0 : index
    %get3A_9 = vector.load %arg4[%get3A_5, %get3A_6, %get3A_7, %get3A_8] : memref<1x1x2048x64xbf16, #tpu.memory_space<vmem>>, vector<1x1x2048x64xbf16>
    %get3A_10 = vector.shape_cast %get3A_9 : vector<1x1x2048x64xbf16> to vector<2048x64xbf16>
    %get3A_11 = arith.constant 0 : index
    %get3A_12 = arith.constant 0 : index
    %get3A_13 = arith.constant 0 : index
    %get3A_14 = arith.constant 0 : index
    %get3A_15 = vector.load %arg5[%get3A_11, %get3A_12, %get3A_13, %get3A_14] : memref<1x1x2048x64xbf16, #tpu.memory_space<vmem>>, vector<1x1x2048x64xbf16>
    %get3A_16 = vector.shape_cast %get3A_15 : vector<1x1x2048x64xbf16> to vector<2048x64xbf16>
    %dot_general3A = arith.constant dense<0.000000e+00> : vector<256x2048xf32>
    %dot_general3A_17 = tpu.matmul %get3A_4, %get3A_10, %dot_general3A {dimension_numbers = #tpu.dot_dimension_numbers<[1], [1], [0], [0], [0, 0, 1, 0], [], []>, transpose_lhs_hint = false} : vector<256x64xbf16>, vector<2048x64xbf16>, vector<256x2048xf32> -> vector<256x2048xf32>
    %mul3A = arith.constant 1.250000e-01 : f32
    %mul3A_18 = vector.broadcast %mul3A : f32 to vector<256x2048xf32>
    %mul3A_19 = arith.mulf %dot_general3A_17, %mul3A_18 : vector<256x2048xf32>
    %mul3A_20 = arith.constant 256 : i32
    %mul3A_21 = arith.muli %arg2, %mul3A_20 : i32
    %iota3A = tpu.iota {dimensions = array<i32: 0>} : vector<256x2048xi32>
    %add3A = vector.broadcast %mul3A_21 : i32 to vector<256x2048xi32>
    %add3A_22 = arith.addi %add3A, %iota3A : vector<256x2048xi32>
    %iota3A_23 = tpu.iota {dimensions = array<i32: 1>} : vector<256x2048xi32>
    %le3A = arith.cmpi sle, %iota3A_23, %add3A_22 : vector<256x2048xi32>
    %jit3A = arith.constant -1.000000e+30 : f32
    %broadcast_in_dim3A = vector.broadcast %jit3A : f32 to vector<256x2048xf32>
    %select_n3A = arith.select %le3A, %mul3A_19, %broadcast_in_dim3A : vector<256x2048xi1>, vector<256x2048xf32>
    %reduce_max3A = arith.constant dense<0xFF800000> : vector<256xf32>
    %reduce_max3A_24 = vector.multi_reduction <maximumf>, %select_n3A, %reduce_max3A [1] : vector<256x2048xf32> to vector<256xf32>
    %broadcast_in_dim3A_25 = vector.shape_cast %reduce_max3A_24 : vector<256xf32> to vector<256x1xf32>
    %sub3A = vector.broadcast %broadcast_in_dim3A_25 : vector<256x1xf32> to vector<256x2048xf32>
    %sub3A_26 = arith.subf %select_n3A, %sub3A : vector<256x2048xf32>
    %exp3A = math.exp %sub3A_26 : vector<256x2048xf32>
    %reduce_sum3A = arith.constant dense<0.000000e+00> : vector<256xf32>
    %reduce_sum3A_27 = vector.multi_reduction <add>, %exp3A, %reduce_sum3A [1] : vector<256x2048xf32> to vector<256xf32>
    %broadcast_in_dim3A_28 = vector.shape_cast %reduce_sum3A_27 : vector<256xf32> to vector<256x1xf32>
    %convert_element_type3A = arith.truncf %exp3A : vector<256x2048xf32> to vector<256x2048xbf16>
    %dot_general3A_29 = arith.constant dense<0.000000e+00> : vector<256x64xf32>
    %dot_general3A_30 = tpu.matmul %convert_element_type3A, %get3A_16, %dot_general3A_29 {dimension_numbers = #tpu.dot_dimension_numbers<[1], [0], [0], [1], [0, 0, 1, 1], [], []>, transpose_lhs_hint = false} : vector<256x2048xbf16>, vector<2048x64xbf16>, vector<256x64xf32> -> vector<256x64xf32>
    %div3A = vector.broadcast %broadcast_in_dim3A_28 : vector<256x1xf32> to vector<256x64xf32>
    %div3A_31 = arith.divf %dot_general3A_30, %div3A : vector<256x64xf32>
    %swap3A = arith.constant 0 : index
    %swap3A_32 = arith.constant 0 : index
    %swap3A_33 = arith.constant 0 : index
    %swap3A_34 = arith.constant 0 : index
    %swap3A_35 = vector.load %arg6[%swap3A, %swap3A_32, %swap3A_33, %swap3A_34] : memref<1x1x256x64xf32, #tpu.memory_space<vmem>>, vector<1x1x256x64xf32>
    %swap3A_36 = vector.shape_cast %swap3A_35 : vector<1x1x256x64xf32> to vector<256x64xf32>
    %swap3A_37 = vector.shape_cast %div3A_31 : vector<256x64xf32> to vector<1x1x256x64xf32>
    tpu.vector_store %arg6[%swap3A, %swap3A_32, %swap3A_33, %swap3A_34], %swap3A_37 {strides = array<i32>} : memref<1x1x256x64xf32, #tpu.memory_space<vmem>>, vector<1x1x256x64xf32>,
    return
  }
  func.func @transform_0(%arg0: i32, %arg1: i32, %arg2: i32) -> (i32, i32, i32, i32) {
    %c0_i32 = arith.constant 0 : i32
    %c0_i32_0 = arith.constant 0 : i32
    return %arg0, %arg1, %arg2, %c0_i32 : i32, i32, i32, i32
  }
  func.func @transform_1(%arg0: i32, %arg1: i32, %arg2: i32) -> (i32, i32, i32, i32) {
    %c0_i32 = arith.constant 0 : i32
    %c0_i32_0 = arith.constant 0 : i32
    %c0_i32_1 = arith.constant 0 : i32
    return %arg0, %arg1, %c0_i32, %c0_i32_0 : i32, i32, i32, i32
  }
  func.func @transform_2(%arg0: i32, %arg1: i32, %arg2: i32) -> (i32, i32, i32, i32) {
    %c0_i32 = arith.constant 0 : i32
    %c0_i32_0 = arith.constant 0 : i32
    %c0_i32_1 = arith.constant 0 : i32
    return %arg0, %arg1, %c0_i32, %c0_i32_0 : i32, i32, i32, i32
  }
  func.func @transform_3(%arg0: i32, %arg1: i32, %arg2: i32) -> (i32, i32, i32, i32) {
    %c0_i32 = arith.constant 0 : i32
    %c0_i32_0 = arith.constant 0 : i32
    return %arg0, %arg1, %arg2, %c0_i32 : i32, i32, i32, i32
  }
}

module attributes {stable_mosaic.version = 14 : i64} {
  func.func @_combine_body(%arg0: i32, %arg1: i32, %arg2: memref<1x256x1024xbf16, #tpu.memory_space<vmem>>, %arg3: memref<1x16x256x64xf32, #tpu.memory_space<vmem>>, %arg4: memref<1x256x3x2x1024xf32, #tpu.memory_space<vmem>>, %arg5: memref<1024x1024xf32, #tpu.memory_space<vmem>>, %arg6: memref<8x1024xf32, #tpu.memory_space<vmem>>, %arg7: memref<1x256x1024xf32, #tpu.memory_space<vmem>>) attributes {dimension_semantics = [#tpu.dimension_semantics<arbitrary>, #tpu.dimension_semantics<arbitrary>], iteration_bounds = array<i64: 2, 8>, scalar_prefetch = 0 : i64, scratch_operands = 0 : i64, tpu.core_type = #tpu.core_type<tc>, window_params = [{transform_indices = @transform_0, window_bounds = array<i64: 1, 256, 1024>}, {transform_indices = @transform_1, window_bounds = array<i64: 1, 16, 256, 64>}, {transform_indices = @transform_2, window_bounds = array<i64: 1, 256, 3, 2, 1024>}, {pipeline_mode = #tpu.pipeline_mode<synchronous>, transform_indices = @transform_3, window_bounds = array<i64: 1024, 1024>}, {pipeline_mode = #tpu.pipeline_mode<synchronous>, transform_indices = @transform_4, window_bounds = array<i64: 8, 1024>}, {transform_indices = @transform_5, window_bounds = array<i64: 1, 256, 1024>}]} {
    %get3A = arith.constant 0 : index
    %get3A_0 = arith.constant 0 : index
    %get3A_1 = arith.constant 0 : index
    %get3A_2 = vector.load %arg2[%get3A, %get3A_0, %get3A_1] : memref<1x256x1024xbf16, #tpu.memory_space<vmem>>, vector<1x256x1024xbf16>
    %get3A_3 = vector.shape_cast %get3A_2 : vector<1x256x1024xbf16> to vector<256x1024xbf16>
    %convert_element_type3A = arith.extf %get3A_3 : vector<256x1024xbf16> to vector<256x1024xf32>
    %get3A_4 = arith.constant 0 : index
    %get3A_5 = arith.constant 0 : index
    %get3A_6 = arith.constant 0 : index
    %get3A_7 = arith.constant 0 : index
    %get3A_8 = vector.load %arg3[%get3A_4, %get3A_5, %get3A_6, %get3A_7] : memref<1x16x256x64xf32, #tpu.memory_space<vmem>>, vector<1x1x256x64xf32>
    %get3A_9 = vector.shape_cast %get3A_8 : vector<1x1x256x64xf32> to vector<256x64xf32>
    %get3A_10 = arith.constant 0 : index
    %get3A_11 = arith.constant 1 : index
    %get3A_12 = arith.constant 0 : index
    %get3A_13 = arith.constant 0 : index
    %get3A_14 = vector.load %arg3[%get3A_10, %get3A_11, %get3A_12, %get3A_13] : memref<1x16x256x64xf32, #tpu.memory_space<vmem>>, vector<1x1x256x64xf32>
    %get3A_15 = vector.shape_cast %get3A_14 : vector<1x1x256x64xf32> to vector<256x64xf32>
    %get3A_16 = arith.constant 0 : index
    %get3A_17 = arith.constant 2 : index
    %get3A_18 = arith.constant 0 : index
    %get3A_19 = arith.constant 0 : index
    %get3A_20 = vector.load %arg3[%get3A_16, %get3A_17, %get3A_18, %get3A_19] : memref<1x16x256x64xf32, #tpu.memory_space<vmem>>, vector<1x1x256x64xf32>
    %get3A_21 = vector.shape_cast %get3A_20 : vector<1x1x256x64xf32> to vector<256x64xf32>
    %get3A_22 = arith.constant 0 : index
    %get3A_23 = arith.constant 3 : index
    %get3A_24 = arith.constant 0 : index
    %get3A_25 = arith.constant 0 : index
    %get3A_26 = vector.load %arg3[%get3A_22, %get3A_23, %get3A_24, %get3A_25] : memref<1x16x256x64xf32, #tpu.memory_space<vmem>>, vector<1x1x256x64xf32>
    %get3A_27 = vector.shape_cast %get3A_26 : vector<1x1x256x64xf32> to vector<256x64xf32>
    %get3A_28 = arith.constant 0 : index
    %get3A_29 = arith.constant 4 : index
    %get3A_30 = arith.constant 0 : index
    %get3A_31 = arith.constant 0 : index
    %get3A_32 = vector.load %arg3[%get3A_28, %get3A_29, %get3A_30, %get3A_31] : memref<1x16x256x64xf32, #tpu.memory_space<vmem>>, vector<1x1x256x64xf32>
    %get3A_33 = vector.shape_cast %get3A_32 : vector<1x1x256x64xf32> to vector<256x64xf32>
    %get3A_34 = arith.constant 0 : index
    %get3A_35 = arith.constant 5 : index
    %get3A_36 = arith.constant 0 : index
    %get3A_37 = arith.constant 0 : index
    %get3A_38 = vector.load %arg3[%get3A_34, %get3A_35, %get3A_36, %get3A_37] : memref<1x16x256x64xf32, #tpu.memory_space<vmem>>, vector<1x1x256x64xf32>
    %get3A_39 = vector.shape_cast %get3A_38 : vector<1x1x256x64xf32> to vector<256x64xf32>
    %get3A_40 = arith.constant 0 : index
    %get3A_41 = arith.constant 6 : index
    %get3A_42 = arith.constant 0 : index
    %get3A_43 = arith.constant 0 : index
    %get3A_44 = vector.load %arg3[%get3A_40, %get3A_41, %get3A_42, %get3A_43] : memref<1x16x256x64xf32, #tpu.memory_space<vmem>>, vector<1x1x256x64xf32>
    %get3A_45 = vector.shape_cast %get3A_44 : vector<1x1x256x64xf32> to vector<256x64xf32>
    %get3A_46 = arith.constant 0 : index
    %get3A_47 = arith.constant 7 : index
    %get3A_48 = arith.constant 0 : index
    %get3A_49 = arith.constant 0 : index
    %get3A_50 = vector.load %arg3[%get3A_46, %get3A_47, %get3A_48, %get3A_49] : memref<1x16x256x64xf32, #tpu.memory_space<vmem>>, vector<1x1x256x64xf32>
    %get3A_51 = vector.shape_cast %get3A_50 : vector<1x1x256x64xf32> to vector<256x64xf32>
    %get3A_52 = arith.constant 0 : index
    %get3A_53 = arith.constant 8 : index
    %get3A_54 = arith.constant 0 : index
    %get3A_55 = arith.constant 0 : index
    %get3A_56 = vector.load %arg3[%get3A_52, %get3A_53, %get3A_54, %get3A_55] : memref<1x16x256x64xf32, #tpu.memory_space<vmem>>, vector<1x1x256x64xf32>
    %get3A_57 = vector.shape_cast %get3A_56 : vector<1x1x256x64xf32> to vector<256x64xf32>
    %get3A_58 = arith.constant 0 : index
    %get3A_59 = arith.constant 9 : index
    %get3A_60 = arith.constant 0 : index
    %get3A_61 = arith.constant 0 : index
    %get3A_62 = vector.load %arg3[%get3A_58, %get3A_59, %get3A_60, %get3A_61] : memref<1x16x256x64xf32, #tpu.memory_space<vmem>>, vector<1x1x256x64xf32>
    %get3A_63 = vector.shape_cast %get3A_62 : vector<1x1x256x64xf32> to vector<256x64xf32>
    %get3A_64 = arith.constant 0 : index
    %get3A_65 = arith.constant 10 : index
    %get3A_66 = arith.constant 0 : index
    %get3A_67 = arith.constant 0 : index
    %get3A_68 = vector.load %arg3[%get3A_64, %get3A_65, %get3A_66, %get3A_67] : memref<1x16x256x64xf32, #tpu.memory_space<vmem>>, vector<1x1x256x64xf32>
    %get3A_69 = vector.shape_cast %get3A_68 : vector<1x1x256x64xf32> to vector<256x64xf32>
    %get3A_70 = arith.constant 0 : index
    %get3A_71 = arith.constant 11 : index
    %get3A_72 = arith.constant 0 : index
    %get3A_73 = arith.constant 0 : index
    %get3A_74 = vector.load %arg3[%get3A_70, %get3A_71, %get3A_72, %get3A_73] : memref<1x16x256x64xf32, #tpu.memory_space<vmem>>, vector<1x1x256x64xf32>
    %get3A_75 = vector.shape_cast %get3A_74 : vector<1x1x256x64xf32> to vector<256x64xf32>
    %get3A_76 = arith.constant 0 : index
    %get3A_77 = arith.constant 12 : index
    %get3A_78 = arith.constant 0 : index
    %get3A_79 = arith.constant 0 : index
    %get3A_80 = vector.load %arg3[%get3A_76, %get3A_77, %get3A_78, %get3A_79] : memref<1x16x256x64xf32, #tpu.memory_space<vmem>>, vector<1x1x256x64xf32>
    %get3A_81 = vector.shape_cast %get3A_80 : vector<1x1x256x64xf32> to vector<256x64xf32>
    %get3A_82 = arith.constant 0 : index
    %get3A_83 = arith.constant 13 : index
    %get3A_84 = arith.constant 0 : index
    %get3A_85 = arith.constant 0 : index
    %get3A_86 = vector.load %arg3[%get3A_82, %get3A_83, %get3A_84, %get3A_85] : memref<1x16x256x64xf32, #tpu.memory_space<vmem>>, vector<1x1x256x64xf32>
    %get3A_87 = vector.shape_cast %get3A_86 : vector<1x1x256x64xf32> to vector<256x64xf32>
    %get3A_88 = arith.constant 0 : index
    %get3A_89 = arith.constant 14 : index
    %get3A_90 = arith.constant 0 : index
    %get3A_91 = arith.constant 0 : index
    %get3A_92 = vector.load %arg3[%get3A_88, %get3A_89, %get3A_90, %get3A_91] : memref<1x16x256x64xf32, #tpu.memory_space<vmem>>, vector<1x1x256x64xf32>
    %get3A_93 = vector.shape_cast %get3A_92 : vector<1x1x256x64xf32> to vector<256x64xf32>
    %get3A_94 = arith.constant 0 : index
    %get3A_95 = arith.constant 15 : index
    %get3A_96 = arith.constant 0 : index
    %get3A_97 = arith.constant 0 : index
    %get3A_98 = vector.load %arg3[%get3A_94, %get3A_95, %get3A_96, %get3A_97] : memref<1x16x256x64xf32, #tpu.memory_space<vmem>>, vector<1x1x256x64xf32>
    %get3A_99 = vector.shape_cast %get3A_98 : vector<1x1x256x64xf32> to vector<256x64xf32>
    %concatenate3A = tpu.concatenate %get3A_9, %get3A_15, %get3A_21, %get3A_27, %get3A_33, %get3A_39, %get3A_45, %get3A_51, %get3A_57, %get3A_63, %get3A_69, %get3A_75, %get3A_81, %get3A_87, %get3A_93, %get3A_99 in 1 : vector<256x64xf32>, vector<256x64xf32>, vector<256x64xf32>, vector<256x64xf32>, vector<256x64xf32>, vector<256x64xf32>, vector<256x64xf32>, vector<256x64xf32>, vector<256x64xf32>, vector<256x64xf32>, vector<256x64xf32>, vector<256x64xf32>, vector<256x64xf32>, vector<256x64xf32>, vector<256x64xf32>, vector<256x64xf32> -> vector<256x1024xf32>
    %iota3A = tpu.iota {dimensions = array<i32: 0>} : vector<1024x16xi32>
    %jit3A = arith.constant 64 : i32
    %div3A = vector.broadcast %jit3A : i32 to vector<1024x16xi32>
    %div3A_100 = arith.divsi %iota3A, %div3A : vector<1024x16xi32>
    %sign3A = arith.constant 0 : i32
    %sign3A_101 = vector.broadcast %sign3A : i32 to vector<1024x16xi32>
    %sign3A_102 = arith.cmpi sgt, %iota3A, %sign3A_101 : vector<1024x16xi32>
    %sign3A_103 = arith.extui %sign3A_102 : vector<1024x16xi1> to vector<1024x16xi32>
    %sign3A_104 = arith.constant 0 : i32
    %sign3A_105 = vector.broadcast %sign3A_104 : i32 to vector<1024x16xi32>
    %sign3A_106 = arith.cmpi slt, %iota3A, %sign3A_105 : vector<1024x16xi32>
    %sign3A_107 = arith.extui %sign3A_106 : vector<1024x16xi1> to vector<1024x16xi32>
    %sign3A_108 = arith.subi %sign3A_103, %sign3A_107 : vector<1024x16xi32>
    %sign3A_109 = arith.constant 0 : i32
    %sign3A_110 = arith.cmpi sgt, %jit3A, %sign3A_109 : i32
    %sign3A_111 = arith.extui %sign3A_110 : i1 to i32
    %sign3A_112 = arith.constant 0 : i32
    %sign3A_113 = arith.cmpi slt, %jit3A, %sign3A_112 : i32
    %sign3A_114 = arith.extui %sign3A_113 : i1 to i32
    %sign3A_115 = arith.subi %sign3A_111, %sign3A_114 : i32
    %ne3A = vector.broadcast %sign3A_115 : i32 to vector<1024x16xi32>
    %ne3A_116 = arith.cmpi ne, %sign3A_108, %ne3A : vector<1024x16xi32>
    %rem3A = vector.broadcast %jit3A : i32 to vector<1024x16xi32>
    %rem3A_117 = arith.remsi %iota3A, %rem3A : vector<1024x16xi32>
    %ne3A_118 = arith.constant 0 : i32
    %ne3A_119 = vector.broadcast %ne3A_118 : i32 to vector<1024x16xi32>
    %ne3A_120 = arith.cmpi ne, %rem3A_117, %ne3A_119 : vector<1024x16xi32>
    %and3A = arith.andi %ne3A_116, %ne3A_120 : vector<1024x16xi1>
    %sub3A = arith.constant 1 : i32
    %sub3A_121 = vector.broadcast %sub3A : i32 to vector<1024x16xi32>
    %sub3A_122 = arith.subi %div3A_100, %sub3A_121 : vector<1024x16xi32>
    %select_n3A = arith.select %and3A, %sub3A_122, %div3A_100 : vector<1024x16xi1>, vector<1024x16xi32>
    %iota3A_123 = tpu.iota {dimensions = array<i32: 1>} : vector<1024x16xi32>
    %eq3A = arith.cmpi eq, %select_n3A, %iota3A_123 : vector<1024x16xi32>
    %convert_element_type3A_124 = arith.extui %eq3A : vector<1024x16xi1> to vector<1024x16xi32>
    %convert_element_type3A_125 = arith.sitofp %convert_element_type3A_124 : vector<1024x16xi32> to vector<1024x16xf32>
    %convert_element_type3A_126 = arith.truncf %convert_element_type3A_125 : vector<1024x16xf32> to vector<1024x16xbf16>
    %iota3A_127 = tpu.iota {dimensions = array<i32: 0>} : vector<16x1024xi32>
    %iota3A_128 = tpu.iota {dimensions = array<i32: 1>} : vector<16x1024xi32>
    %jit3A_129 = arith.constant 64 : i32
    %div3A_130 = vector.broadcast %jit3A_129 : i32 to vector<16x1024xi32>
    %div3A_131 = arith.divsi %iota3A_128, %div3A_130 : vector<16x1024xi32>
    %sign3A_132 = arith.constant 0 : i32
    %sign3A_133 = vector.broadcast %sign3A_132 : i32 to vector<16x1024xi32>
    %sign3A_134 = arith.cmpi sgt, %iota3A_128, %sign3A_133 : vector<16x1024xi32>
    %sign3A_135 = arith.extui %sign3A_134 : vector<16x1024xi1> to vector<16x1024xi32>
    %sign3A_136 = arith.constant 0 : i32
    %sign3A_137 = vector.broadcast %sign3A_136 : i32 to vector<16x1024xi32>
    %sign3A_138 = arith.cmpi slt, %iota3A_128, %sign3A_137 : vector<16x1024xi32>
    %sign3A_139 = arith.extui %sign3A_138 : vector<16x1024xi1> to vector<16x1024xi32>
    %sign3A_140 = arith.subi %sign3A_135, %sign3A_139 : vector<16x1024xi32>
    %sign3A_141 = arith.constant 0 : i32
    %sign3A_142 = arith.cmpi sgt, %jit3A_129, %sign3A_141 : i32
    %sign3A_143 = arith.extui %sign3A_142 : i1 to i32
    %sign3A_144 = arith.constant 0 : i32
    %sign3A_145 = arith.cmpi slt, %jit3A_129, %sign3A_144 : i32
    %sign3A_146 = arith.extui %sign3A_145 : i1 to i32
    %sign3A_147 = arith.subi %sign3A_143, %sign3A_146 : i32
    %ne3A_148 = vector.broadcast %sign3A_147 : i32 to vector<16x1024xi32>
    %ne3A_149 = arith.cmpi ne, %sign3A_140, %ne3A_148 : vector<16x1024xi32>
    %rem3A_150 = vector.broadcast %jit3A_129 : i32 to vector<16x1024xi32>
    %rem3A_151 = arith.remsi %iota3A_128, %rem3A_150 : vector<16x1024xi32>
    %ne3A_152 = arith.constant 0 : i32
    %ne3A_153 = vector.broadcast %ne3A_152 : i32 to vector<16x1024xi32>
    %ne3A_154 = arith.cmpi ne, %rem3A_151, %ne3A_153 : vector<16x1024xi32>
    %and3A_155 = arith.andi %ne3A_149, %ne3A_154 : vector<16x1024xi1>
    %sub3A_156 = arith.constant 1 : i32
    %sub3A_157 = vector.broadcast %sub3A_156 : i32 to vector<16x1024xi32>
    %sub3A_158 = arith.subi %div3A_131, %sub3A_157 : vector<16x1024xi32>
    %select_n3A_159 = arith.select %and3A_155, %sub3A_158, %div3A_131 : vector<16x1024xi1>, vector<16x1024xi32>
    %eq3A_160 = arith.cmpi eq, %iota3A_127, %select_n3A_159 : vector<16x1024xi32>
    %convert_element_type3A_161 = arith.extui %eq3A_160 : vector<16x1024xi1> to vector<16x1024xi32>
    %convert_element_type3A_162 = arith.sitofp %convert_element_type3A_161 : vector<16x1024xi32> to vector<16x1024xf32>
    %convert_element_type3A_163 = arith.truncf %convert_element_type3A_162 : vector<16x1024xf32> to vector<16x1024xbf16>
    %get3A_164 = arith.constant 0 : index
    %get3A_165 = arith.constant 0 : index
    %get3A_166 = arith.constant 0 : index
    %get3A_167 = arith.constant 0 : index
    %get3A_168 = arith.constant 0 : index
    %get3A_169 = vector.load %arg4[%get3A_164, %get3A_165, %get3A_166, %get3A_167, %get3A_168] : memref<1x256x3x2x1024xf32, #tpu.memory_space<vmem>>, vector<1x256x1x1x1024xf32>
    %get3A_170 = vector.shape_cast %get3A_169 : vector<1x256x1x1x1024xf32> to vector<256x1024xf32>
    %mul3A = arith.mulf %convert_element_type3A, %get3A_170 : vector<256x1024xf32>
    %convert_element_type3A_171 = arith.truncf %mul3A : vector<256x1024xf32> to vector<256x1024xbf16>
    %dot_general3A = arith.constant dense<0.000000e+00> : vector<256x16xf32>
    %dot_general3A_172 = tpu.matmul %convert_element_type3A_171, %convert_element_type3A_126, %dot_general3A {dimension_numbers = #tpu.dot_dimension_numbers<[1], [0], [0], [1], [0, 0, 1, 1], [], []>, transpose_lhs_hint = false} : vector<256x1024xbf16>, vector<1024x16xbf16>, vector<256x16xf32> -> vector<256x16xf32>
    %mul3A_173 = arith.constant 1.250000e-01 : f32
    %mul3A_174 = vector.broadcast %mul3A_173 : f32 to vector<256x16xf32>
    %mul3A_175 = arith.mulf %dot_general3A_172, %mul3A_174 : vector<256x16xf32>
    %get3A_176 = arith.constant 0 : index
    %get3A_177 = arith.constant 0 : index
    %get3A_178 = arith.constant 1 : index
    %get3A_179 = arith.constant 0 : index
    %get3A_180 = arith.constant 0 : index
    %get3A_181 = vector.load %arg4[%get3A_176, %get3A_177, %get3A_178, %get3A_179, %get3A_180] : memref<1x256x3x2x1024xf32, #tpu.memory_space<vmem>>, vector<1x256x1x1x1024xf32>
    %get3A_182 = vector.shape_cast %get3A_181 : vector<1x256x1x1x1024xf32> to vector<256x1024xf32>
    %mul3A_183 = arith.mulf %convert_element_type3A, %get3A_182 : vector<256x1024xf32>
    %convert_element_type3A_184 = arith.truncf %mul3A_183 : vector<256x1024xf32> to vector<256x1024xbf16>
    %dot_general3A_185 = arith.constant dense<0.000000e+00> : vector<256x16xf32>
    %dot_general3A_186 = tpu.matmul %convert_element_type3A_184, %convert_element_type3A_126, %dot_general3A_185 {dimension_numbers = #tpu.dot_dimension_numbers<[1], [0], [0], [1], [0, 0, 1, 1], [], []>, transpose_lhs_hint = false} : vector<256x1024xbf16>, vector<1024x16xbf16>, vector<256x16xf32> -> vector<256x16xf32>
    %mul3A_187 = arith.constant 1.250000e-01 : f32
    %mul3A_188 = vector.broadcast %mul3A_187 : f32 to vector<256x16xf32>
    %mul3A_189 = arith.mulf %dot_general3A_186, %mul3A_188 : vector<256x16xf32>
    %get3A_190 = arith.constant 0 : index
    %get3A_191 = arith.constant 0 : index
    %get3A_192 = arith.constant 2 : index
    %get3A_193 = arith.constant 0 : index
    %get3A_194 = arith.constant 0 : index
    %get3A_195 = vector.load %arg4[%get3A_190, %get3A_191, %get3A_192, %get3A_193, %get3A_194] : memref<1x256x3x2x1024xf32, #tpu.memory_space<vmem>>, vector<1x256x1x1x1024xf32>
    %get3A_196 = vector.shape_cast %get3A_195 : vector<1x256x1x1x1024xf32> to vector<256x1024xf32>
    %mul3A_197 = arith.mulf %convert_element_type3A, %get3A_196 : vector<256x1024xf32>
    %convert_element_type3A_198 = arith.truncf %mul3A_197 : vector<256x1024xf32> to vector<256x1024xbf16>
    %dot_general3A_199 = arith.constant dense<0.000000e+00> : vector<256x16xf32>
    %dot_general3A_200 = tpu.matmul %convert_element_type3A_198, %convert_element_type3A_126, %dot_general3A_199 {dimension_numbers = #tpu.dot_dimension_numbers<[1], [0], [0], [1], [0, 0, 1, 1], [], []>, transpose_lhs_hint = false} : vector<256x1024xbf16>, vector<1024x16xbf16>, vector<256x16xf32> -> vector<256x16xf32>
    %mul3A_201 = arith.constant 1.250000e-01 : f32
    %mul3A_202 = vector.broadcast %mul3A_201 : f32 to vector<256x16xf32>
    %mul3A_203 = arith.mulf %dot_general3A_200, %mul3A_202 : vector<256x16xf32>
    %max3A = arith.maximumf %mul3A_175, %mul3A_189 : vector<256x16xf32>
    %max3A_204 = arith.maximumf %max3A, %mul3A_203 : vector<256x16xf32>
    %sub3A_205 = arith.subf %mul3A_175, %max3A_204 : vector<256x16xf32>
    %exp3A = math.exp %sub3A_205 : vector<256x16xf32>
    %sub3A_206 = arith.subf %mul3A_189, %max3A_204 : vector<256x16xf32>
    %exp3A_207 = math.exp %sub3A_206 : vector<256x16xf32>
    %sub3A_208 = arith.subf %mul3A_203, %max3A_204 : vector<256x16xf32>
    %exp3A_209 = math.exp %sub3A_208 : vector<256x16xf32>
    %add3A = arith.addf %exp3A, %exp3A_207 : vector<256x16xf32>
    %add3A_210 = arith.addf %add3A, %exp3A_209 : vector<256x16xf32>
    %broadcast_in_dim3A = arith.constant 0.000000e+00 : f32
    %broadcast_in_dim3A_211 = vector.broadcast %broadcast_in_dim3A : f32 to vector<256x1024xf32>
    %get3A_212 = arith.constant 0 : index
    %get3A_213 = arith.constant 0 : index
    %get3A_214 = arith.constant 0 : index
    %get3A_215 = arith.constant 1 : index
    %get3A_216 = arith.constant 0 : index
    %get3A_217 = vector.load %arg4[%get3A_212, %get3A_213, %get3A_214, %get3A_215, %get3A_216] : memref<1x256x3x2x1024xf32, #tpu.memory_space<vmem>>, vector<1x256x1x1x1024xf32>
    %get3A_218 = vector.shape_cast %get3A_217 : vector<1x256x1x1x1024xf32> to vector<256x1024xf32>
    %convert_element_type3A_219 = arith.truncf %exp3A : vector<256x16xf32> to vector<256x16xbf16>
    %dot_general3A_220 = arith.constant dense<0.000000e+00> : vector<256x1024xf32>
    %dot_general3A_221 = tpu.matmul %convert_element_type3A_219, %convert_element_type3A_163, %dot_general3A_220 {dimension_numbers = #tpu.dot_dimension_numbers<[1], [0], [0], [1], [0, 0, 1, 1], [], []>, transpose_lhs_hint = false} : vector<256x16xbf16>, vector<16x1024xbf16>, vector<256x1024xf32> -> vector<256x1024xf32>
    %mul3A_222 = arith.mulf %dot_general3A_221, %get3A_218 : vector<256x1024xf32>
    %add3A_223 = arith.addf %broadcast_in_dim3A_211, %mul3A_222 : vector<256x1024xf32>
    %get3A_224 = arith.constant 0 : index
    %get3A_225 = arith.constant 0 : index
    %get3A_226 = arith.constant 1 : index
    %get3A_227 = arith.constant 1 : index
    %get3A_228 = arith.constant 0 : index
    %get3A_229 = vector.load %arg4[%get3A_224, %get3A_225, %get3A_226, %get3A_227, %get3A_228] : memref<1x256x3x2x1024xf32, #tpu.memory_space<vmem>>, vector<1x256x1x1x1024xf32>
    %get3A_230 = vector.shape_cast %get3A_229 : vector<1x256x1x1x1024xf32> to vector<256x1024xf32>
    %convert_element_type3A_231 = arith.truncf %exp3A_207 : vector<256x16xf32> to vector<256x16xbf16>
    %dot_general3A_232 = arith.constant dense<0.000000e+00> : vector<256x1024xf32>
    %dot_general3A_233 = tpu.matmul %convert_element_type3A_231, %convert_element_type3A_163, %dot_general3A_232 {dimension_numbers = #tpu.dot_dimension_numbers<[1], [0], [0], [1], [0, 0, 1, 1], [], []>, transpose_lhs_hint = false} : vector<256x16xbf16>, vector<16x1024xbf16>, vector<256x1024xf32> -> vector<256x1024xf32>
    %mul3A_234 = arith.mulf %dot_general3A_233, %get3A_230 : vector<256x1024xf32>
    %add3A_235 = arith.addf %add3A_223, %mul3A_234 : vector<256x1024xf32>
    %get3A_236 = arith.constant 0 : index
    %get3A_237 = arith.constant 0 : index
    %get3A_238 = arith.constant 2 : index
    %get3A_239 = arith.constant 1 : index
    %get3A_240 = arith.constant 0 : index
    %get3A_241 = vector.load %arg4[%get3A_236, %get3A_237, %get3A_238, %get3A_239, %get3A_240] : memref<1x256x3x2x1024xf32, #tpu.memory_space<vmem>>, vector<1x256x1x1x1024xf32>
    %get3A_242 = vector.shape_cast %get3A_241 : vector<1x256x1x1x1024xf32> to vector<256x1024xf32>
    %convert_element_type3A_243 = arith.truncf %exp3A_209 : vector<256x16xf32> to vector<256x16xbf16>
    %dot_general3A_244 = arith.constant dense<0.000000e+00> : vector<256x1024xf32>
    %dot_general3A_245 = tpu.matmul %convert_element_type3A_243, %convert_element_type3A_163, %dot_general3A_244 {dimension_numbers = #tpu.dot_dimension_numbers<[1], [0], [0], [1], [0, 0, 1, 1], [], []>, transpose_lhs_hint = false} : vector<256x16xbf16>, vector<16x1024xbf16>, vector<256x1024xf32> -> vector<256x1024xf32>
    %mul3A_246 = arith.mulf %dot_general3A_245, %get3A_242 : vector<256x1024xf32>
    %add3A_247 = arith.addf %add3A_235, %mul3A_246 : vector<256x1024xf32>
    %convert_element_type3A_248 = arith.truncf %add3A_210 : vector<256x16xf32> to vector<256x16xbf16>
    %dot_general3A_249 = arith.constant dense<0.000000e+00> : vector<256x1024xf32>
    %dot_general3A_250 = tpu.matmul %convert_element_type3A_248, %convert_element_type3A_163, %dot_general3A_249 {dimension_numbers = #tpu.dot_dimension_numbers<[1], [0], [0], [1], [0, 0, 1, 1], [], []>, transpose_lhs_hint = false} : vector<256x16xbf16>, vector<16x1024xbf16>, vector<256x1024xf32> -> vector<256x1024xf32>
    %div3A_251 = arith.divf %add3A_247, %dot_general3A_250 : vector<256x1024xf32>
    %get3A_252 = arith.constant 0 : index
    %get3A_253 = arith.constant 0 : index
    %get3A_254 = vector.load %arg6[%get3A_252, %get3A_253] : memref<8x1024xf32, #tpu.memory_space<vmem>>, vector<1x1024xf32>
    %mul3A_255 = vector.broadcast %get3A_254 : vector<1x1024xf32> to vector<256x1024xf32>
    %mul3A_256 = arith.mulf %div3A_251, %mul3A_255 : vector<256x1024xf32>
    %sub3A_257 = arith.constant 1.000000e+00 : f32
    %sub3A_258 = vector.broadcast %sub3A_257 : f32 to vector<1x1024xf32>
    %sub3A_259 = arith.subf %sub3A_258, %get3A_254 : vector<1x1024xf32>
    %mul3A_260 = vector.broadcast %sub3A_259 : vector<1x1024xf32> to vector<256x1024xf32>
    %mul3A_261 = arith.mulf %concatenate3A, %mul3A_260 : vector<256x1024xf32>
    %add3A_262 = arith.addf %mul3A_256, %mul3A_261 : vector<256x1024xf32>
    %convert_element_type3A_263 = arith.truncf %add3A_262 : vector<256x1024xf32> to vector<256x1024xbf16>
    %get3A_264 = arith.constant 0 : index
    %get3A_265 = arith.constant 0 : index
    %get3A_266 = vector.load %arg5[%get3A_264, %get3A_265] : memref<1024x1024xf32, #tpu.memory_space<vmem>>, vector<1024x1024xf32>
    %convert_element_type3A_267 = arith.truncf %get3A_266 : vector<1024x1024xf32> to vector<1024x1024xbf16>
    %dot_general3A_268 = arith.constant dense<0.000000e+00> : vector<256x1024xf32>
    %dot_general3A_269 = tpu.matmul %convert_element_type3A_263, %convert_element_type3A_267, %dot_general3A_268 {dimension_numbers = #tpu.dot_dimension_numbers<[1], [0], [0], [1], [0, 0, 1, 1], [], []>, transpose_lhs_hint = false} : vector<256x1024xbf16>, vector<1024x1024xbf16>, vector<256x1024xf32> -> vector<256x1024xf32>
    %swap3A = arith.constant 0 : index
    %swap3A_270 = arith.constant 0 : index
    %swap3A_271 = arith.constant 0 : index
    %swap3A_272 = vector.load %arg7[%swap3A, %swap3A_270, %swap3A_271] : memref<1x256x1024xf32, #tpu.memory_space<vmem>>, vector<1x256x1024xf32>
    %swap3A_273 = vector.shape_cast %swap3A_272 : vector<1x256x1024xf32> to vector<256x1024xf32>
    %swap3A_274 = vector.shape_cast %dot_general3A_269 : vector<256x1024xf32> to vector<1x256x1024xf32>
    tpu.vector_store %arg7[%swap3A, %swap3A_270, %swap3A_271], %swap3A_274 {strides = array<i32>} : memref<1x256x1024xf32, #tpu.memory_space<vmem>>, vector<1x256x1024xf32>,
    return
  }
  func.func @transform_0(%arg0: i32, %arg1: i32) -> (i32, i32, i32) {
    %c0_i32 = arith.constant 0 : i32
    %c0_i32_0 = arith.constant 0 : i32
    return %arg0, %arg1, %c0_i32 : i32, i32, i32
  }
  func.func @transform_1(%arg0: i32, %arg1: i32) -> (i32, i32, i32, i32) {
    %c0_i32 = arith.constant 0 : i32
    %c0_i32_0 = arith.constant 0 : i32
    %c0_i32_1 = arith.constant 0 : i32
    return %arg0, %c0_i32, %arg1, %c0_i32_0 : i32, i32, i32, i32
  }
  func.func @transform_2(%arg0: i32, %arg1: i32) -> (i32, i32, i32, i32, i32) {
    %c0_i32 = arith.constant 0 : i32
    %c0_i32_0 = arith.constant 0 : i32
    %c0_i32_1 = arith.constant 0 : i32
    %c0_i32_2 = arith.constant 0 : i32
    return %arg0, %arg1, %c0_i32, %c0_i32_0, %c0_i32_1 : i32, i32, i32, i32, i32
  }
  func.func @transform_3(%arg0: i32, %arg1: i32) -> (i32, i32) {
    %c0_i32 = arith.constant 0 : i32
    %c0_i32_0 = arith.constant 0 : i32
    %c0_i32_1 = arith.constant 0 : i32
    return %c0_i32, %c0_i32_0 : i32, i32
  }
  func.func @transform_4(%arg0: i32, %arg1: i32) -> (i32, i32) {
    %c0_i32 = arith.constant 0 : i32
    %c0_i32_0 = arith.constant 0 : i32
    %c0_i32_1 = arith.constant 0 : i32
    return %c0_i32, %c0_i32_0 : i32, i32
  }
  func.func @transform_5(%arg0: i32, %arg1: i32) -> (i32, i32, i32) {
    %c0_i32 = arith.constant 0 : i32
    %c0_i32_0 = arith.constant 0 : i32
    return %arg0, %arg1, %c0_i32 : i32, i32, i32
  }
}

</mosaic_0001>

<sc_bundles>
// kernel: kernel.7.cloned.1.call-start
scs
__scs_entry_jumppad:
0x0: {  	(pc) =	sbr.rel $0x88, $3  }
0x1: {  	(tag) =	ssettag $0x0;
	lr =	simm.s32 $0x1  }
0x2: {  	[smem:$0x3F9C] =	sst lr;
	_ =	strace $0xD0000000  }
0x3: {  	_ = 	snop  }
0x4: {  	_ = 	snop  }
0x5: {  	_ = 	snop  }
0x6: {  	_ = 	snop  }
0x7: {  	_ = 	snop  }
__scs_overlays_trampoline_lowered:
0x8: {  	[smem:$0x3FAB] =	sst s0  }
0x9: {  	[smem:$0x3FAC] =	sst s1  }
0xa: {  	[smem:$0x3FAD] =	sst s2  }
0xb: {  	[smem:$0x3FAE] =	sst s3  }
0xc: {  	[smem:$0x3FAF] =	sst s4  }
0xd: {  	[smem:$0x3FB0] =	sst s5  }
0xe: {  	[smem:$0x3FB1] =	sst s6  }
0xf: {  	[smem:$0x3FB2] =	sst s7  }
0x10: {  	[smem:$0x3FB3] =	sst s8  }
0x11: {  	[smem:$0x3FB4] =	sst s9;
	s0 =	simm.s32 @!p0 $0x0  }
0x12: {  	s1 =	sld [smem:$0x3F9A];
	s0 =	simm.s32 @p0 $0x1  }
0x13: {  	[smem:$0x3FB5] =	sst s0;
	s0 =	simm.s32 @!p1 $0x0  }
0x14: {  	s2 =	sld [smem:$0x3F99];
	s0 =	simm.s32 @p1 $0x1  }
0x15: {  	[smem:$0x3FB6] =	sst s0;
	s0 =	simm.s32 @!p2 $0x0  }
0x16: {  	s3 =	sld [smem:$0x3FDB];
	s0 =	simm.s32 @p2 $0x1  }
0x17: {  	s4 =	simm.s32 $0x1BF5;
	[smem:$0x3FB8] =	sst s0  }
0x18: {  	s0 =	sld [smem:$0x3F9B];
	_ =	swait.ge [sflag:s4], $0x0  }
0x19: {  	s7 =	sld [smem:$0x3F9C]  }
0x1a: {  	s8 =	sadd.s32 $0xFFFFE003, lr  }
0x1b: {  	s9 =	sadd.s32 $0xFFFFFEF7, lr;
	s5 =	simm.s32 $0xFFFFFFFF;
	p2 =	slt.u32 s8, $0xFFFFF086  }
0x1c: {  	p1 =	slt.u32 s9, $0xF7A;
	s5 =	simm.s32 @!p2 $0x0  }
0x1d: {  	s5 =	simm.s32 @p1 $0x1;
	p0 =	seq.s32 s7, s2  }
0x1e: {  	s7 =	smul.u32 @!p0 $0xF7A, s2;
	p2 =	seq.s32 @!p0 s5, $0x0  }
0x1f: {  	s9 =	smul.u32 $0xF7A, s1;
	s8 =	simm.s32 @!p0 $0x1BF5;
	p2 =	por !p2, p0  }
0x20: {  	[sflag:s8] =	ssyncset.s32 @!p0 $0xFFFFF086;
	s6 =	sadd.s32 @!p0 s3, s7;
	s7 =	simm.s32 @!p0 $0x108  }
0x21: {  	s3 =	sadd.s32 s3, s9;
	s6 =	sadd.s32 @!p0 $0x88, s6;
	s7 =	simm.s32 @p2 $0x1082  }
0x22: {  	[simem:s7], [sflag:s8] =	dma.local @!p0 [hbm:s6], $0xF7A  }
0x23: {  	s9 =	sor.u32 $0xD0000000, s2;
	s6 =	simm.s32 $0x108;
	_ =	swait.ge @!p0 [sflag:s8], $0x0  }
0x24: {  	s3 =	sadd.s32 $0x88, s3;
	s6 =	simm.s32 @!p1 $0x1082;
	[sflag:s4] =	ssyncset.s32 $0xFFFFF086  }
0x25: {  	[simem:s6], [sflag:s4] =	dma.local [hbm:s3], $0xF7A  }
0x26: {  	[smem:$0x3F9C] =	sst s1;
	(tag) =	ssettag s2;
	_ =	strace s9  }
0x27: {  	s1 =	sld [smem:$0x3FAC]  }
0x28: {  	s2 =	sld [smem:$0x3FAD]  }
0x29: {  	s4 =	sld [smem:$0x3FAF]  }
0x2a: {  	p0 =	seq.s32 s5, $0x0;
	s5 =	sld [smem:$0x3FB0]  }
0x2b: {  	s6 =	sld [smem:$0x3FB1]  }
0x2c: {  	s7 =	sld [smem:$0x3FB2]  }
0x2d: {  	s3 =	simm.s32 $0x108;
	s8 =	sld [smem:$0x3FB3]  }
0x2e: {  	s3 =	simm.s32 @!p0 $0x1082;
	s9 =	sld [smem:$0x3FB4]  }
0x2f: {  	lr =	sadd.s32 s0, s3;
	s0 =	sld [smem:$0x3FAB]  }
0x30: {  	s3 =	sld [smem:$0x3FAE]  }
0x31: {  	[smem:$0x3FB7] =	sst s10  }
0x32: {  	s10 =	sld [smem:$0x3FB5];
	_ =	sdelay $0x3  }
0x33: {  	p0 =	seq.s32 s10, $0x1;
	s10 =	sld [smem:$0x3FB7];
	_ =	sdelay $0x3  }
0x34: {  	[smem:$0x3FB7] =	sst s10  }
0x35: {  	s10 =	sld [smem:$0x3FB6];
	_ =	sdelay $0x3  }
0x36: {  	p1 =	seq.s32 s10, $0x1;
	s10 =	sld [smem:$0x3FB7];
	_ =	sdelay $0x3  }
0x37: {  	[smem:$0x3FB7] =	sst s10  }
0x38: {  	s10 =	sld [smem:$0x3FB8]  }
0x39: {  	_ = 	snop;
	(pc) =	sbr.ind lr, $3  }
0x3a: {  	_ = 	snop  }
0x3b: {  	_ = 	snop  }
0x3c: {  	p2 =	seq.s32 s10, $0x1;
	s10 =	sld [smem:$0x3FB7]  }
0x3d: {  	_ =	shalt  }
0x3e: {  	_ =	shalt  }
0x3f: {  	_ =	shalt  }
0x40: {  	_ =	shalt  }
0x41: {  	_ =	shalt  }
0x42: {  	_ =	shalt  }
0x43: {  	_ =	shalt  }
0x44: {  	_ =	shalt  }
0x45: {  	_ =	shalt  }
0x46: {  	_ =	shalt  }
0x47: {  	_ =	shalt  }
0x48: {  	_ =	shalt  }
0x49: {  	_ =	shalt  }
0x4a: {  	_ =	shalt  }
0x4b: {  	_ =	shalt  }
0x4c: {  	_ =	shalt  }
0x4d: {  	_ =	shalt  }
0x4e: {  	_ =	shalt  }
0x4f: {  	_ =	shalt  }
0x50: {  	_ =	shalt  }
0x51: {  	_ =	shalt  }
0x52: {  	_ =	shalt  }
0x53: {  	_ =	shalt  }
0x54: {  	_ =	shalt  }
0x55: {  	_ =	shalt  }
0x56: {  	_ =	shalt  }
0x57: {  	_ =	shalt  }
0x58: {  	_ =	shalt  }
0x59: {  	_ =	shalt  }
0x5a: {  	_ =	shalt  }
0x5b: {  	_ =	shalt  }
0x5c: {  	_ =	shalt  }
0x5d: {  	_ =	shalt  }
0x5e: {  	_ =	shalt  }
0x5f: {  	_ =	shalt  }
0x60: {  	_ =	shalt  }
0x61: {  	_ =	shalt  }
0x62: {  	_ =	shalt  }
0x63: {  	_ =	shalt  }
0x64: {  	_ =	shalt  }
0x65: {  	_ =	shalt  }
0x66: {  	_ =	shalt  }
0x67: {  	_ =	shalt  }
0x68: {  	_ =	shalt  }
0x69: {  	_ =	shalt  }
0x6a: {  	_ =	shalt  }
0x6b: {  	_ =	shalt  }
0x6c: {  	_ =	shalt  }
0x6d: {  	_ =	shalt  }
0x6e: {  	_ =	shalt  }
0x6f: {  	_ =	shalt  }
0x70: {  	_ =	shalt  }
0x71: {  	_ =	shalt  }
0x72: {  	_ =	shalt  }
0x73: {  	_ =	shalt  }
0x74: {  	_ =	shalt  }
0x75: {  	_ =	shalt  }
0x76: {  	_ =	shalt  }
0x77: {  	_ =	shalt  }
0x78: {  	_ =	shalt  }
0x79: {  	_ =	shalt  }
0x7a: {  	_ =	shalt  }
0x7b: {  	_ =	shalt  }
0x7c: {  	_ =	shalt  }
0x7d: {  	_ =	shalt  }
0x7e: {  	_ =	shalt  }
0x7f: {  	_ =	shalt  }
0x80: {  	_ =	shalt  }
0x81: {  	_ =	shalt  }
0x82: {  	_ =	shalt  }
0x83: {  	_ =	shalt  }
0x84: {  	_ =	shalt  }
0x85: {  	_ =	shalt  }
0x86: {  	_ =	shalt  }
0x87: {  	_ =	shalt  }
.Lfunc_end0:
.L_simem_size_0:
called_computation.1_lowered:
.L_overlay_start_0:
0x88: {  	s2 =	sld [smem:$0x3FD9]  }
0x89: {  	s3 =	sld [smem:$0x3FFE];
	_ =	sdelay $0x1  }
0x8a: {  	s1 =	srdreg.scid  }
0x8b: {  	s0 =	sand.u32 $0x1, s1  }
0x8c: {  	s17 =	sshll.u32 s0, $0xA;
	s2 =	sadd.s32 s3, s2  }
0x8d: {  	s2 =	sadd.s32 s2, s17  }
0x8e: {  	[smem:$0x3FC3] =	sst s2  }
0x8f: {  	_ = 	snop  }
0x90: {  	s2 =	sld [smem:$0x3FC8];
	(tm) =	ssettm $0x1  }
0x91: {  	s18 =	sld [smem:$0x3FFB];
	_ =	sdelay $0x3  }
0x92: {  	_ =	strace s18  }
0x93: {  	s3 =	sld [smem:$0x3FFC];
	_ =	sdelay $0x3  }
0x94: {  	_ =	strace s3  }
0x95: {  	s3 =	sld [smem:$0x3FFD];
	_ =	sdelay $0x3  }
0x96: {  	_ =	strace s3  }
0x97: {  	_ =	strace $0x8FFFFFFF  }
0x98: {  	s19 =	sld [smem:$0x3FDB];
	_ =	sdelay $0x1  }
0x99: {  	s4 =	simm.s32 $_scs_section_size  }
0x9a: {  	s5 =	simm.s32 $_size__tile_overlayer_lowered;
	s6 =	simm.s32 $_tile_overlayer_lowered  }
0x9b: {  	s22 =	simm.s32 $0x1BFF;
	s21 =	sshll.u32 s6, $0x1;
	s3 =	sadd.s32 s4, s19  }
0x9c: {  	s7 =	simm.s32 $0x0;
	s20 =	sshll.u32 s5, $0x1;
	s5 =	sadd.s32 s21, s3  }
0x9d: {  	[timem:s7], [sflag:s22] =	dma.local [hbm:s5], s20  }
0x9e: {  	_ =	swait.ge [sflag:s22], s20  }
0x9f: {  	s4 =	ssub.s32 $0x0, s20;
	[sflag:s22] =	ssyncset.done $0x0  }
0xa0: {  	[sflag:s22] =	ssyncadd.s32 s4;
	_ =	sdelay $0x1  }
0xa1: {  	s23 =	simm.s32 $0x1B8B  }
0xa2: {  	_ =	swait.ge [sflag:s23], $0x1  }
0xa3: {  	[sflag:s23] =	ssyncset.done $0x0  }
0xa4: {  	s25 =	simm.s32 $0x1B8E;
	s24 =	sld [smem:$0x3FFE];
	[sflag:s23] =	ssyncadd.s32 $0xFFFFFFFF  }
0xa5: {  	s26 =	simm.s32 $execute0_lowered;
	[smem:$0x3FD2] =	sst s25  }
0xa6: {  	s5 =	sshll.u32 s26, $0x1;
	_ =	strace $0x80000049;
	[dreg:$0x1] =	wrdreg $0xFFFFFFFF  }
0xa7: {  	s28 =	simm.s32 $_size_execute0_lowered;
	s3 =	sadd.s32 s3, s5;
	[dreg:$0x0] =	wrdreg $0x0  }
0xa8: {  	s5 =	sshll.u32 s28, $0x1;
	[dreg:$0x2] =	wrdreg s3  }
0xa9: {  	[dreg:$0x3] =	wrdreg s5  }
0xaa: {  	[dreg:$0x4] =	wrdreg $0xC0  }
0xab: {  	_ =	task [dreg:s7], $0x5FFFF  }
0xac: {  	[dreg:$0x1] =	wrdreg $0xFFFFFFFF  }
0xad: {  	[dreg:$0x0] =	wrdreg $0x60  }
0xae: {  	[dreg:$0x2] =	wrdreg s2  }
0xaf: {  	[dreg:$0x3] =	wrdreg s24  }
0xb0: {  	[dreg:$0x4] =	wrdreg $0x9  }
0xb1: {  	_ =	task.clear_ibuf [dreg:s7], $0x5FFFF;
	_ =	strace $0x90000049  }
0xb2: {  	s29 =	simm.s32 $0x9;
	_ =	strace $0x8000004B  }
0xb3: {  	_ =	swait.ge [sflag:s29], $0x1  }
0xb4: {  	[sflag:s29] =	ssyncadd.s32 $0xFFFFFFFF  }
0xb5: {  	_ =	strace $0x9000004B  }
0xb6: {  	_ =	sfence  }
0xb7: {  	s30 =	sld [smem:$0x0];
	_ =	sdelay $0x2  }
0xb8: {  	s31 =	sshll.u32 s1, $0xD;
	s1 =	sshrl.u32 s1, $0x2  }
0xb9: {  	s3 =	sand.u32 $0x4000, s31;
	s1 =	sadd.s32 s1, s30  }
0xba: {  	s0 =	sor.u32 s3, s0;
	s1 =	sshll.u32 s1, $0x11  }
0xbb: {  	s0 =	sor.u32 s1, s0  }
0xbc: {  	s0 =	sadd.s32 $0x8F2B, s0  }
0xbd: {  	[sflag:s0] =	ssyncadd.remote.s32 $0x1  }
0xbe: {  	_ =	sfence.sel $0xFFFF  }
0xbf: {  	[dreg:$0x0] =	wrdreg $0xFFFFFFFF;
	(pc) =	sbr.abs _section_cstart, $3  }
0xc0: {  	[dreg:$0x1] =	wrdreg $0xFFFFFFFF  }
0xc1: {  	_ =	task.clear_ibuf [dreg:s7], $0x2FFFF;
	_ =	strace $0x9FFFFFFF  }
0xc2: {  	(tm) =	ssettm $0x7FFFFFFF  }
0xc3: {  	_ =	shalt  }
tec
execute0_lowered:
.L_overlay_start_1:
0x0: {  	(tag) =	ssettag $0x1  }
0x1: {  	s2 =	rddreg [dreg:$0x0];
	s1 =	srdreg.scid  }
0x2: {  	s0 =	stileid.u32;
	s4 =	rddreg [dreg:$0x1]  }
0x3: {  	s3 =	simm.s32 $0x0;
	s5 =	sand.u32 $0x1, s1;
	s6 =	sshll.u32 s0, $0x1  }
0x4: {  	s22 =	simm.s32 $0x2;
	s23 =	simm.s32 $0x180;
	s6 =	sor.u32 s5, s6  }
0x5: {  	s24 =	simm.s32 $0x8180;
	s25 =	simm.s32 $0x1;
	s7 =	smul.u32 $0x30, s6  }
0x6: {  	s1 =	rddreg [dreg:$0x2];
	s5 =	ssub.s32 $0x2, s5;
	s8 =	smul.u32 $0x18000, s6  }
0x7: {  	[smem:$0x7FF] =	sst s3;
	s9 =	sshrl.u32 s5, $0x1;
	s10 =	smul.u32 $0xC0000, s6  }
0x8: {  	s11 =	sadd.s32 $0x442000, s4;
	_ =	strace $0x8000004A;
	s21 =	ssub.s32 s5, s9  }
0x9: {  	s7 =	sadd.s32 s7, s4;
	s4 =	sadd.s32 s11, s8;
	s12 =	sshrl.u32 s10, $0x3  }
0xa: {  	s21 =	smax.u32 s21, $0x1;
	s5 =	sadd.s32 $0x2000, s7;
	s6 =	sadd.s32 $0x1800, s4  }
0xb: {  	s7 =	sadd.s32 $0x3000, s4;
	s8 =	sadd.s32 $0x4800, s4;
	s20 =	sadd.s32 s11, s12  }
0xc: {  	s9 =	sadd.s32 $0x6000, s4;
	s10 =	sadd.s32 $0x7800, s4;
	s11 =	sadd.s32 $0x9000, s20  }
0xd: {  	s12 =	sadd.s32 $0xA800, s20;
	s13 =	sadd.s32 $0xC000, s20;
	s14 =	sadd.s32 $0xD800, s20  }
0xe: {  	s15 =	sadd.s32 $0xF000, s20;
	s16 =	sadd.s32 $0x10800, s20;
	s17 =	sadd.s32 $0x12000, s20  }
0xf: {  	v0 =	vlaneseq.u32;
	vm0 =	vmmov $0xffff;
	vm1 =	vmmov $0xff;
	s18 =	sadd.s32 $0x13800, s20;
	s19 =	sadd.s32 $0x15000, s20;
	s20 =	sadd.s32 $0x16800, s20  }
.LBB2_1:
0x10: {  	[tilespmem:s3], [sflag:$0x2] =	stream.linear.gather [hbm4b:s5+s3], $0x180, $0x38;
	[tilespmem:$0xC180] =	vst v63  }
0x11: {  	_ =	swait.ge [sflag:s22], $0x180  }
0x12: {  	[sflag:s22] =	ssyncset.done $0x0  }
0x13: {  	[sflag:s22] =	ssyncadd.s32 $0xFFFFFE80  }
0x14: {  	v1 =	vld [tilespmem:$0x0];
	_ =	sdelay $0x4  }
0x15: {  	v1 =	vshll.u32 v1, $0xB  }
0x16: {  	v1 =	vperm.xlane v1, v0;
	_ =	sdelay $0x5  }
0x17: {  	[tilespmem:s23], [sflag:$0x1] =	stream.indirect_vreg.gather [hbm4b:s2+s3], $0x800, v1, vm0, $0x38;
	[tilespmem:$0xC180] =	vst v63  }
0x18: {  	v1 =	vld.msk [tilespmem:$0x10], $0xff;
	_ =	sdelay $0x4  }
0x19: {  	v1 =	vshll.u32 v1, $0xB  }
0x1a: {  	v1 =	vperm.xlane v1, v0;
	_ =	sdelay $0x5  }
0x1b: {  	[tilespmem:s24], [sflag:$0x1] =	stream.indirect_vreg.gather [hbm4b:s2+s3], $0x800, v1, vm1, $0x38;
	[tilespmem:$0xC180] =	vst v63  }
0x1c: {  	_ =	swait.ge [sflag:s25], $0xC000  }
0x1d: {  	[sflag:s25] =	ssyncset.done $0x0  }
0x1e: {  	[sflag:s25] =	ssyncadd.s32 $0xFFFF4000  }
0x1f: {  	[hbm4b:s4+s3] =	stream.linear.scatter [tilespmem:s23], [sflag:$0x2], $0xC000, $0x38;
	[tilespmem:$0xC180] =	vst v63  }
0x20: {  	_ =	swait.ge [sflag:s22], $0xC000  }
0x21: {  	[sflag:s22] =	ssyncset.done $0x0  }
0x22: {  	[sflag:s22] =	ssyncadd.s32 $0xFFFF4000  }
0x23: {  	v1 =	vld [tilespmem:$0x18];
	_ =	sdelay $0x4  }
0x24: {  	v1 =	vshll.u32 v1, $0xB  }
0x25: {  	v1 =	vperm.xlane v1, v0;
	_ =	sdelay $0x5  }
0x26: {  	[tilespmem:s23], [sflag:$0x1] =	stream.indirect_vreg.gather [hbm4b:s2+s3], $0x800, v1, vm0, $0x38;
	[tilespmem:$0xC180] =	vst v63  }
0x27: {  	v1 =	vld.msk [tilespmem:$0x28], $0xff;
	_ =	sdelay $0x4  }
0x28: {  	v1 =	vshll.u32 v1, $0xB  }
0x29: {  	v1 =	vperm.xlane v1, v0;
	_ =	sdelay $0x5  }
0x2a: {  	[tilespmem:s24], [sflag:$0x1] =	stream.indirect_vreg.gather [hbm4b:s2+s3], $0x800, v1, vm1, $0x38;
	[tilespmem:$0xC180] =	vst v63  }
0x2b: {  	_ =	swait.ge [sflag:s25], $0xC000  }
0x2c: {  	[sflag:s25] =	ssyncset.done $0x0  }
0x2d: {  	[sflag:s25] =	ssyncadd.s32 $0xFFFF4000  }
0x2e: {  	[hbm4b:s6+s3] =	stream.linear.scatter [tilespmem:s23], [sflag:$0x2], $0xC000, $0x38;
	[tilespmem:$0xC180] =	vst v63  }
0x2f: {  	_ =	swait.ge [sflag:s22], $0xC000  }
0x30: {  	[sflag:s22] =	ssyncset.done $0x0  }
0x31: {  	[sflag:s22] =	ssyncadd.s32 $0xFFFF4000  }
0x32: {  	v1 =	vld [tilespmem:$0x30];
	_ =	sdelay $0x4  }
0x33: {  	v1 =	vshll.u32 v1, $0xB  }
0x34: {  	v1 =	vperm.xlane v1, v0;
	_ =	sdelay $0x5  }
0x35: {  	[tilespmem:s23], [sflag:$0x1] =	stream.indirect_vreg.gather [hbm4b:s2+s3], $0x800, v1, vm0, $0x38;
	[tilespmem:$0xC180] =	vst v63  }
0x36: {  	v1 =	vld.msk [tilespmem:$0x40], $0xff;
	_ =	sdelay $0x4  }
0x37: {  	v1 =	vshll.u32 v1, $0xB  }
0x38: {  	v1 =	vperm.xlane v1, v0;
	_ =	sdelay $0x5  }
0x39: {  	[tilespmem:s24], [sflag:$0x1] =	stream.indirect_vreg.gather [hbm4b:s2+s3], $0x800, v1, vm1, $0x38;
	[tilespmem:$0xC180] =	vst v63  }
0x3a: {  	_ =	swait.ge [sflag:s25], $0xC000  }
0x3b: {  	[sflag:s25] =	ssyncset.done $0x0  }
0x3c: {  	[sflag:s25] =	ssyncadd.s32 $0xFFFF4000  }
0x3d: {  	[hbm4b:s7+s3] =	stream.linear.scatter [tilespmem:s23], [sflag:$0x2], $0xC000, $0x38;
	[tilespmem:$0xC180] =	vst v63  }
0x3e: {  	_ =	swait.ge [sflag:s22], $0xC000  }
0x3f: {  	[sflag:s22] =	ssyncset.done $0x0  }
0x40: {  	[sflag:s22] =	ssyncadd.s32 $0xFFFF4000  }
0x41: {  	v1 =	vld [tilespmem:$0x48];
	_ =	sdelay $0x4  }
0x42: {  	v1 =	vshll.u32 v1, $0xB  }
0x43: {  	v1 =	vperm.xlane v1, v0;
	_ =	sdelay $0x5  }
0x44: {  	[tilespmem:s23], [sflag:$0x1] =	stream.indirect_vreg.gather [hbm4b:s2+s3], $0x800, v1, vm0, $0x38;
	[tilespmem:$0xC180] =	vst v63  }
0x45: {  	v1 =	vld.msk [tilespmem:$0x58], $0xff;
	_ =	sdelay $0x4  }
0x46: {  	v1 =	vshll.u32 v1, $0xB  }
0x47: {  	v1 =	vperm.xlane v1, v0;
	_ =	sdelay $0x5  }
0x48: {  	[tilespmem:s24], [sflag:$0x1] =	stream.indirect_vreg.gather [hbm4b:s2+s3], $0x800, v1, vm1, $0x38;
	[tilespmem:$0xC180] =	vst v63  }
0x49: {  	_ =	swait.ge [sflag:s25], $0xC000  }
0x4a: {  	[sflag:s25] =	ssyncset.done $0x0  }
0x4b: {  	[sflag:s25] =	ssyncadd.s32 $0xFFFF4000  }
0x4c: {  	[hbm4b:s8+s3] =	stream.linear.scatter [tilespmem:s23], [sflag:$0x2], $0xC000, $0x38;
	[tilespmem:$0xC180] =	vst v63  }
0x4d: {  	_ =	swait.ge [sflag:s22], $0xC000  }
0x4e: {  	[sflag:s22] =	ssyncset.done $0x0  }
0x4f: {  	[sflag:s22] =	ssyncadd.s32 $0xFFFF4000  }
0x50: {  	v1 =	vld [tilespmem:$0x60];
	_ =	sdelay $0x4  }
0x51: {  	v1 =	vshll.u32 v1, $0xB  }
0x52: {  	v1 =	vperm.xlane v1, v0;
	_ =	sdelay $0x5  }
0x53: {  	[tilespmem:s23], [sflag:$0x1] =	stream.indirect_vreg.gather [hbm4b:s2+s3], $0x800, v1, vm0, $0x38;
	[tilespmem:$0xC180] =	vst v63  }
0x54: {  	v1 =	vld.msk [tilespmem:$0x70], $0xff;
	_ =	sdelay $0x4  }
0x55: {  	v1 =	vshll.u32 v1, $0xB  }
0x56: {  	v1 =	vperm.xlane v1, v0;
	_ =	sdelay $0x5  }
0x57: {  	[tilespmem:s24], [sflag:$0x1] =	stream.indirect_vreg.gather [hbm4b:s2+s3], $0x800, v1, vm1, $0x38;
	[tilespmem:$0xC180] =	vst v63  }
0x58: {  	_ =	swait.ge [sflag:s25], $0xC000  }
0x59: {  	[sflag:s25] =	ssyncset.done $0x0  }
0x5a: {  	[sflag:s25] =	ssyncadd.s32 $0xFFFF4000  }
0x5b: {  	[hbm4b:s9+s3] =	stream.linear.scatter [tilespmem:s23], [sflag:$0x2], $0xC000, $0x38;
	[tilespmem:$0xC180] =	vst v63  }
0x5c: {  	_ =	swait.ge [sflag:s22], $0xC000  }
0x5d: {  	[sflag:s22] =	ssyncset.done $0x0  }
0x5e: {  	[sflag:s22] =	ssyncadd.s32 $0xFFFF4000  }
0x5f: {  	v1 =	vld [tilespmem:$0x78];
	_ =	sdelay $0x4  }
0x60: {  	v1 =	vshll.u32 v1, $0xB  }
0x61: {  	v1 =	vperm.xlane v1, v0;
	_ =	sdelay $0x5  }
0x62: {  	[tilespmem:s23], [sflag:$0x1] =	stream.indirect_vreg.gather [hbm4b:s2+s3], $0x800, v1, vm0, $0x38;
	[tilespmem:$0xC180] =	vst v63  }
0x63: {  	v1 =	vld.msk [tilespmem:$0x88], $0xff;
	_ =	sdelay $0x4  }
0x64: {  	v1 =	vshll.u32 v1, $0xB  }
0x65: {  	v1 =	vperm.xlane v1, v0;
	_ =	sdelay $0x5  }
0x66: {  	[tilespmem:s24], [sflag:$0x1] =	stream.indirect_vreg.gather [hbm4b:s2+s3], $0x800, v1, vm1, $0x38;
	[tilespmem:$0xC180] =	vst v63  }
0x67: {  	_ =	swait.ge [sflag:s25], $0xC000  }
0x68: {  	[sflag:s25] =	ssyncset.done $0x0  }
0x69: {  	[sflag:s25] =	ssyncadd.s32 $0xFFFF4000  }
0x6a: {  	[hbm4b:s10+s3] =	stream.linear.scatter [tilespmem:s23], [sflag:$0x2], $0xC000, $0x38;
	[tilespmem:$0xC180] =	vst v63  }
0x6b: {  	_ =	swait.ge [sflag:s22], $0xC000  }
0x6c: {  	[sflag:s22] =	ssyncset.done $0x0  }
0x6d: {  	[sflag:s22] =	ssyncadd.s32 $0xFFFF4000  }
0x6e: {  	v1 =	vld [tilespmem:$0x90];
	_ =	sdelay $0x4  }
0x6f: {  	v1 =	vshll.u32 v1, $0xB  }
0x70: {  	v1 =	vperm.xlane v1, v0;
	_ =	sdelay $0x5  }
0x71: {  	[tilespmem:s23], [sflag:$0x1] =	stream.indirect_vreg.gather [hbm4b:s2+s3], $0x800, v1, vm0, $0x38;
	[tilespmem:$0xC180] =	vst v63  }
0x72: {  	v1 =	vld.msk [tilespmem:$0xA0], $0xff;
	_ =	sdelay $0x4  }
0x73: {  	v1 =	vshll.u32 v1, $0xB  }
0x74: {  	v1 =	vperm.xlane v1, v0;
	_ =	sdelay $0x5  }
0x75: {  	[tilespmem:s24], [sflag:$0x1] =	stream.indirect_vreg.gather [hbm4b:s2+s3], $0x800, v1, vm1, $0x38;
	[tilespmem:$0xC180] =	vst v63  }
0x76: {  	_ =	swait.ge [sflag:s25], $0xC000  }
0x77: {  	[sflag:s25] =	ssyncset.done $0x0  }
0x78: {  	[sflag:s25] =	ssyncadd.s32 $0xFFFF4000  }
0x79: {  	[hbm4b:s11+s3] =	stream.linear.scatter [tilespmem:s23], [sflag:$0x2], $0xC000, $0x38;
	[tilespmem:$0xC180] =	vst v63  }
0x7a: {  	_ =	swait.ge [sflag:s22], $0xC000  }
0x7b: {  	[sflag:s22] =	ssyncset.done $0x0  }
0x7c: {  	[sflag:s22] =	ssyncadd.s32 $0xFFFF4000  }
0x7d: {  	v1 =	vld [tilespmem:$0xA8];
	_ =	sdelay $0x4  }
0x7e: {  	v1 =	vshll.u32 v1, $0xB  }
0x7f: {  	v1 =	vperm.xlane v1, v0;
	_ =	sdelay $0x5  }
0x80: {  	[tilespmem:s23], [sflag:$0x1] =	stream.indirect_vreg.gather [hbm4b:s2+s3], $0x800, v1, vm0, $0x38;
	[tilespmem:$0xC180] =	vst v63  }
0x81: {  	v1 =	vld.msk [tilespmem:$0xB8], $0xff;
	_ =	sdelay $0x4  }
0x82: {  	v1 =	vshll.u32 v1, $0xB  }
0x83: {  	v1 =	vperm.xlane v1, v0;
	_ =	sdelay $0x5  }
0x84: {  	[tilespmem:s24], [sflag:$0x1] =	stream.indirect_vreg.gather [hbm4b:s2+s3], $0x800, v1, vm1, $0x38;
	[tilespmem:$0xC180] =	vst v63  }
0x85: {  	_ =	swait.ge [sflag:s25], $0xC000  }
0x86: {  	[sflag:s25] =	ssyncset.done $0x0  }
0x87: {  	[sflag:s25] =	ssyncadd.s32 $0xFFFF4000  }
0x88: {  	[hbm4b:s12+s3] =	stream.linear.scatter [tilespmem:s23], [sflag:$0x2], $0xC000, $0x38;
	[tilespmem:$0xC180] =	vst v63  }
0x89: {  	_ =	swait.ge [sflag:s22], $0xC000  }
0x8a: {  	[sflag:s22] =	ssyncset.done $0x0  }
0x8b: {  	[sflag:s22] =	ssyncadd.s32 $0xFFFF4000  }
0x8c: {  	v1 =	vld [tilespmem:$0xC0];
	_ =	sdelay $0x4  }
0x8d: {  	v1 =	vshll.u32 v1, $0xB  }
0x8e: {  	v1 =	vperm.xlane v1, v0;
	_ =	sdelay $0x5  }
0x8f: {  	[tilespmem:s23], [sflag:$0x1] =	stream.indirect_vreg.gather [hbm4b:s2+s3], $0x800, v1, vm0, $0x38;
	[tilespmem:$0xC180] =	vst v63  }
0x90: {  	v1 =	vld.msk [tilespmem:$0xD0], $0xff;
	_ =	sdelay $0x4  }
0x91: {  	v1 =	vshll.u32 v1, $0xB  }
0x92: {  	v1 =	vperm.xlane v1, v0;
	_ =	sdelay $0x5  }
0x93: {  	[tilespmem:s24], [sflag:$0x1] =	stream.indirect_vreg.gather [hbm4b:s2+s3], $0x800, v1, vm1, $0x38;
	[tilespmem:$0xC180] =	vst v63  }
0x94: {  	_ =	swait.ge [sflag:s25], $0xC000  }
0x95: {  	[sflag:s25] =	ssyncset.done $0x0  }
0x96: {  	[sflag:s25] =	ssyncadd.s32 $0xFFFF4000  }
0x97: {  	[hbm4b:s13+s3] =	stream.linear.scatter [tilespmem:s23], [sflag:$0x2], $0xC000, $0x38;
	[tilespmem:$0xC180] =	vst v63  }
0x98: {  	_ =	swait.ge [sflag:s22], $0xC000  }
0x99: {  	[sflag:s22] =	ssyncset.done $0x0  }
0x9a: {  	[sflag:s22] =	ssyncadd.s32 $0xFFFF4000  }
0x9b: {  	v1 =	vld [tilespmem:$0xD8];
	_ =	sdelay $0x4  }
0x9c: {  	v1 =	vshll.u32 v1, $0xB  }
0x9d: {  	v1 =	vperm.xlane v1, v0;
	_ =	sdelay $0x5  }
0x9e: {  	[tilespmem:s23], [sflag:$0x1] =	stream.indirect_vreg.gather [hbm4b:s2+s3], $0x800, v1, vm0, $0x38;
	[tilespmem:$0xC180] =	vst v63  }
0x9f: {  	v1 =	vld.msk [tilespmem:$0xE8], $0xff;
	_ =	sdelay $0x4  }
0xa0: {  	v1 =	vshll.u32 v1, $0xB  }
0xa1: {  	v1 =	vperm.xlane v1, v0;
	_ =	sdelay $0x5  }
0xa2: {  	[tilespmem:s24], [sflag:$0x1] =	stream.indirect_vreg.gather [hbm4b:s2+s3], $0x800, v1, vm1, $0x38;
	[tilespmem:$0xC180] =	vst v63  }
0xa3: {  	_ =	swait.ge [sflag:s25], $0xC000  }
0xa4: {  	[sflag:s25] =	ssyncset.done $0x0  }
0xa5: {  	[sflag:s25] =	ssyncadd.s32 $0xFFFF4000  }
0xa6: {  	[hbm4b:s14+s3] =	stream.linear.scatter [tilespmem:s23], [sflag:$0x2], $0xC000, $0x38;
	[tilespmem:$0xC180] =	vst v63  }
0xa7: {  	_ =	swait.ge [sflag:s22], $0xC000  }
0xa8: {  	[sflag:s22] =	ssyncset.done $0x0  }
0xa9: {  	[sflag:s22] =	ssyncadd.s32 $0xFFFF4000  }
0xaa: {  	v1 =	vld [tilespmem:$0xF0];
	_ =	sdelay $0x4  }
0xab: {  	v1 =	vshll.u32 v1, $0xB  }
0xac: {  	v1 =	vperm.xlane v1, v0;
	_ =	sdelay $0x5  }
0xad: {  	[tilespmem:s23], [sflag:$0x1] =	stream.indirect_vreg.gather [hbm4b:s2+s3], $0x800, v1, vm0, $0x38;
	[tilespmem:$0xC180] =	vst v63  }
0xae: {  	v1 =	vld.msk [tilespmem:$0x100], $0xff;
	_ =	sdelay $0x4  }
0xaf: {  	v1 =	vshll.u32 v1, $0xB  }
0xb0: {  	v1 =	vperm.xlane v1, v0;
	_ =	sdelay $0x5  }
0xb1: {  	[tilespmem:s24], [sflag:$0x1] =	stream.indirect_vreg.gather [hbm4b:s2+s3], $0x800, v1, vm1, $0x38;
	[tilespmem:$0xC180] =	vst v63  }
0xb2: {  	_ =	swait.ge [sflag:s25], $0xC000  }
0xb3: {  	[sflag:s25] =	ssyncset.done $0x0  }
0xb4: {  	[sflag:s25] =	ssyncadd.s32 $0xFFFF4000  }
0xb5: {  	[hbm4b:s15+s3] =	stream.linear.scatter [tilespmem:s23], [sflag:$0x2], $0xC000, $0x38;
	[tilespmem:$0xC180] =	vst v63  }
0xb6: {  	_ =	swait.ge [sflag:s22], $0xC000  }
0xb7: {  	[sflag:s22] =	ssyncset.done $0x0  }
0xb8: {  	[sflag:s22] =	ssyncadd.s32 $0xFFFF4000  }
0xb9: {  	v1 =	vld [tilespmem:$0x108];
	_ =	sdelay $0x4  }
0xba: {  	v1 =	vshll.u32 v1, $0xB  }
0xbb: {  	v1 =	vperm.xlane v1, v0;
	_ =	sdelay $0x5  }
0xbc: {  	[tilespmem:s23], [sflag:$0x1] =	stream.indirect_vreg.gather [hbm4b:s2+s3], $0x800, v1, vm0, $0x38;
	[tilespmem:$0xC180] =	vst v63  }
0xbd: {  	v1 =	vld.msk [tilespmem:$0x118], $0xff;
	_ =	sdelay $0x4  }
0xbe: {  	v1 =	vshll.u32 v1, $0xB  }
0xbf: {  	v1 =	vperm.xlane v1, v0;
	_ =	sdelay $0x5  }
0xc0: {  	[tilespmem:s24], [sflag:$0x1] =	stream.indirect_vreg.gather [hbm4b:s2+s3], $0x800, v1, vm1, $0x38;
	[tilespmem:$0xC180] =	vst v63  }
0xc1: {  	_ =	swait.ge [sflag:s25], $0xC000  }
0xc2: {  	[sflag:s25] =	ssyncset.done $0x0  }
0xc3: {  	[sflag:s25] =	ssyncadd.s32 $0xFFFF4000  }
0xc4: {  	[hbm4b:s16+s3] =	stream.linear.scatter [tilespmem:s23], [sflag:$0x2], $0xC000, $0x38;
	[tilespmem:$0xC180] =	vst v63  }
0xc5: {  	_ =	swait.ge [sflag:s22], $0xC000  }
0xc6: {  	[sflag:s22] =	ssyncset.done $0x0  }
0xc7: {  	[sflag:s22] =	ssyncadd.s32 $0xFFFF4000  }
0xc8: {  	v1 =	vld [tilespmem:$0x120];
	_ =	sdelay $0x4  }
0xc9: {  	v1 =	vshll.u32 v1, $0xB  }
0xca: {  	v1 =	vperm.xlane v1, v0;
	_ =	sdelay $0x5  }
0xcb: {  	[tilespmem:s23], [sflag:$0x1] =	stream.indirect_vreg.gather [hbm4b:s2+s3], $0x800, v1, vm0, $0x38;
	[tilespmem:$0xC180] =	vst v63  }
0xcc: {  	v1 =	vld.msk [tilespmem:$0x130], $0xff;
	_ =	sdelay $0x4  }
0xcd: {  	v1 =	vshll.u32 v1, $0xB  }
0xce: {  	v1 =	vperm.xlane v1, v0;
	_ =	sdelay $0x5  }
0xcf: {  	[tilespmem:s24], [sflag:$0x1] =	stream.indirect_vreg.gather [hbm4b:s2+s3], $0x800, v1, vm1, $0x38;
	[tilespmem:$0xC180] =	vst v63  }
0xd0: {  	_ =	swait.ge [sflag:s25], $0xC000  }
0xd1: {  	[sflag:s25] =	ssyncset.done $0x0  }
0xd2: {  	[sflag:s25] =	ssyncadd.s32 $0xFFFF4000  }
0xd3: {  	[hbm4b:s17+s3] =	stream.linear.scatter [tilespmem:s23], [sflag:$0x2], $0xC000, $0x38;
	[tilespmem:$0xC180] =	vst v63  }
0xd4: {  	_ =	swait.ge [sflag:s22], $0xC000  }
0xd5: {  	[sflag:s22] =	ssyncset.done $0x0  }
0xd6: {  	[sflag:s22] =	ssyncadd.s32 $0xFFFF4000  }
0xd7: {  	v1 =	vld [tilespmem:$0x138];
	_ =	sdelay $0x4  }
0xd8: {  	v1 =	vshll.u32 v1, $0xB  }
0xd9: {  	v1 =	vperm.xlane v1, v0;
	_ =	sdelay $0x5  }
0xda: {  	[tilespmem:s23], [sflag:$0x1] =	stream.indirect_vreg.gather [hbm4b:s2+s3], $0x800, v1, vm0, $0x38;
	[tilespmem:$0xC180] =	vst v63  }
0xdb: {  	v1 =	vld.msk [tilespmem:$0x148], $0xff;
	_ =	sdelay $0x4  }
0xdc: {  	v1 =	vshll.u32 v1, $0xB  }
0xdd: {  	v1 =	vperm.xlane v1, v0;
	_ =	sdelay $0x5  }
0xde: {  	[tilespmem:s24], [sflag:$0x1] =	stream.indirect_vreg.gather [hbm4b:s2+s3], $0x800, v1, vm1, $0x38;
	[tilespmem:$0xC180] =	vst v63  }
0xdf: {  	_ =	swait.ge [sflag:s25], $0xC000  }
0xe0: {  	[sflag:s25] =	ssyncset.done $0x0  }
0xe1: {  	[sflag:s25] =	ssyncadd.s32 $0xFFFF4000  }
0xe2: {  	[hbm4b:s18+s3] =	stream.linear.scatter [tilespmem:s23], [sflag:$0x2], $0xC000, $0x38;
	[tilespmem:$0xC180] =	vst v63  }
0xe3: {  	_ =	swait.ge [sflag:s22], $0xC000  }
0xe4: {  	[sflag:s22] =	ssyncset.done $0x0  }
0xe5: {  	[sflag:s22] =	ssyncadd.s32 $0xFFFF4000  }
0xe6: {  	v1 =	vld [tilespmem:$0x150];
	_ =	sdelay $0x4  }
0xe7: {  	v1 =	vshll.u32 v1, $0xB  }
0xe8: {  	v1 =	vperm.xlane v1, v0;
	_ =	sdelay $0x5  }
0xe9: {  	[tilespmem:s23], [sflag:$0x1] =	stream.indirect_vreg.gather [hbm4b:s2+s3], $0x800, v1, vm0, $0x38;
	[tilespmem:$0xC180] =	vst v63  }
0xea: {  	v1 =	vld.msk [tilespmem:$0x160], $0xff;
	_ =	sdelay $0x4  }
0xeb: {  	v1 =	vshll.u32 v1, $0xB  }
0xec: {  	v1 =	vperm.xlane v1, v0;
	_ =	sdelay $0x5  }
0xed: {  	[tilespmem:s24], [sflag:$0x1] =	stream.indirect_vreg.gather [hbm4b:s2+s3], $0x800, v1, vm1, $0x38;
	[tilespmem:$0xC180] =	vst v63  }
0xee: {  	_ =	swait.ge [sflag:s25], $0xC000  }
0xef: {  	[sflag:s25] =	ssyncset.done $0x0  }
0xf0: {  	[sflag:s25] =	ssyncadd.s32 $0xFFFF4000  }
0xf1: {  	[hbm4b:s19+s3] =	stream.linear.scatter [tilespmem:s23], [sflag:$0x2], $0xC000, $0x38;
	[tilespmem:$0xC180] =	vst v63  }
0xf2: {  	_ =	swait.ge [sflag:s22], $0xC000  }
0xf3: {  	[sflag:s22] =	ssyncset.done $0x0  }
0xf4: {  	[sflag:s22] =	ssyncadd.s32 $0xFFFF4000  }
0xf5: {  	v1 =	vld [tilespmem:$0x168];
	_ =	sdelay $0x4  }
0xf6: {  	v1 =	vshll.u32 v1, $0xB  }
0xf7: {  	v1 =	vperm.xlane v1, v0;
	_ =	sdelay $0x5  }
0xf8: {  	[tilespmem:s23], [sflag:$0x1] =	stream.indirect_vreg.gather [hbm4b:s2+s3], $0x800, v1, vm0, $0x38;
	[tilespmem:$0xC180] =	vst v63  }
0xf9: {  	v1 =	vld.msk [tilespmem:$0x178], $0xff;
	_ =	sdelay $0x4  }
0xfa: {  	v1 =	vshll.u32 v1, $0xB  }
0xfb: {  	v1 =	vperm.xlane v1, v0;
	_ =	sdelay $0x5  }
0xfc: {  	[tilespmem:s24], [sflag:$0x1] =	stream.indirect_vreg.gather [hbm4b:s2+s3], $0x800, v1, vm1, $0x38;
	[tilespmem:$0xC180] =	vst v63  }
0xfd: {  	_ =	swait.ge [sflag:s25], $0xC000  }
0xfe: {  	p0 =	sne.s32 s21, $0x1;
	[sflag:s25] =	ssyncset.done $0x0  }
.Ltmp0:
0xff: {  	[sflag:s25] =	ssyncadd.s32 $0xFFFF4000;
	(pc) =	sbr.rel @p0 .LBB2_1-.Ltmp0, $4  }
0x100: {  	[hbm4b:s20+s3] =	stream.linear.scatter [tilespmem:s23], [sflag:$0x2], $0xC000, $0x38;
	[tilespmem:$0xC180] =	vst v63  }
0x101: {  	_ =	swait.ge [sflag:s22], $0xC000  }
0x102: {  	[sflag:s22] =	ssyncset.done $0x0  }
0x103: {  	s21 =	sadd.s32 $0xFFFFFFFF, s21;
	[sflag:s22] =	ssyncadd.s32 $0xFFFF4000  }
0x104: {  	_ =	sfence.sel $0x180000  }
0x105: {  	[bflag:$0x0] =	sbarrier.arrive $0xFFFF  }
0x106: {  	p0 =	sne.s32 s0, $0x0;
	_ =	strace $0x9000004A  }
0x107: {  	s0 =	sadd.s32 @!p0 $0x100000, s1;
	[bflag:$0x2] =	sbarrier.arrive $0xFFFF  }
0x108: {  	[sflag:s0] =	ssyncadd.tile.s32 @!p0 $0x1;
	_ =	shalt  }
.Lfunc_end2:
_tile_overlayer_lowered:
.L_overlay_start_2:
0x109: {  	(tag) =	ssettag $0x2  }
0x10a: {  	s0 =	rddreg [dreg:$0x0];
	s2 =	stileid.u32  }
0x10b: {  	s1 =	rddreg [dreg:$0x1];
	p0 =	sne.s32 s2, $0x0  }
0x10c: {  	s3 =	rddreg [dreg:$0x2];
	[bflag:$0x3] =	sbarrier.arrive $0xFFFF;
	s2 =	simm.s32 @!p0 $0x1C02  }
0x10d: {  	[timem:s3], [sflag:s2] =	dma.local @!p0 [hbm:s0], s1  }
0x10e: {  	s0 =	simm.s32 @!p0 $0x2  }
0x10f: {  	_ =	swait.ge @!p0 [sflag:s0], s1  }
0x110: {  	s1 =	ssub.s32 @!p0 $0x0, s1;
	[sflag:s0] =	ssyncset.done @!p0 $0x0  }
0x111: {  	[sflag:s0] =	ssyncadd.s32 @!p0 s1  }
0x112: {  	[bflag:$0x3] =	sbarrier.arrive $0xFFFF  }
0x113: {  	_ =	shalt  }

// kernel: sparse-core-data-format-call.cloned.1.call-start
scs
called_computation_lowered:
.L_overlay_start_0:
0x0: {  	s1 =	sld [smem:$0x3FD9]  }
0x1: {  	s2 =	sld [smem:$0x3FFE];
	_ =	sdelay $0x1  }
0x2: {  	s3 =	srdreg.scid  }
0x3: {  	s0 =	sand.u32 $0x1, s3  }
0x4: {  	s17 =	sshll.u32 s0, $0xA;
	s1 =	sadd.s32 s2, s1  }
0x5: {  	s1 =	sadd.s32 s1, s17  }
0x6: {  	[smem:$0x3FC3] =	sst s1  }
0x7: {  	_ = 	snop  }
0x8: {  	(tm) =	ssettm $0x1  }
0x9: {  	s18 =	sld [smem:$0x3FFB];
	_ =	sdelay $0x3  }
0xa: {  	_ =	strace s18  }
0xb: {  	s1 =	sld [smem:$0x3FFC];
	_ =	sdelay $0x3  }
0xc: {  	_ =	strace s1  }
0xd: {  	s1 =	sld [smem:$0x3FFD];
	_ =	sdelay $0x3  }
0xe: {  	_ =	strace s1  }
0xf: {  	_ =	strace $0x8FFFFFFF  }
0x10: {  	s19 =	sld [smem:$0x3FDB];
	_ =	sdelay $0x1  }
0x11: {  	s20 =	simm.s32 $_scs_section_size  }
0x12: {  	s4 =	simm.s32 $_size__tile_overlayer_lowered;
	s5 =	simm.s32 $_tile_overlayer_lowered  }
0x13: {  	s23 =	simm.s32 $0x1BFF;
	s22 =	sshll.u32 s5, $0x1;
	s1 =	sadd.s32 s20, s19  }
0x14: {  	s6 =	simm.s32 $0x0;
	s21 =	sshll.u32 s4, $0x1;
	s4 =	sadd.s32 s22, s1  }
0x15: {  	[timem:s6], [sflag:s23] =	dma.local [hbm:s4], s21  }
0x16: {  	_ =	swait.ge [sflag:s23], s21  }
0x17: {  	s2 =	ssub.s32 $0x0, s21;
	[sflag:s23] =	ssyncset.done $0x0  }
0x18: {  	[sflag:s23] =	ssyncadd.s32 s2;
	_ =	sdelay $0x1  }
0x19: {  	s24 =	simm.s32 $0x1B8B  }
0x1a: {  	_ =	swait.ge [sflag:s24], $0x1  }
0x1b: {  	[sflag:s24] =	ssyncset.done $0x0  }
0x1c: {  	s26 =	simm.s32 $0x1B8E;
	s25 =	sld [smem:$0x3FFE];
	[sflag:s24] =	ssyncadd.s32 $0xFFFFFFFF  }
0x1d: {  	s27 =	simm.s32 $execute0_lowered;
	[smem:$0x3FD2] =	sst s26  }
0x1e: {  	s4 =	sshll.u32 s27, $0x1;
	_ =	strace $0x80000046;
	[dreg:$0x1] =	wrdreg $0xFFFFFFFF  }
0x1f: {  	s28 =	simm.s32 $_size_execute0_lowered;
	s1 =	sadd.s32 s1, s4;
	[dreg:$0x0] =	wrdreg $0x0  }
0x20: {  	s4 =	sshll.u32 s28, $0x1;
	[dreg:$0x2] =	wrdreg s1  }
0x21: {  	[dreg:$0x3] =	wrdreg s4  }
0x22: {  	[dreg:$0x4] =	wrdreg $0xC0  }
0x23: {  	_ =	task [dreg:s6], $0x5FFFF  }
0x24: {  	[dreg:$0x1] =	wrdreg $0xFFFFFFFF  }
0x25: {  	[dreg:$0x0] =	wrdreg $0x60  }
0x26: {  	[dreg:$0x2] =	wrdreg s25  }
0x27: {  	[dreg:$0x3] =	wrdreg $0x9  }
0x28: {  	_ =	task.clear_ibuf [dreg:s6], $0x4FFFF;
	_ =	strace $0x90000046  }
0x29: {  	s29 =	simm.s32 $0x9;
	_ =	strace $0x80000048  }
0x2a: {  	_ =	swait.ge [sflag:s29], $0x1  }
0x2b: {  	[sflag:s29] =	ssyncadd.s32 $0xFFFFFFFF  }
0x2c: {  	_ =	strace $0x90000048  }
0x2d: {  	_ =	sfence  }
0x2e: {  	s30 =	sld [smem:$0x0];
	_ =	sdelay $0x2  }
0x2f: {  	s31 =	sshll.u32 s3, $0xD;
	s3 =	sshrl.u32 s3, $0x2  }
0x30: {  	s2 =	sand.u32 $0x4000, s31;
	s1 =	sadd.s32 s3, s30  }
0x31: {  	s0 =	sor.u32 s2, s0;
	s1 =	sshll.u32 s1, $0x11  }
0x32: {  	s0 =	sor.u32 s1, s0  }
0x33: {  	s0 =	sadd.s32 $0x8F2B, s0  }
0x34: {  	[sflag:s0] =	ssyncadd.remote.s32 $0x1  }
0x35: {  	_ =	sfence.sel $0xFFFF  }
0x36: {  	[dreg:$0x0] =	wrdreg $0xFFFFFFFF;
	(pc) =	sbr.abs _section_cstart, $3  }
0x37: {  	[dreg:$0x1] =	wrdreg $0xFFFFFFFF  }
0x38: {  	_ =	task.clear_ibuf [dreg:s6], $0x2FFFF;
	_ =	strace $0x9FFFFFFF  }
0x39: {  	(tm) =	ssettm $0x7FFFFFFF  }
tec
execute0_lowered:
.L_overlay_start_1:
0x0: {  	(tag) =	ssettag $0x1  }
0x1: {  	s2 =	stileid.u32  }
0x2: {  	s0 =	srdreg.scid;
	s29 =	rddreg [dreg:$0x0];
	_ =	strace $0x80000047  }
0x3: {  	s30 =	simm.s32 $0x1;
	s8 =	simm.s32 $0x2;
	s17 =	simm.s32 $0x0  }
0x4: {  	s11 =	simm.s32 $0x0;
	s1 =	sshll.u32 s2, $0x3;
	s0 =	sshll.u32 s0, $0x7  }
0x5: {  	s18 =	simm.s32 $0x0;
	s12 =	simm.s32 $0x0;
	s0 =	sor.u32 s1, s0  }
0x6: {  	s13 =	simm.s32 $0x0;
	s31 =	sadd.s32 $0x202000, s29;
	s9 =	sand.u32 $0xF0, s0  }
0x7: {  	s10 =	sand.u32 $0x1, s2;
	[dreg:$0x6] =	wrdreg s31;
	s0 =	ssub.s32 $0x2000, s9  }
0x8: {  	s4 =	ssub.s32 $0x2, s10;
	[dreg:$0x3] =	wrdreg s10;
	s5 =	sand.u32 $0xF0, s0  }
0x9: {  	s6 =	sshrl.u32 s4, $0x1;
	p0 =	sne.s32 s5, $0x0;
	s5 =	simm.s32 $0x1  }
0xa: {  	s7 =	sand.u32 $0x1, s4;
	s0 =	sshrl.u32 s0, $0x8;
	s5 =	simm.s32 @!p0 $0x0  }
.Ltmp0:
0xb: {  	s6 =	sadd.s32 s7, s6;
	s0 =	sadd.s32 s5, s0;
	(pc) =	sbr.rel .LBB1_1-.Ltmp0, $4  }
0xc: {  	[dreg:$0x2] =	wrdreg s9;
	s5 =	smul.u32 s6, s0;
	s6 =	sadd.s32 $0x2000, s29  }
0xd: {  	s16 =	simm.s32 $0x0;
	[sflag:s30] =	ssyncpa.u1 $0x0;
	[dreg:$0x5] =	wrdreg s6  }
0xe: {  	[sflag:s8] =	ssyncpa.u1 $0x0;
	s7 =	sadd.s32 $0x1, s5;
	[dreg:$0x4] =	wrdreg s5  }
0xf: {  	s15 =	smov.u32 s10;
	s14 =	smov.u32 s9;
	[dreg:$0x7] =	wrdreg s7  }
.LBB1_7:
0x10: {  	p0 =	slt.u32 s16, $0x2  }
0x11: {  	p1 =	sgt.s32 @!p0 s18, $0x1  }
0x12: {  	s0 =	smov.u32 s18;
	s2 =	smov.u32 s17;
	p1 =	por !p1, p0  }
0x13: {  	s1 =	sshra.s32 @!p0 s18, $0x1F;
	s0 =	simm.s32 @p1 $0x1;
	p1 =	sgt.s32 @!p0 s17, $0x1FF0  }
0x14: {  	s3 =	sshra.s32 @!p0 s17, $0x1F;
	s1 =	sand.u32 @!p0 s1, s18;
	p1 =	por !p1, p0  }
0x15: {  	s3 =	sand.u32 @!p0 s3, s17;
	s1 =	sxor.u32 @!p0 $0xFFFFFFFF, s1;
	s2 =	simm.s32 @p1 $0x1FF0  }
0x16: {  	s0 =	sadd.s32 @!p0 s1, s0;
	s1 =	ssub.s32 @!p0 s2, s3  }
0x17: {  	p1 =	sgt.s32 @!p0 s0, $0x0;
	s0 =	sshll.u32 @!p0 s0, $0x9;
	s2 =	sadd.s32 @!p0 $0xFFFFE010, s1  }
0x18: {  	s0 =	ssub.s32 @!p0 $0x200, s0;
	p2 =	sgt.s32 @!p0 s2, $0xF  }
0x19: {  	p1 =	por !p1, p0;
	s1 =	ssub.s32 @!p0 $0x2000, s1;
	p2 =	por !p2, p0  }
0x1a: {  	s0 =	simm.s32 @!p1 $0x0;
	s1 =	simm.s32 @!p2 $0x0  }
0x1b: {  	s0 =	smul.u32 @!p0 s1, s0;
	s1 =	sadd.s32 $0x100, s14  }
0x1c: {  	s4 =	smov.u32 s15;
	s3 =	sadd.s32 $0x2, s15;
	p1 =	sgt.s32 s1, $0x1FFF  }
0x1d: {  	s4 =	smov.u32 @p1 s3  }
0x1e: {  	s1 =	smov.u32 @p1 s9;
	p1 =	sgt.s32 s4, $0x1  }
0x1f: {  	s4 =	smov.u32 @p1 s10;
	p1 =	sne.s32 s16, s7  }
.Ltmp1:
0x20: {  	s11 =	sadd.s32 $0x8000, s11;
	s18 =	smov.u32 s13;
	(pc) =	sbr.rel @!p1 .LBB1_8-.Ltmp1, $4  }
0x21: {  	s13 =	smov.u32 s15;
	s2 =	simm.s32 @!p0 $0x2;
	s0 =	sand.u32 @!p0 $0x3FFFFE00, s0  }
0x22: {  	s17 =	smov.u32 s12;
	s12 =	smov.u32 s14;
	_ =	swait.ge @!p0 [sflag:s2], s0  }
0x23: {  	s0 =	ssub.s32 @!p0 $0x0, s0;
	s14 =	smov.u32 s1;
	[sflag:s2] =	ssyncset.done @!p0 $0x0  }
0x24: {  	s16 =	sadd.s32 $0x1, s16;
	[sflag:s2] =	ssyncadd.s32 @!p0 s0;
	s15 =	smov.u32 s4  }
.LBB1_1:
0x25: {  	p0 =	sge.u32 s16, s5  }
0x26: {  	s31 =	sadd.s32 $0xFFFFFFFF, s16;
	s0 =	sxor.u32 @!p0 $0xFFFFFFFF, s16;
	s1 =	sshll.u32 @!p0 s15, $0x14  }
0x27: {  	s19 =	sshll.u32 @!p0 s14, $0x7;
	s1 =	sadd.s32 @!p0 s6, s1;
	s0 =	sshll.u32 @!p0 s0, $0xE  }
0x28: {  	s1 =	sadd.s32 @!p0 s19, s1;
	s0 =	sand.u32 @!p0 $0x4000, s0;
	s19 =	simm.s32 @!p0 $0x0  }
0x29: {  	[tilespmem:s0], [sflag:$0x1] =	stream.linear.gather @!p0 [hbm4b:s1+s19], $0x4000, $0x38;
	[tilespmem:$0x10000] =	vst v63  }
0x2a: {  	p0 =	sge.u32 s31, s5  }
.Ltmp2:
0x2b: {  	_ = 	snop;
	(pc) =	sbr.rel @p0 .LBB1_7-.Ltmp2, $1  }
0x2c: {  	_ =	sdelay $0x3  }
0x2d: {  	s0 =	sshll.u32 s11, $0x1;
	s2 =	simm.s32 $0x1;
	s1 =	sshll.u32 s16, $0xE  }
0x2e: {  	s24 =	simm.s32 $0x0;
	s22 =	simm.s32 $0x0;
	s23 =	simm.s32 $0x0  }
0x2f: {  	s0 =	sand.u32 $0x10000, s0;
	_ =	swait.ge [sflag:s2], $0x4000;
	s20 =	sand.u32 $0x4000, s1  }
0x30: {  	[sflag:s2] =	ssyncset.done $0x0;
	s0 =	sshrl.u32 s0, $0x2;
	s1 =	sor.u32 $0x8000, s20  }
0x31: {  	[sflag:s2] =	ssyncadd.s32 $0xFFFFC000;
	[dreg:$0x8] =	wrdreg s1;
	s21 =	sadd.s32 $0xA000, s0  }
.LBB1_3:
0x32: {  	s0 =	sshll.u32 s24, $0xA;
	s26 =	simm.s32 $0x0  }
0x33: {  	s27 =	sadd.s32 s0, s20;
	s4 =	sand.u32 $0x200, s26;
	s1 =	sand.u32 $0x180, s26  }
0x34: {  	s28 =	sadd.s32 $0x400, s27;
	s29 =	sadd.s32 s4, s27;
	s25 =	sor.u32 $0x70, s1  }
0x35: {  	s0 =	sadd.s32 s4, s28;
	s30 =	sadd.s32 s25, s29  }
0x36: {  	v0 =	vld [tilespmem:s30+$0x0];
	s25 =	sadd.s32 s25, s0  }
0x37: {  	s30 =	sadd.s32 s1, s29;
	v1 =	vld [tilespmem:s25+$0x0]  }
0x38: {  	s9 =	sand.u32 $0x3, s22;
	s31 =	sor.u32 $0x10, s1;
	v2 =	vld [tilespmem:s30+$0x0];
	s30 =	sadd.s32 s1, s0  }
0x39: {  	s5 =	sshll.u32 s23, $0x1;
	s9 =	sshll.u32 s9, $0x9;
	s10 =	sadd.s32 s31, s29;
	v3 =	vld [tilespmem:s30+$0x0]  }
0x3a: {  	s31 =	sadd.s32 s31, s0;
	v4 =	vld [tilespmem:s10+$0x0];
	s25 =	sand.u32 $0xFFFFC000, s5;
	s30 =	sor.u32 $0x20, s1  }
0x3b: {  	v6 =	vld [tilespmem:s31+$0x0];
	s9 =	sor.u32 s9, s25;
	s6 =	sadd.s32 s30, s29;
	v5 =	vunpack.i.l.s16.s32 v0  }
0x3c: {  	s31 =	sor.u32 $0x30, s1;
	s9 =	sshrl.u32 s9, $0x2;
	s30 =	sadd.s32 s30, s0;
	v8 =	vld [tilespmem:s6+$0x0];
	v0 =	vunpack.i.u.s16.s32 v0;
	v7 =	vunpack.i.u.s16.s32 v1;
	v1 =	vunpack.i.l.s16.s32 v1  }
0x3d: {  	s7 =	sadd.s32 s31, s29;
	s25 =	sadd.s32 s9, s21;
	v9 =	vunpack.i.u.s16.s32 v2;
	v10 =	vunpack.i.l.s16.s32 v2;
	v2 =	vld [tilespmem:s30+$0x0];
	v7 =	vpack.i.b32.b16 v7, v0  }
0x3e: {  	s8 =	sor.u32 $0x40, s1;
	s30 =	sadd.s32 s31, s0;
	v11 =	vunpack.i.u.s16.s32 v3;
	v3 =	vunpack.i.l.s16.s32 v3;
	v0 =	vld [tilespmem:s7+$0x0];
	v1 =	vpack.i.b32.b16 v1, v5;
	[tilespmem:s25+$0x70] =	vst v7  }
0x3f: {  	s19 =	sor.u32 $0x50, s1;
	s31 =	sadd.s32 s8, s29;
	v5 =	vunpack.i.u.s16.s32 v4;
	v4 =	vunpack.i.l.s16.s32 v4;
	v7 =	vpack.i.b32.b16 v3, v10;
	v3 =	vld [tilespmem:s30+$0x0];
	[tilespmem:s25+$0xFFFFE070] =	vst v1  }
0x40: {  	s10 =	sadd.s32 s8, s0;
	s7 =	sor.u32 $0x60, s1;
	s1 =	sadd.s32 s19, s29;
	v9 =	vpack.i.b32.b16 v11, v9;
	v1 =	vld [tilespmem:s31+$0x0];
	[tilespmem:s25+$0xFFFFE000] =	vst v7;
	v7 =	vunpack.i.u.s16.s32 v6;
	v6 =	vunpack.i.l.s16.s32 v6  }
0x41: {  	s31 =	sadd.s32 s19, s0;
	s30 =	sadd.s32 s7, s29;
	s29 =	sadd.s32 s7, s0;
	[tilespmem:s25+$0x0] =	vst v9;
	v9 =	vpack.i.b32.b16 v6, v4;
	v6 =	vunpack.i.u.s16.s32 v8;
	v8 =	vunpack.i.l.s16.s32 v8;
	v4 =	vld [tilespmem:s10+$0x0]  }
.LBB1_4:
0x42: {  	s26 =	sadd.s32 $0x80, s26;
	[tilespmem:s25+$0xFFFFE010] =	vst v9;
	v5 =	vpack.i.b32.b16 v7, v5;
	v7 =	vunpack.i.u.s16.s32 v2;
	v2 =	vunpack.i.l.s16.s32 v2;
	v9 =	vld [tilespmem:s1+$0x0]  }
0x43: {  	s1 =	sand.u32 $0x200, s26;
	s7 =	sand.u32 $0x180, s26;
	p0 =	slt.u32 s26, $0x380;
	[tilespmem:s25+$0x10] =	vst v5;
	v2 =	vpack.i.b32.b16 v2, v8;
	v5 =	vunpack.i.u.s16.s32 v0;
	v0 =	vunpack.i.l.s16.s32 v0;
	v8 =	vld [tilespmem:s31+$0x0]  }
0x44: {  	s0 =	sadd.s32 s1, s27;
	s9 =	sor.u32 $0x10, s7;
	s10 =	sor.u32 $0x70, s7;
	[tilespmem:s25+$0xFFFFE020] =	vst v2;
	v2 =	vpack.i.b32.b16 v7, v6;
	v6 =	vunpack.i.u.s16.s32 v3;
	v3 =	vunpack.i.l.s16.s32 v3;
	v7 =	vld [tilespmem:s30+$0x0]  }
0x45: {  	s4 =	sadd.s32 s1, s28;
	s1 =	sor.u32 $0x20, s7;
	s30 =	sadd.s32 s10, s0;
	[tilespmem:s25+$0x20] =	vst v2;
	v0 =	vpack.i.b32.b16 v3, v0;
	v2 =	vunpack.i.u.s16.s32 v1;
	v1 =	vunpack.i.l.s16.s32 v1;
	v3 =	vld [tilespmem:s29+$0x0]  }
0x46: {  	s31 =	sor.u32 $0x40, s7;
	s29 =	sor.u32 $0x30, s7;
	s10 =	sadd.s32 s10, s4;
	v10 =	vld [tilespmem:s30+$0x0];
	[tilespmem:s25+$0xFFFFE030] =	vst v0;
	v0 =	vpack.i.b32.b16 v6, v5;
	v5 =	vunpack.i.u.s16.s32 v4;
	v4 =	vunpack.i.l.s16.s32 v4  }
0x47: {  	s6 =	sor.u32 $0x50, s7;
	s8 =	sor.u32 $0x60, s7;
	s30 =	sadd.s32 s7, s0;
	v6 =	vld [tilespmem:s10+$0x0];
	[tilespmem:s25+$0x30] =	vst v0;
	v0 =	vpack.i.b32.b16 v4, v1;
	v1 =	vunpack.i.u.s16.s32 v9;
	v4 =	vunpack.i.l.s16.s32 v9  }
0x48: {  	s7 =	sadd.s32 s7, s4;
	s10 =	sadd.s32 s9, s0;
	s9 =	sadd.s32 s9, s4;
	v9 =	vld [tilespmem:s30+$0x0];
	[tilespmem:s25+$0xFFFFE040] =	vst v0;
	v0 =	vpack.i.b32.b16 v5, v2;
	v2 =	vunpack.i.u.s16.s32 v8;
	v5 =	vunpack.i.l.s16.s32 v8  }
0x49: {  	s2 =	sadd.s32 s1, s4;
	s3 =	sadd.s32 s29, s0;
	v8 =	vld [tilespmem:s7+$0x0];
	s7 =	sadd.s32 s1, s0;
	[tilespmem:s25+$0x40] =	vst v0;
	v0 =	vpack.i.b32.b16 v5, v4;
	v4 =	vunpack.i.u.s16.s32 v7;
	v5 =	vunpack.i.l.s16.s32 v7  }
0x4a: {  	s19 =	sadd.s32 s31, s0;
	s5 =	sadd.s32 s31, s4;
	v7 =	vld [tilespmem:s10+$0x0];
	s10 =	sadd.s32 s29, s4;
	[tilespmem:s25+$0xFFFFE050] =	vst v0;
	v0 =	vpack.i.b32.b16 v2, v1;
	v1 =	vunpack.i.u.s16.s32 v3;
	v2 =	vunpack.i.l.s16.s32 v3  }
0x4b: {  	s31 =	sadd.s32 s6, s4;
	s30 =	sadd.s32 s8, s0;
	s1 =	sadd.s32 s6, s0;
	v11 =	vld [tilespmem:s9+$0x0];
	v3 =	vunpack.i.l.s16.s32 v10;
	[tilespmem:s25+$0x50] =	vst v0;
	v0 =	vpack.i.b32.b16 v2, v5;
	v1 =	vpack.i.b32.b16 v1, v4  }
0x4c: {  	s29 =	sadd.s32 s8, s4;
	v5 =	vunpack.i.u.s16.s32 v10;
	v4 =	vld [tilespmem:s7+$0x0];
	v10 =	vunpack.i.u.s16.s32 v6;
	v6 =	vunpack.i.l.s16.s32 v6;
	[tilespmem:s25+$0xFFFFE060] =	vst v0  }
.Ltmp3:
0x4d: {  	v12 =	vunpack.i.u.s16.s32 v9;
	v9 =	vunpack.i.l.s16.s32 v9;
	v2 =	vld [tilespmem:s2+$0x0];
	v5 =	vpack.i.b32.b16 v10, v5;
	[tilespmem:s25+$0x60] =	vst v1;
	s25 =	sadd.s32 $0x200, s25;
	(pc) =	sbr.rel @p0 .LBB1_4-.Ltmp3, $4  }
0x4e: {  	v6 =	vpack.i.b32.b16 v6, v3;
	v1 =	vunpack.i.u.s16.s32 v8;
	v8 =	vunpack.i.l.s16.s32 v8;
	v0 =	vld [tilespmem:s3+$0x0];
	[tilespmem:s25+$0x70] =	vst v5  }
0x4f: {  	v8 =	vpack.i.b32.b16 v8, v9;
	v5 =	vunpack.i.u.s16.s32 v7;
	v9 =	vunpack.i.l.s16.s32 v7;
	v3 =	vld [tilespmem:s10+$0x0];
	[tilespmem:s25+$0xFFFFE070] =	vst v6  }
0x50: {  	v6 =	vpack.i.b32.b16 v1, v12;
	[tilespmem:s25+$0xFFFFE000] =	vst v8;
	v7 =	vunpack.i.u.s16.s32 v11;
	v8 =	vunpack.i.l.s16.s32 v11;
	v1 =	vld [tilespmem:s19+$0x0]  }
0x51: {  	[tilespmem:s25+$0x0] =	vst v6;
	v9 =	vpack.i.b32.b16 v8, v9;
	v6 =	vunpack.i.u.s16.s32 v4;
	v8 =	vunpack.i.l.s16.s32 v4;
	v4 =	vld [tilespmem:s5+$0x0]  }
0x52: {  	[tilespmem:s25+$0xFFFFE010] =	vst v9;
	v5 =	vpack.i.b32.b16 v7, v5;
	v34 =	vunpack.i.l.s16.s32 v2;
	v35 =	vld [tilespmem:s1+$0x0]  }
0x53: {  	v36 =	vunpack.i.u.s16.s32 v2;
	v38 =	vld [tilespmem:s31+$0x0];
	[tilespmem:s25+$0x10] =	vst v5;
	v37 =	vpack.i.b32.b16 v34, v8  }
0x54: {  	v41 =	vld [tilespmem:s30+$0x0];
	v39 =	vunpack.i.l.s16.s32 v0;
	v2 =	vpack.i.b32.b16 v36, v6;
	[tilespmem:s25+$0xFFFFE020] =	vst v37;
	v40 =	vunpack.i.l.s16.s32 v3  }
0x55: {  	v45 =	vld [tilespmem:s29+$0x0];
	v42 =	vunpack.i.u.s16.s32 v0;
	v43 =	vunpack.i.u.s16.s32 v3;
	[tilespmem:s25+$0x20] =	vst v2;
	v44 =	vpack.i.b32.b16 v40, v39  }
0x56: {  	v46 =	vunpack.i.l.s16.s32 v1;
	v0 =	vpack.i.b32.b16 v43, v42;
	[tilespmem:s25+$0xFFFFE030] =	vst v44;
	v47 =	vunpack.i.l.s16.s32 v4  }
0x57: {  	v48 =	vunpack.i.u.s16.s32 v1;
	v49 =	vunpack.i.u.s16.s32 v4;
	[tilespmem:s25+$0x30] =	vst v0;
	v50 =	vpack.i.b32.b16 v47, v46  }
0x58: {  	p0 =	slt.u32 s24, $0xE;
	v51 =	vunpack.i.l.s16.s32 v35;
	v52 =	vpack.i.b32.b16 v49, v48;
	v53 =	vunpack.i.l.s16.s32 v38;
	[tilespmem:s25+$0xFFFFE040] =	vst v50  }
.Ltmp4:
0x59: {  	v54 =	vunpack.i.u.s16.s32 v35;
	v55 =	vunpack.i.u.s16.s32 v38;
	[tilespmem:s25+$0x40] =	vst v52;
	v56 =	vpack.i.b32.b16 v53, v51;
	(pc) =	sbr.rel @p0 .LBB1_3-.Ltmp4, $4  }
0x5a: {  	v57 =	vunpack.i.l.s16.s32 v41;
	v59 =	vunpack.i.l.s16.s32 v45;
	v58 =	vpack.i.b32.b16 v55, v54;
	[tilespmem:s25+$0xFFFFE050] =	vst v56  }
0x5b: {  	v60 =	vunpack.i.u.s16.s32 v41;
	v61 =	vunpack.i.u.s16.s32 v45;
	v62 =	vpack.i.b32.b16 v59, v57;
	[tilespmem:s25+$0x50] =	vst v58  }
0x5c: {  	s0 =	sadd.s32 $0x2, s24;
	v63 =	vpack.i.b32.b16 v61, v60;
	[tilespmem:s25+$0xFFFFE060] =	vst v62  }
0x5d: {  	s23 =	sadd.s32 $0x800, s23;
	s22 =	sadd.s32 $0x1, s22;
	s24 =	smov.u32 s0;
	[tilespmem:s25+$0x60] =	vst v63  }
0x5e: {  	p0 =	sgt.s32 s13, $0x1;
	s0 =	smov.u32 s13  }
0x5f: {  	s1 =	sshra.s32 s13, $0x1F;
	s2 =	smov.u32 s12;
	s4 =	rddreg [dreg:$0x6]  }
0x60: {  	s3 =	sshra.s32 s12, $0x1F;
	s26 =	sshll.u32 s13, $0x13;
	s31 =	rddreg [dreg:$0x8]  }
0x61: {  	s27 =	sshll.u32 s12, $0x6;
	s28 =	sshll.u32 s12, $0x3;
	s9 =	rddreg [dreg:$0x2]  }
0x62: {  	s29 =	simm.s32 $0x2000;
	s30 =	simm.s32 $0x800000;
	s10 =	rddreg [dreg:$0x3]  }
0x63: {  	s0 =	simm.s32 @!p0 $0x1;
	s1 =	sand.u32 s1, s13;
	p0 =	sgt.s32 s12, $0x1FF0  }
0x64: {  	s3 =	sand.u32 s3, s12;
	s1 =	sxor.u32 $0xFFFFFFFF, s1;
	s2 =	simm.s32 @!p0 $0x1FF0  }
0x65: {  	s5 =	rddreg [dreg:$0x4];
	s0 =	sadd.s32 s1, s0;
	s25 =	ssub.s32 s2, s3  }
0x66: {  	p0 =	sgt.s32 s0, $0x0;
	s2 =	sadd.s32 $0xFFFFE010, s25;
	s0 =	sshll.u32 s0, $0x9  }
0x67: {  	s1 =	ssub.s32 $0x2000, s25;
	p1 =	sgt.s32 s2, $0xF;
	s0 =	ssub.s32 $0x200, s0  }
.Ltmp5:
0x68: {  	s1 =	simm.s32 @p1 $0x0;
	s0 =	simm.s32 @p0 $0x0;
	(pc) =	sbr.rel .LBB1_7-.Ltmp5, $4  }
0x69: {  	s2 =	sand.u32 $0x7FE00, s27;
	s0 =	smul.u32 s1, s0;
	s1 =	sadd.s32 s4, s26  }
0x6a: {  	s6 =	rddreg [dreg:$0x5];
	s3 =	sand.u32 $0x30, s28;
	s1 =	sadd.s32 s2, s1  }
0x6b: {  	s7 =	rddreg [dreg:$0x7];
	s0 =	sand.u32 $0x3FFFFE00, s0;
	s1 =	sadd.s32 s3, s1  }
0x6c: {  	[hbm4b:s1+s29] =	stream.strided.scatter [tilespmem:s31], [sflag:$0x2], s0, s30, s29, $0x38;
	[tilespmem:$0x10000] =	vst v63  }
.LBB1_8:
0x6d: {  	_ =	sfence.sel $0x180000  }
0x6e: {  	s0 =	simm.s32 $0x1;
	[bflag:$0x0] =	sbarrier.arrive $0xFFFF  }
0x6f: {  	s30 =	simm.s32 $0x2;
	[sflag:s0] =	ssyncpa.u1 $0x1  }
0x70: {  	[sflag:s30] =	ssyncpa.u1 $0x1  }
0x71: {  	_ =	strace $0x90000047  }
0x72: {  	s31 =	stileid.u32;
	[bflag:$0x2] =	sbarrier.arrive $0xFFFF  }
0x73: {  	p0 =	sne.s32 s31, $0x0;
	s0 =	rddreg [dreg:$0x1]  }
0x74: {  	s0 =	sadd.s32 @!p0 $0x100000, s0  }
0x75: {  	[sflag:s0] =	ssyncadd.tile.s32 @!p0 $0x1;
	_ =	shalt  }
.Lfunc_end1:
_tile_overlayer_lowered:
.L_overlay_start_2:
0x76: {  	(tag) =	ssettag $0x2  }
0x77: {  	s0 =	rddreg [dreg:$0x0];
	s2 =	stileid.u32  }
0x78: {  	s1 =	rddreg [dreg:$0x1];
	p0 =	sne.s32 s2, $0x0  }
0x79: {  	s3 =	rddreg [dreg:$0x2];
	[bflag:$0x3] =	sbarrier.arrive $0xFFFF;
	s2 =	simm.s32 @!p0 $0x1C01  }
0x7a: {  	[timem:s3], [sflag:s2] =	dma.local @!p0 [hbm:s0], s1  }
0x7b: {  	s0 =	simm.s32 @!p0 $0x1  }
0x7c: {  	_ =	swait.ge @!p0 [sflag:s0], s1  }
0x7d: {  	s1 =	ssub.s32 @!p0 $0x0, s1;
	[sflag:s0] =	ssyncset.done @!p0 $0x0  }
0x7e: {  	[sflag:s0] =	ssyncadd.s32 @!p0 s1  }
0x7f: {  	[bflag:$0x3] =	sbarrier.arrive $0xFFFF  }
0x80: {  	_ =	shalt  }

</sc_bundles>
